<compile_context>
chip_gen: v7x
topology: tpu7x:2x2x1
jax: 0.10.2.dev20260603
libtpu: 0.0.44.dev20260713+nightly
codegen_flags: <defaults>
</compile_context>

<pallas_src>
import functools

import jax
import jax.numpy as jnp
from jax import lax
from jax.experimental import pallas as pl
from jax.experimental.pallas import tpu as pltpu
from jax.experimental.pallas import tpu_sc as plsc

_L = 16


def _body(x_hbm, prev_hbm, w_hbm, out_hbm,
          prev0_v, prev1_v, x0_v, x1_v, w0_v, w1_v, s_v, o0_v, o1_v,
          idx0_v, idx1_v, hist1_v, hist2_v,
          semp, semx, semw, semo,
          *, rows_per_w, nv, cfull, crem, k_drop):
    prev_b = (prev0_v, prev1_v)
    x_b = (x0_v, x1_v)
    w_b = (w0_v, w1_v)
    o_b = (o0_v, o1_v)
    idx_b = (idx0_v, idx1_v)
    lanes = jnp.arange(_L, dtype=jnp.int32)
    ones = jnp.ones((_L,), jnp.int32)
    c15 = jnp.full((_L,), _L - 1, jnp.int32)
    _dn = lax.GatherDimensionNumbers(
        offset_dims=(), collapsed_slice_dims=(0,), start_index_map=(0,))

    def take16(v, idx):
        return lax.gather(v, idx[:, None], _dn, (1,),
                          mode=lax.GatherScatterMode.PROMISE_IN_BOUNDS)
    ninf = jnp.full((_L,), -jnp.inf, jnp.float32)
    C = cfull * _L + crem
    BIGI = jnp.int32(1 << 20)

    wid = lax.axis_index("s") * 2 + lax.axis_index("c")
    base = wid * rows_per_w

    def scan_top(hist_ref, j_start, k_need):
        def cond(c):
            j, acc, found, p, kr, hf = c
            return jnp.logical_not(found) & (j >= 0)

        def body(c):
            j, acc, found, p, kr, hf = c
            h = hist_ref[pl.ds(j * _L, _L)]
            pre = plsc.cumsum(h)
            tot = take16(pre, c15)
            S = (acc + tot) - pre + h
            found_vec = (acc + tot) >= kr
            found_now = jnp.any(found_vec)
            mask = S >= kr
            i = jnp.maximum(plsc.all_reduce_population_count(mask) - 1, 0)
            S_at = take16(S, i)
            h_at = take16(h, i)
            p_new = j * _L + i
            kr_new = kr - (S_at - h_at)
            return (j - 1, acc + tot, found_now,
                    jnp.where(found_now, p_new, p),
                    jnp.where(found_now, kr_new, kr),
                    jnp.where(found_now, h_at, hf))

        init = (j_start, jnp.zeros((_L,), jnp.int32), jnp.bool_(False),
                jnp.zeros((_L,), jnp.int32), k_need,
                jnp.zeros((_L,), jnp.int32))
        _, _, _, p, kr, hf = lax.while_loop(cond, body, init)
        return p, kr, hf

    def clr1(j):
        hist1_v[pl.ds(j * _L, _L)] = jnp.zeros((_L,), jnp.int32)

    def clr2(j):
        hist2_v[pl.ds(j * _L, _L)] = jnp.zeros((_L,), jnp.int32)

    nsweep = cfull + (1 if crem else 0)

    def top2_issue(r, b):
        prow = prev_b[b]

        def t2(j, c):
            a1, a2 = c
            v = prow[pl.ds(j * _L, _L)]
            a2 = jnp.maximum(a2, jnp.minimum(a1, v))
            a1 = jnp.maximum(a1, v)
            return a1, a2

        a1, a2 = plsc.parallel_loop(0, cfull, carry=(ninf, ninf), unroll=8)(t2)
        if crem:
            vt = prow[pl.ds(C - _L, _L)]
            vt = jnp.where(lanes >= (_L - crem), vt, ninf)
            a2 = jnp.maximum(a2, jnp.minimum(a1, vt))
            a1 = jnp.maximum(a1, vt)
        m1 = jnp.max(a1)
        f1 = jnp.max(plsc.all_reduce_ffs(a1 == m1))
        a1x = jnp.where(lanes == f1, ninf, a1)
        m2 = jnp.maximum(jnp.max(a1x), jnp.max(a2))

        BIGV = jnp.full((_L,), 1 << 20, jnp.int32)

        def bodyf(j, c):
            b1, b2, c1 = c
            off = jnp.where(j < cfull, j * _L, C - _L)
            lo = jnp.where(j < cfull, 0, _L - crem)
            v = prow[pl.ds(off, _L)]
            iv = lanes + off
            inb = lanes >= lo
            cand = jnp.where((v == m1) & inb, iv, BIGI)
            b2 = jnp.minimum(b2, jnp.maximum(b1, cand))
            b1 = jnp.minimum(b1, cand)
            c1 = jnp.minimum(c1, jnp.where((v == m2) & inb, iv, BIGI))
            return b1, b2, c1

        b1, b2, c1 = plsc.parallel_loop(
            0, nsweep, carry=(BIGV, BIGV, BIGV), unroll=4)(bodyf)
        i1 = jnp.min(b1)
        fb = jnp.max(plsc.all_reduce_ffs(b1 == i1))
        b1x = jnp.where(lanes == fb, BIGI, b1)
        i1b = jnp.minimum(jnp.min(b1x), jnp.min(b2))
        i2 = jnp.where(m2 == m1, i1b, jnp.min(c1))
        iv2 = jnp.where(lanes == 0, i1, i2)
        plsc.store_scatter(idx_b[b], [lanes], iv2, mask=lanes < 2)
        pltpu.async_copy(w_hbm.at[idx_b[b]], w_b[b], semw)
        pltpu.async_copy(x_hbm.at[r], x_b[b], semx)

    def compute_row(r, b):
        xrow, wrow, orow = x_b[b], w_b[b], o_b[b]
        plsc.parallel_loop(0, hist1_v.shape[0] // _L, unroll=8)(clr1)
        plsc.parallel_loop(0, hist2_v.shape[0] // _L, unroll=8)(clr2)
        pltpu.make_async_copy(x_hbm.at[r], xrow, semx).wait()
        pltpu.make_async_copy(w_hbm.at[idx_b[b]], wrow, semw).wait()

        def sc_pass(j, bkmax):
            off = j * _L
            xv = xrow[pl.ds(off, _L)]
            dv = wrow[0, pl.ds(off, _L)] - wrow[1, pl.ds(off, _L)]
            s = jnp.abs(xv * dv)
            s_v[pl.ds(off, _L)] = s
            bits = plsc.bitcast(s, jnp.uint32)
            bk = (bits >> 20).astype(jnp.int32)
            plsc.addupdate_scatter(hist1_v, [bk], ones)
            return jnp.maximum(bkmax, bk)

        bkmax = plsc.parallel_loop(
            0, nv, carry=jnp.zeros((_L,), jnp.int32), unroll=8)(sc_pass)
        p1, k1, _ = scan_top(hist1_v, jnp.max(bkmax) >> 4,
                             jnp.full((_L,), k_drop, jnp.int32))
        p1u = p1.astype(jnp.uint32)

        def l2_pass(j, bkmax):
            s = s_v[pl.ds(j * _L, _L)]
            bits = plsc.bitcast(s, jnp.uint32)
            m = (bits >> 20) == p1u
            bk = ((bits >> 10) & jnp.uint32(1023)).astype(jnp.int32)
            plsc.addupdate_scatter(hist2_v, [bk], ones, mask=m)
            return jnp.maximum(bkmax, jnp.where(m, bk, 0))

        bkmax = plsc.parallel_loop(
            0, nv, carry=jnp.zeros((_L,), jnp.int32), unroll=8)(l2_pass)
        p2, k2, _ = scan_top(hist2_v, jnp.max(bkmax) >> 4, k1)
        pfx2 = (p1u << jnp.uint32(10)) | p2.astype(jnp.uint32)

        plsc.parallel_loop(0, hist2_v.shape[0] // _L, unroll=8)(clr2)

        def l3_pass(j, bkmax):
            s = s_v[pl.ds(j * _L, _L)]
            bits = plsc.bitcast(s, jnp.uint32)
            m = (bits >> 10) == pfx2
            bk = (bits & jnp.uint32(1023)).astype(jnp.int32)
            plsc.addupdate_scatter(hist2_v, [bk], ones, mask=m)
            return jnp.maximum(bkmax, jnp.where(m, bk, 0))

        bkmax = plsc.parallel_loop(
            0, nv, carry=jnp.zeros((_L,), jnp.int32), unroll=8)(l3_pass)
        p3, k3, h3 = scan_top(hist2_v, jnp.max(bkmax) >> 4, k2)
        thr = (pfx2 << jnp.uint32(10)) | p3.astype(jnp.uint32)

        @pl.when(r - base >= 2)
        def _():
            pltpu.make_async_copy(orow, out_hbm.at[r - 2], semo).wait()

        no_ties = jnp.any(h3 == k3)

        @pl.when(no_ties)
        def _():
            def ap(j):
                off = j * _L
                s = s_v[pl.ds(off, _L)]
                bits = plsc.bitcast(s, jnp.uint32)
                xv = xrow[pl.ds(off, _L)]
                orow[pl.ds(off, _L)] = jnp.where(bits < thr, xv,
                                                 jnp.float32(0))

            plsc.parallel_loop(0, nv, unroll=8)(ap)

        @pl.when(jnp.logical_not(no_ties))
        def _():
            def ap_tie(j, cnt):
                off = j * _L
                s = s_v[pl.ds(off, _L)]
                bits = plsc.bitcast(s, jnp.uint32)
                xv = xrow[pl.ds(off, _L)]
                eq = bits == thr
                pre = plsc.cumsum(eq.astype(jnp.int32)) + cnt
                drop = (bits > thr) | (eq & (pre <= k3))
                orow[pl.ds(off, _L)] = jnp.where(drop, jnp.float32(0), xv)
                return take16(pre, c15)

            lax.fori_loop(0, nv, ap_tie, jnp.zeros((_L,), jnp.int32))
        pltpu.async_copy(orow, out_hbm.at[r], semo)

    pltpu.sync_copy(prev_hbm.at[base], prev0_v)
    top2_issue(base, 0)
    pltpu.async_copy(prev_hbm.at[base + 1], prev1_v, semp)

    def outer(ro, _):
        for b in (0, 1):
            r = base + 2 * ro + b
            bn = 1 - b

            @pl.when(r - base < rows_per_w - 1)
            def _():
                pltpu.make_async_copy(prev_hbm.at[r + 1], prev_b[bn],
                                      semp).wait()
                top2_issue(r + 1, bn)

            @pl.when(r - base < rows_per_w - 2)
            def _():
                pltpu.async_copy(prev_hbm.at[r + 2], prev_b[b], semp)

            compute_row(r, b)
        return 0

    lax.fori_loop(0, rows_per_w // 2, outer, 0)

    pltpu.make_async_copy(o0_v, out_hbm.at[base + rows_per_w - 2],
                          semo).wait()
    pltpu.make_async_copy(o1_v, out_hbm.at[base + rows_per_w - 1],
                          semo).wait()


@jax.jit
def kernel(x, prev_output, weight_matrix):
    B, D = x.shape
    C = prev_output.shape[1]
    nw = 32
    rows_per_w = B // nw
    k_drop = int(D * 0.2)
    mesh = plsc.VectorSubcoreMesh(core_axis_name="c", subcore_axis_name="s")
    body = functools.partial(
        _body, rows_per_w=rows_per_w, nv=D // _L, cfull=C // _L, crem=C % _L,
        k_drop=k_drop)
    f = pl.kernel(
        body,
        out_type=jax.ShapeDtypeStruct((B, D), jnp.float32),
        mesh=mesh,
        compiler_params=pltpu.CompilerParams(needs_layout_passes=False),
        scratch_types=[
            pltpu.VMEM((C,), jnp.float32),
            pltpu.VMEM((C,), jnp.float32),
            pltpu.VMEM((D,), jnp.float32),
            pltpu.VMEM((D,), jnp.float32),
            pltpu.VMEM((2, D), jnp.float32),
            pltpu.VMEM((2, D), jnp.float32),
            pltpu.VMEM((D,), jnp.float32),
            pltpu.VMEM((D,), jnp.float32),
            pltpu.VMEM((D,), jnp.float32),
            pltpu.VMEM((2,), jnp.int32),
            pltpu.VMEM((2,), jnp.int32),
            pltpu.VMEM((2048,), jnp.int32),
            pltpu.VMEM((1024,), jnp.int32),
            pltpu.SemaphoreType.DMA,
            pltpu.SemaphoreType.DMA,
            pltpu.SemaphoreType.DMA,
            pltpu.SemaphoreType.DMA,
        ],
    )
    return f(x, prev_output, weight_matrix)

# --- scband reference (transcript-rebuilt; emitter-appended) ---
"""Pipeline reference for scband-confusion-dropout-52407190946399 (READ-ONLY COPY).

The authoritative reference and input builder live on the scoring server;
editing this copy changes nothing except your own understanding.
"""

import jax, jax.numpy as jnp
import numpy as np

DROP_PERCENT = 0.2
B, D, NUM_CLASSES = 4096, 4096, 1000


def setup_inputs(seed: int = 0) -> dict:
    key = jax.random.key(seed)
    k1, k2, k3 = jax.random.split(key, 3)
    x = jax.random.normal(k1, (B, D), dtype=jnp.float32)
    # module state: prev_output (logits from previous forward pass) and weight_matrix
    # (classifier weight rows indexed by class), required for the masking path
    prev_output = jax.random.normal(k2, (B, NUM_CLASSES), dtype=jnp.float32)
    weight_matrix = jax.random.normal(k3, (NUM_CLASSES, D), dtype=jnp.float32)
    return {"x": x, "prev_output": prev_output, "weight_matrix": weight_matrix}


def reference(x, prev_output, weight_matrix):
    # training-mode path with prev_output set (the interesting/engaged branch)
    # top-2 predicted classes per row
    _, top_ind = jax.lax.top_k(prev_output, 2)  # [B, 2]
    selected_weight_cols = weight_matrix[top_ind]  # gather -> [B, 2, D]
    selected_weight_diffs = selected_weight_cols[:, 0, :] - selected_weight_cols[:, 1, :]  # [B, D]
    scores = jnp.abs(x * selected_weight_diffs)  # [B, D]
    num_dropped = int(x.shape[1] * DROP_PERCENT)
    _, dropped_channels = jax.lax.top_k(scores, num_dropped)  # [B, num_dropped]
    mask = jnp.ones_like(x, dtype=bool)
    row_idx = jnp.arange(x.shape[0])[:, None]
    mask = mask.at[row_idx, dropped_channels].set(False)  # scatter-overwrite
    return x * mask

if __name__ == "__main__":
    import jax
    _d = setup_inputs()
    print(jax.jit(kernel)(*tuple(_d.values())))

</pallas_src>

<mosaic_0001>
#map = affine_map<(d0, d1) -> (0, 0)>
module attributes {stable_mosaic.version = 14 : i64} {
  func.func @_body(%arg0: i32, %arg1: i32, %arg2: memref<4096x4096xf32, #tpu.memory_space<hbm>>, %arg3: memref<4096x1000xf32, #tpu.memory_space<hbm>>, %arg4: memref<1000x4096xf32, #tpu.memory_space<hbm>>, %arg5: memref<4096x4096xf32, #tpu.memory_space<hbm>>, %arg6: memref<1000xf32, #tpu.memory_space<vmem>>, %arg7: memref<1000xf32, #tpu.memory_space<vmem>>, %arg8: memref<4096xf32, #tpu.memory_space<vmem>>, %arg9: memref<4096xf32, #tpu.memory_space<vmem>>, %arg10: memref<2x4096xf32, #tpu.memory_space<vmem>>, %arg11: memref<2x4096xf32, #tpu.memory_space<vmem>>, %arg12: memref<4096xf32, #tpu.memory_space<vmem>>, %arg13: memref<4096xf32, #tpu.memory_space<vmem>>, %arg14: memref<4096xf32, #tpu.memory_space<vmem>>, %arg15: memref<2xi32, #tpu.memory_space<vmem>>, %arg16: memref<2xi32, #tpu.memory_space<vmem>>, %arg17: memref<2048xi32, #tpu.memory_space<vmem>>, %arg18: memref<1024xi32, #tpu.memory_space<vmem>>, %arg19: memref<!tpu.dma_semaphore, #tpu.memory_space<semaphore_mem>>, %arg20: memref<!tpu.dma_semaphore, #tpu.memory_space<semaphore_mem>>, %arg21: memref<!tpu.dma_semaphore, #tpu.memory_space<semaphore_mem>>, %arg22: memref<!tpu.dma_semaphore, #tpu.memory_space<semaphore_mem>>) attributes {dimension_semantics = [#tpu.dimension_semantics<core_parallel>, #tpu.dimension_semantics<subcore_parallel>], iteration_bounds = array<i64: 2, 16>, scalar_prefetch = 0 : i64, scratch_operands = 17 : i64, tpu.core_type = #tpu.core_type<sc_vector_subcore>, window_params = [{transform_indices = #map}, {transform_indices = #map}, {transform_indices = #map}, {transform_indices = #map}]} {
    %iota3A = tpu.iota {dimensions = array<i32: 0>} : vector<16xi32>
    %broadcast_in_dim3A = arith.constant 1 : i32
    %broadcast_in_dim3A_0 = vector.broadcast %broadcast_in_dim3A : i32 to vector<16xi32>
    %broadcast_in_dim3A_1 = arith.constant 15 : i32
    %broadcast_in_dim3A_2 = vector.broadcast %broadcast_in_dim3A_1 : i32 to vector<16xi32>
    %broadcast_in_dim3A_3 = arith.constant 0xFF800000 : f32
    %broadcast_in_dim3A_4 = vector.broadcast %broadcast_in_dim3A_3 : f32 to vector<16xf32>
    %mul3A = arith.constant 2 : i32
    %mul3A_5 = arith.muli %arg1, %mul3A : i32
    %add3A = arith.addi %mul3A_5, %arg0 : i32
    %mul3A_6 = arith.constant 128 : i32
    %mul3A_7 = arith.muli %add3A, %mul3A_6 : i32
    "tpu.region"() ({
      %run_scoped3A = tpu.sem_alloc : memref<!tpu.dma_semaphore, #tpu.memory_space<semaphore_mem>>
      %dma_start3A_144 = arith.constant 0 : i32
      %dma_start3A_145 = tpu.memref_slice %arg3[%mul3A_7, %dma_start3A_144] : memref<4096x1000xf32, #tpu.memory_space<hbm>> -> memref<1x1000xf32, #tpu.memory_space<hbm>>
      %dma_start3A_146 = tpu.memref_squeeze %dma_start3A_145 : memref<1x1000xf32, #tpu.memory_space<hbm>> -> memref<1000xf32, #tpu.memory_space<hbm>>
      %dma_start3A_147 = arith.constant 0 : i32
      %dma_start3A_148 = tpu.memref_slice %arg3[%mul3A_7, %dma_start3A_147] : memref<4096x1000xf32, #tpu.memory_space<hbm>> -> memref<1x1000xf32, #tpu.memory_space<hbm>>
      %dma_start3A_149 = tpu.memref_squeeze %dma_start3A_148 : memref<1x1000xf32, #tpu.memory_space<hbm>> -> memref<1000xf32, #tpu.memory_space<hbm>>
      tpu.enqueue_dma source(%dma_start3A_149 : memref<1000xf32, #tpu.memory_space<hbm>>) target(%arg6 : memref<1000xf32, #tpu.memory_space<vmem>>) target_semaphore(%run_scoped3A : memref<!tpu.dma_semaphore, #tpu.memory_space<semaphore_mem>>)
      %dma_wait3A_150 = arith.constant 0 : i32
      %dma_wait3A_151 = tpu.memref_slice %arg3[%mul3A_7, %dma_wait3A_150] : memref<4096x1000xf32, #tpu.memory_space<hbm>> -> memref<1x1000xf32, #tpu.memory_space<hbm>>
      %dma_wait3A_152 = tpu.memref_squeeze %dma_wait3A_151 : memref<1x1000xf32, #tpu.memory_space<hbm>> -> memref<1000xf32, #tpu.memory_space<hbm>>
      %dma_wait3A_153 = arith.constant 0 : i32
      %dma_wait3A_154 = tpu.memref_slice %arg3[%mul3A_7, %dma_wait3A_153] : memref<4096x1000xf32, #tpu.memory_space<hbm>> -> memref<1x1000xf32, #tpu.memory_space<hbm>>
      %dma_wait3A_155 = tpu.memref_squeeze %dma_wait3A_154 : memref<1x1000xf32, #tpu.memory_space<hbm>> -> memref<1000xf32, #tpu.memory_space<hbm>>
      tpu.wait_dma2 semaphore(%run_scoped3A : memref<!tpu.dma_semaphore, #tpu.memory_space<semaphore_mem>>) src(%dma_wait3A_155 : memref<1000xf32, #tpu.memory_space<hbm>>) dst(%arg6 : memref<1000xf32, #tpu.memory_space<vmem>>)
      tpu.yield
    }) : () -> ()
    %parallel_loop3A = arith.constant 0 : i32
    %parallel_loop3A_8 = arith.constant 62 : i32
    %parallel_loop3A_9 = arith.constant 1 : i32
    %parallel_loop3A_10:2 = scf.for %parallel_loop3A_144 = %parallel_loop3A to %parallel_loop3A_8 step %parallel_loop3A_9 iter_args(%parallel_loop3A_145 = %broadcast_in_dim3A_4, %parallel_loop3A_146 = %broadcast_in_dim3A_4) -> (vector<16xf32>, vector<16xf32>)  : i32 {
      %parallel_loop3A_147 = arith.constant 16 : i32
      %parallel_loop3A_148 = arith.muli %parallel_loop3A_144, %parallel_loop3A_147 : i32
      %parallel_loop3A_149 = arith.index_cast %parallel_loop3A_148 : i32 to index
      %parallel_loop3A_150 = tpu.vector_load %arg6[%parallel_loop3A_149] {strides = array<i32>} : memref<1000xf32, #tpu.memory_space<vmem>>, vector<16xf32>,
      %parallel_loop3A_151 = arith.minimumf %parallel_loop3A_145, %parallel_loop3A_150 : vector<16xf32>
      %parallel_loop3A_152 = arith.maximumf %parallel_loop3A_146, %parallel_loop3A_151 : vector<16xf32>
      %parallel_loop3A_153 = arith.maximumf %parallel_loop3A_145, %parallel_loop3A_150 : vector<16xf32>
      scf.yield %parallel_loop3A_153, %parallel_loop3A_152 : vector<16xf32>, vector<16xf32>
    } {sc.loop_unroll_factor = 8 : i64, sc.parallel_access}
    %get3A = arith.constant 984 : index
    %get3A_11 = tpu.vector_load %arg6[%get3A] {strides = array<i32>} : memref<1000xf32, #tpu.memory_space<vmem>>, vector<16xf32>,
    %ge3A = arith.constant 8 : i32
    %ge3A_12 = vector.broadcast %ge3A : i32 to vector<16xi32>
    %ge3A_13 = arith.cmpi sge, %iota3A, %ge3A_12 : vector<16xi32>
    %select_n3A = arith.select %ge3A_13, %get3A_11, %broadcast_in_dim3A_4 : vector<16xi1>, vector<16xf32>
    %min3A = arith.minimumf %parallel_loop3A_10#0, %select_n3A : vector<16xf32>
    %max3A = arith.maximumf %parallel_loop3A_10#1, %min3A : vector<16xf32>
    %max3A_14 = arith.maximumf %parallel_loop3A_10#0, %select_n3A : vector<16xf32>
    %reduce_max3A = arith.constant true
    %reduce_max3A_15 = vector.broadcast %reduce_max3A : i1 to vector<16xi1>
    %reduce_max3A_16 = tpu.scan <max>, %max3A_14 masked %reduce_max3A_15 : vector<16xf32>, vector<16xi1> -> vector<16xf32>
    %reduce_max3A_17 = vector.extract %reduce_max3A_16[15] : f32 from vector<16xf32>
    %eq3A = vector.broadcast %reduce_max3A_17 : f32 to vector<16xf32>
    %eq3A_18 = arith.cmpf oeq, %max3A_14, %eq3A : vector<16xf32>
    %all_reduce_ffs3A = tpu.all_reduce %eq3A_18 {dim = 0 : i64, kind = #tpu.reduction_kind<find_first_set>} : vector<16xi1> -> vector<16xi32>
    %reduce_max3A_19 = arith.constant true
    %reduce_max3A_20 = vector.broadcast %reduce_max3A_19 : i1 to vector<16xi1>
    %reduce_max3A_21 = arith.constant -2147483648 : i32
    %reduce_max3A_22 = vector.broadcast %reduce_max3A_21 : i32 to vector<16xi32>
    %reduce_max3A_23 = arith.xori %all_reduce_ffs3A, %reduce_max3A_22 : vector<16xi32>
    %reduce_max3A_24 = tpu.scan <max>, %reduce_max3A_23 masked %reduce_max3A_20 : vector<16xi32>, vector<16xi1> -> vector<16xi32>
    %reduce_max3A_25 = arith.xori %reduce_max3A_24, %reduce_max3A_22 : vector<16xi32>
    %reduce_max3A_26 = vector.extract %reduce_max3A_25[15] : i32 from vector<16xi32>
    %eq3A_27 = vector.broadcast %reduce_max3A_26 : i32 to vector<16xi32>
    %eq3A_28 = arith.cmpi eq, %iota3A, %eq3A_27 : vector<16xi32>
    %select_n3A_29 = arith.select %eq3A_28, %broadcast_in_dim3A_4, %max3A_14 : vector<16xi1>, vector<16xf32>
    %reduce_max3A_30 = arith.constant true
    %reduce_max3A_31 = vector.broadcast %reduce_max3A_30 : i1 to vector<16xi1>
    %reduce_max3A_32 = tpu.scan <max>, %select_n3A_29 masked %reduce_max3A_31 : vector<16xf32>, vector<16xi1> -> vector<16xf32>
    %reduce_max3A_33 = vector.extract %reduce_max3A_32[15] : f32 from vector<16xf32>
    %reduce_max3A_34 = arith.constant true
    %reduce_max3A_35 = vector.broadcast %reduce_max3A_34 : i1 to vector<16xi1>
    %reduce_max3A_36 = tpu.scan <max>, %max3A masked %reduce_max3A_35 : vector<16xf32>, vector<16xi1> -> vector<16xf32>
    %reduce_max3A_37 = vector.extract %reduce_max3A_36[15] : f32 from vector<16xf32>
    %max3A_38 = arith.maximumf %reduce_max3A_33, %reduce_max3A_37 : f32
    %broadcast_in_dim3A_39 = arith.constant 1048576 : i32
    %broadcast_in_dim3A_40 = vector.broadcast %broadcast_in_dim3A_39 : i32 to vector<16xi32>
    %parallel_loop3A_41 = arith.constant 0 : i32
    %parallel_loop3A_42 = arith.constant 63 : i32
    %parallel_loop3A_43 = arith.constant 1 : i32
    %parallel_loop3A_44 = arith.constant 1048576 : i32
    %parallel_loop3A_45:3 = scf.for %parallel_loop3A_144 = %parallel_loop3A_41 to %parallel_loop3A_42 step %parallel_loop3A_43 iter_args(%parallel_loop3A_145 = %broadcast_in_dim3A_40, %parallel_loop3A_146 = %broadcast_in_dim3A_40, %parallel_loop3A_147 = %broadcast_in_dim3A_40) -> (vector<16xi32>, vector<16xi32>, vector<16xi32>)  : i32 {
      %parallel_loop3A_148 = arith.constant 62 : i32
      %parallel_loop3A_149 = arith.cmpi slt, %parallel_loop3A_144, %parallel_loop3A_148 : i32
      %parallel_loop3A_150 = arith.constant 16 : i32
      %parallel_loop3A_151 = arith.muli %parallel_loop3A_144, %parallel_loop3A_150 : i32
      %parallel_loop3A_152 = arith.constant 984 : i32
      %parallel_loop3A_153 = arith.select %parallel_loop3A_149, %parallel_loop3A_151, %parallel_loop3A_152 : i32
      %parallel_loop3A_154 = arith.constant 62 : i32
      %parallel_loop3A_155 = arith.cmpi slt, %parallel_loop3A_144, %parallel_loop3A_154 : i32
      %parallel_loop3A_156 = arith.constant 0 : i32
      %parallel_loop3A_157 = arith.constant 8 : i32
      %parallel_loop3A_158 = arith.select %parallel_loop3A_155, %parallel_loop3A_156, %parallel_loop3A_157 : i32
      %parallel_loop3A_159 = arith.index_cast %parallel_loop3A_153 : i32 to index
      %parallel_loop3A_160 = tpu.vector_load %arg6[%parallel_loop3A_159] {strides = array<i32>} : memref<1000xf32, #tpu.memory_space<vmem>>, vector<16xf32>,
      %parallel_loop3A_161 = vector.broadcast %parallel_loop3A_153 : i32 to vector<16xi32>
      %parallel_loop3A_162 = arith.addi %iota3A, %parallel_loop3A_161 : vector<16xi32>
      %parallel_loop3A_163 = vector.broadcast %parallel_loop3A_158 : i32 to vector<16xi32>
      %parallel_loop3A_164 = arith.cmpi sge, %iota3A, %parallel_loop3A_163 : vector<16xi32>
      %parallel_loop3A_165 = vector.broadcast %reduce_max3A_17 : f32 to vector<16xf32>
      %parallel_loop3A_166 = arith.cmpf oeq, %parallel_loop3A_160, %parallel_loop3A_165 : vector<16xf32>
      %parallel_loop3A_167 = arith.andi %parallel_loop3A_166, %parallel_loop3A_164 : vector<16xi1>
      %parallel_loop3A_168 = vector.broadcast %parallel_loop3A_44 : i32 to vector<16xi32>
      %parallel_loop3A_169 = arith.select %parallel_loop3A_167, %parallel_loop3A_162, %parallel_loop3A_168 : vector<16xi1>, vector<16xi32>
      %parallel_loop3A_170 = arith.maxsi %parallel_loop3A_145, %parallel_loop3A_169 : vector<16xi32>
      %parallel_loop3A_171 = arith.minsi %parallel_loop3A_146, %parallel_loop3A_170 : vector<16xi32>
      %parallel_loop3A_172 = arith.minsi %parallel_loop3A_145, %parallel_loop3A_169 : vector<16xi32>
      %parallel_loop3A_173 = vector.broadcast %max3A_38 : f32 to vector<16xf32>
      %parallel_loop3A_174 = arith.cmpf oeq, %parallel_loop3A_160, %parallel_loop3A_173 : vector<16xf32>
      %parallel_loop3A_175 = arith.andi %parallel_loop3A_174, %parallel_loop3A_164 : vector<16xi1>
      %parallel_loop3A_176 = vector.broadcast %parallel_loop3A_44 : i32 to vector<16xi32>
      %parallel_loop3A_177 = arith.select %parallel_loop3A_175, %parallel_loop3A_162, %parallel_loop3A_176 : vector<16xi1>, vector<16xi32>
      %parallel_loop3A_178 = arith.minsi %parallel_loop3A_147, %parallel_loop3A_177 : vector<16xi32>
      scf.yield %parallel_loop3A_172, %parallel_loop3A_171, %parallel_loop3A_178 : vector<16xi32>, vector<16xi32>, vector<16xi32>
    } {sc.loop_unroll_factor = 4 : i64, sc.parallel_access}
    %reduce_min3A = arith.constant true
    %reduce_min3A_46 = vector.broadcast %reduce_min3A : i1 to vector<16xi1>
    %reduce_min3A_47 = arith.constant -2147483648 : i32
    %reduce_min3A_48 = vector.broadcast %reduce_min3A_47 : i32 to vector<16xi32>
    %reduce_min3A_49 = arith.xori %parallel_loop3A_45#0, %reduce_min3A_48 : vector<16xi32>
    %reduce_min3A_50 = tpu.scan <min>, %reduce_min3A_49 masked %reduce_min3A_46 : vector<16xi32>, vector<16xi1> -> vector<16xi32>
    %reduce_min3A_51 = arith.xori %reduce_min3A_50, %reduce_min3A_48 : vector<16xi32>
    %reduce_min3A_52 = vector.extract %reduce_min3A_51[15] : i32 from vector<16xi32>
    %eq3A_53 = vector.broadcast %reduce_min3A_52 : i32 to vector<16xi32>
    %eq3A_54 = arith.cmpi eq, %parallel_loop3A_45#0, %eq3A_53 : vector<16xi32>
    %all_reduce_ffs3A_55 = tpu.all_reduce %eq3A_54 {dim = 0 : i64, kind = #tpu.reduction_kind<find_first_set>} : vector<16xi1> -> vector<16xi32>
    %reduce_max3A_56 = arith.constant true
    %reduce_max3A_57 = vector.broadcast %reduce_max3A_56 : i1 to vector<16xi1>
    %reduce_max3A_58 = arith.constant -2147483648 : i32
    %reduce_max3A_59 = vector.broadcast %reduce_max3A_58 : i32 to vector<16xi32>
    %reduce_max3A_60 = arith.xori %all_reduce_ffs3A_55, %reduce_max3A_59 : vector<16xi32>
    %reduce_max3A_61 = tpu.scan <max>, %reduce_max3A_60 masked %reduce_max3A_57 : vector<16xi32>, vector<16xi1> -> vector<16xi32>
    %reduce_max3A_62 = arith.xori %reduce_max3A_61, %reduce_max3A_59 : vector<16xi32>
    %reduce_max3A_63 = vector.extract %reduce_max3A_62[15] : i32 from vector<16xi32>
    %eq3A_64 = vector.broadcast %reduce_max3A_63 : i32 to vector<16xi32>
    %eq3A_65 = arith.cmpi eq, %iota3A, %eq3A_64 : vector<16xi32>
    %jit3A = arith.constant 1048576 : i32
    %broadcast_in_dim3A_66 = vector.broadcast %jit3A : i32 to vector<16xi32>
    %select_n3A_67 = arith.select %eq3A_65, %broadcast_in_dim3A_66, %parallel_loop3A_45#0 : vector<16xi1>, vector<16xi32>
    %reduce_min3A_68 = arith.constant true
    %reduce_min3A_69 = vector.broadcast %reduce_min3A_68 : i1 to vector<16xi1>
    %reduce_min3A_70 = arith.constant -2147483648 : i32
    %reduce_min3A_71 = vector.broadcast %reduce_min3A_70 : i32 to vector<16xi32>
    %reduce_min3A_72 = arith.xori %select_n3A_67, %reduce_min3A_71 : vector<16xi32>
    %reduce_min3A_73 = tpu.scan <min>, %reduce_min3A_72 masked %reduce_min3A_69 : vector<16xi32>, vector<16xi1> -> vector<16xi32>
    %reduce_min3A_74 = arith.xori %reduce_min3A_73, %reduce_min3A_71 : vector<16xi32>
    %reduce_min3A_75 = vector.extract %reduce_min3A_74[15] : i32 from vector<16xi32>
    %reduce_min3A_76 = arith.constant true
    %reduce_min3A_77 = vector.broadcast %reduce_min3A_76 : i1 to vector<16xi1>
    %reduce_min3A_78 = arith.constant -2147483648 : i32
    %reduce_min3A_79 = vector.broadcast %reduce_min3A_78 : i32 to vector<16xi32>
    %reduce_min3A_80 = arith.xori %parallel_loop3A_45#1, %reduce_min3A_79 : vector<16xi32>
    %reduce_min3A_81 = tpu.scan <min>, %reduce_min3A_80 masked %reduce_min3A_77 : vector<16xi32>, vector<16xi1> -> vector<16xi32>
    %reduce_min3A_82 = arith.xori %reduce_min3A_81, %reduce_min3A_79 : vector<16xi32>
    %reduce_min3A_83 = vector.extract %reduce_min3A_82[15] : i32 from vector<16xi32>
    %min3A_84 = arith.minsi %reduce_min3A_75, %reduce_min3A_83 : i32
    %eq3A_85 = arith.cmpf oeq, %max3A_38, %reduce_max3A_17 : f32
    %reduce_min3A_86 = arith.constant true
    %reduce_min3A_87 = vector.broadcast %reduce_min3A_86 : i1 to vector<16xi1>
    %reduce_min3A_88 = arith.constant -2147483648 : i32
    %reduce_min3A_89 = vector.broadcast %reduce_min3A_88 : i32 to vector<16xi32>
    %reduce_min3A_90 = arith.xori %parallel_loop3A_45#2, %reduce_min3A_89 : vector<16xi32>
    %reduce_min3A_91 = tpu.scan <min>, %reduce_min3A_90 masked %reduce_min3A_87 : vector<16xi32>, vector<16xi1> -> vector<16xi32>
    %reduce_min3A_92 = arith.xori %reduce_min3A_91, %reduce_min3A_89 : vector<16xi32>
    %reduce_min3A_93 = vector.extract %reduce_min3A_92[15] : i32 from vector<16xi32>
    %select_n3A_94 = arith.select %eq3A_85, %min3A_84, %reduce_min3A_93 : i32
    %eq3A_95 = arith.constant 0 : i32
    %eq3A_96 = vector.broadcast %eq3A_95 : i32 to vector<16xi32>
    %eq3A_97 = arith.cmpi eq, %iota3A, %eq3A_96 : vector<16xi32>
    %broadcast_in_dim3A_98 = vector.broadcast %reduce_min3A_52 : i32 to vector<16xi32>
    %broadcast_in_dim3A_99 = vector.broadcast %select_n3A_94 : i32 to vector<16xi32>
    %select_n3A_100 = arith.select %eq3A_97, %broadcast_in_dim3A_98, %broadcast_in_dim3A_99 : vector<16xi1>, vector<16xi32>
    %lt3A = arith.constant 2 : i32
    %lt3A_101 = vector.broadcast %lt3A : i32 to vector<16xi32>
    %lt3A_102 = arith.cmpi slt, %iota3A, %lt3A_101 : vector<16xi32>
    tpu.vector_store_idx %arg15[%iota3A], %select_n3A_100 masked %lt3A_102 : memref<2xi32, #tpu.memory_space<vmem>>[vector<16xi32>], vector<16xi32>, vector<16xi1>
    %dma_start3A = arith.constant 0 : i32
    %dma_start3A_103 = arith.constant 0 : i32
    %dma_start3A_104 = tpu.memref_slice %arg4[%dma_start3A, %dma_start3A_103] : memref<1000x4096xf32, #tpu.memory_space<hbm>> -> memref<1000x4096xf32, #tpu.memory_space<hbm>>
    tpu.enqueue_indirect_dma source(%dma_start3A_104 : memref<1000x4096xf32, #tpu.memory_space<hbm>>) target(%arg10 : memref<2x4096xf32, #tpu.memory_space<vmem>>) offsets(%arg15 : memref<2xi32, #tpu.memory_space<vmem>>) semaphore(%arg21 : memref<!tpu.dma_semaphore, #tpu.memory_space<semaphore_mem>>)
    %dma_start3A_105 = arith.constant 0 : i32
    %dma_start3A_106 = tpu.memref_slice %arg2[%mul3A_7, %dma_start3A_105] : memref<4096x4096xf32, #tpu.memory_space<hbm>> -> memref<1x4096xf32, #tpu.memory_space<hbm>>
    %dma_start3A_107 = tpu.memref_squeeze %dma_start3A_106 : memref<1x4096xf32, #tpu.memory_space<hbm>> -> memref<4096xf32, #tpu.memory_space<hbm>>
    %dma_start3A_108 = arith.constant 0 : i32
    %dma_start3A_109 = tpu.memref_slice %arg2[%mul3A_7, %dma_start3A_108] : memref<4096x4096xf32, #tpu.memory_space<hbm>> -> memref<1x4096xf32, #tpu.memory_space<hbm>>
    %dma_start3A_110 = tpu.memref_squeeze %dma_start3A_109 : memref<1x4096xf32, #tpu.memory_space<hbm>> -> memref<4096xf32, #tpu.memory_space<hbm>>
    tpu.enqueue_dma source(%dma_start3A_110 : memref<4096xf32, #tpu.memory_space<hbm>>) target(%arg8 : memref<4096xf32, #tpu.memory_space<vmem>>) target_semaphore(%arg20 : memref<!tpu.dma_semaphore, #tpu.memory_space<semaphore_mem>>)
    %add3A_111 = arith.constant 1 : i32
    %add3A_112 = arith.addi %mul3A_7, %add3A_111 : i32
    %dma_start3A_113 = arith.constant 0 : i32
    %dma_start3A_114 = tpu.memref_slice %arg3[%add3A_112, %dma_start3A_113] : memref<4096x1000xf32, #tpu.memory_space<hbm>> -> memref<1x1000xf32, #tpu.memory_space<hbm>>
    %dma_start3A_115 = tpu.memref_squeeze %dma_start3A_114 : memref<1x1000xf32, #tpu.memory_space<hbm>> -> memref<1000xf32, #tpu.memory_space<hbm>>
    %dma_start3A_116 = arith.constant 0 : i32
    %dma_start3A_117 = tpu.memref_slice %arg3[%add3A_112, %dma_start3A_116] : memref<4096x1000xf32, #tpu.memory_space<hbm>> -> memref<1x1000xf32, #tpu.memory_space<hbm>>
    %dma_start3A_118 = tpu.memref_squeeze %dma_start3A_117 : memref<1x1000xf32, #tpu.memory_space<hbm>> -> memref<1000xf32, #tpu.memory_space<hbm>>
    tpu.enqueue_dma source(%dma_start3A_118 : memref<1000xf32, #tpu.memory_space<hbm>>) target(%arg7 : memref<1000xf32, #tpu.memory_space<vmem>>) target_semaphore(%arg19 : memref<!tpu.dma_semaphore, #tpu.memory_space<semaphore_mem>>)
    %scan3A = arith.constant 1048576 : i32
    %scan3A_119 = arith.constant 0 : i32
    %scan3A_120 = arith.constant 0 : i32
    %scan3A_121 = arith.constant 64 : i32
    %scan3A_122 = arith.addi %scan3A_120, %scan3A_121 : i32
    %scan3A_123 = arith.constant 1 : i32
    %scan3A_124 = scf.for %scan3A_144 = %scan3A_120 to %scan3A_122 step %scan3A_123 iter_args(%scan3A_145 = %scan3A_119) -> (i32)  : i32 {
      %mul3A_146 = arith.constant 2 : i32
      %mul3A_147 = arith.muli %mul3A_146, %scan3A_144 : i32
      %add3A_148 = arith.addi %mul3A_7, %mul3A_147 : i32
      %add3A_149 = arith.constant 0 : i32
      %add3A_150 = arith.addi %add3A_148, %add3A_149 : i32
      %sub3A_151 = arith.subi %add3A_150, %mul3A_7 : i32
      %lt3A_152 = arith.constant 127 : i32
      %lt3A_153 = arith.cmpi slt, %sub3A_151, %lt3A_152 : i32
      %convert_element_type3A = arith.extui %lt3A_153 : i1 to i32
      %cond3A = arith.constant 0 : i32
      %cond3A_154 = arith.cmpi ne, %convert_element_type3A, %cond3A : i32
      scf.if %cond3A_154 {
        %add3A_437 = arith.constant 1 : i32
        %add3A_438 = arith.addi %add3A_150, %add3A_437 : i32
        %dma_wait3A_439 = arith.constant 0 : i32
        %dma_wait3A_440 = tpu.memref_slice %arg3[%add3A_438, %dma_wait3A_439] : memref<4096x1000xf32, #tpu.memory_space<hbm>> -> memref<1x1000xf32, #tpu.memory_space<hbm>>
        %dma_wait3A_441 = tpu.memref_squeeze %dma_wait3A_440 : memref<1x1000xf32, #tpu.memory_space<hbm>> -> memref<1000xf32, #tpu.memory_space<hbm>>
        %dma_wait3A_442 = arith.constant 0 : i32
        %dma_wait3A_443 = tpu.memref_slice %arg3[%add3A_438, %dma_wait3A_442] : memref<4096x1000xf32, #tpu.memory_space<hbm>> -> memref<1x1000xf32, #tpu.memory_space<hbm>>
        %dma_wait3A_444 = tpu.memref_squeeze %dma_wait3A_443 : memref<1x1000xf32, #tpu.memory_space<hbm>> -> memref<1000xf32, #tpu.memory_space<hbm>>
        tpu.wait_dma2 semaphore(%arg19 : memref<!tpu.dma_semaphore, #tpu.memory_space<semaphore_mem>>) src(%dma_wait3A_444 : memref<1000xf32, #tpu.memory_space<hbm>>) dst(%arg7 : memref<1000xf32, #tpu.memory_space<vmem>>)
        %add3A_445 = arith.constant 1 : i32
        %add3A_446 = arith.addi %add3A_150, %add3A_445 : i32
        %parallel_loop3A_447 = arith.constant 0 : i32
        %parallel_loop3A_448 = arith.constant 62 : i32
        %parallel_loop3A_449 = arith.constant 1 : i32
        %parallel_loop3A_450:2 = scf.for %parallel_loop3A_561 = %parallel_loop3A_447 to %parallel_loop3A_448 step %parallel_loop3A_449 iter_args(%parallel_loop3A_562 = %broadcast_in_dim3A_4, %parallel_loop3A_563 = %broadcast_in_dim3A_4) -> (vector<16xf32>, vector<16xf32>)  : i32 {
          %parallel_loop3A_564 = arith.constant 16 : i32
          %parallel_loop3A_565 = arith.muli %parallel_loop3A_561, %parallel_loop3A_564 : i32
          %parallel_loop3A_566 = arith.index_cast %parallel_loop3A_565 : i32 to index
          %parallel_loop3A_567 = tpu.vector_load %arg7[%parallel_loop3A_566] {strides = array<i32>} : memref<1000xf32, #tpu.memory_space<vmem>>, vector<16xf32>,
          %parallel_loop3A_568 = arith.minimumf %parallel_loop3A_562, %parallel_loop3A_567 : vector<16xf32>
          %parallel_loop3A_569 = arith.maximumf %parallel_loop3A_563, %parallel_loop3A_568 : vector<16xf32>
          %parallel_loop3A_570 = arith.maximumf %parallel_loop3A_562, %parallel_loop3A_567 : vector<16xf32>
          scf.yield %parallel_loop3A_570, %parallel_loop3A_569 : vector<16xf32>, vector<16xf32>
        } {sc.loop_unroll_factor = 8 : i64, sc.parallel_access}
        %get3A_451 = arith.constant 984 : index
        %get3A_452 = tpu.vector_load %arg7[%get3A_451] {strides = array<i32>} : memref<1000xf32, #tpu.memory_space<vmem>>, vector<16xf32>,
        %ge3A_453 = arith.constant 8 : i32
        %ge3A_454 = vector.broadcast %ge3A_453 : i32 to vector<16xi32>
        %ge3A_455 = arith.cmpi sge, %iota3A, %ge3A_454 : vector<16xi32>
        %select_n3A_456 = arith.select %ge3A_455, %get3A_452, %broadcast_in_dim3A_4 : vector<16xi1>, vector<16xf32>
        %min3A_457 = arith.minimumf %parallel_loop3A_450#0, %select_n3A_456 : vector<16xf32>
        %max3A_458 = arith.maximumf %parallel_loop3A_450#1, %min3A_457 : vector<16xf32>
        %max3A_459 = arith.maximumf %parallel_loop3A_450#0, %select_n3A_456 : vector<16xf32>
        %reduce_max3A_460 = arith.constant true
        %reduce_max3A_461 = vector.broadcast %reduce_max3A_460 : i1 to vector<16xi1>
        %reduce_max3A_462 = tpu.scan <max>, %max3A_459 masked %reduce_max3A_461 : vector<16xf32>, vector<16xi1> -> vector<16xf32>
        %reduce_max3A_463 = vector.extract %reduce_max3A_462[15] : f32 from vector<16xf32>
        %eq3A_464 = vector.broadcast %reduce_max3A_463 : f32 to vector<16xf32>
        %eq3A_465 = arith.cmpf oeq, %max3A_459, %eq3A_464 : vector<16xf32>
        %all_reduce_ffs3A_466 = tpu.all_reduce %eq3A_465 {dim = 0 : i64, kind = #tpu.reduction_kind<find_first_set>} : vector<16xi1> -> vector<16xi32>
        %reduce_max3A_467 = arith.constant true
        %reduce_max3A_468 = vector.broadcast %reduce_max3A_467 : i1 to vector<16xi1>
        %reduce_max3A_469 = arith.constant -2147483648 : i32
        %reduce_max3A_470 = vector.broadcast %reduce_max3A_469 : i32 to vector<16xi32>
        %reduce_max3A_471 = arith.xori %all_reduce_ffs3A_466, %reduce_max3A_470 : vector<16xi32>
        %reduce_max3A_472 = tpu.scan <max>, %reduce_max3A_471 masked %reduce_max3A_468 : vector<16xi32>, vector<16xi1> -> vector<16xi32>
        %reduce_max3A_473 = arith.xori %reduce_max3A_472, %reduce_max3A_470 : vector<16xi32>
        %reduce_max3A_474 = vector.extract %reduce_max3A_473[15] : i32 from vector<16xi32>
        %eq3A_475 = vector.broadcast %reduce_max3A_474 : i32 to vector<16xi32>
        %eq3A_476 = arith.cmpi eq, %iota3A, %eq3A_475 : vector<16xi32>
        %select_n3A_477 = arith.select %eq3A_476, %broadcast_in_dim3A_4, %max3A_459 : vector<16xi1>, vector<16xf32>
        %reduce_max3A_478 = arith.constant true
        %reduce_max3A_479 = vector.broadcast %reduce_max3A_478 : i1 to vector<16xi1>
        %reduce_max3A_480 = tpu.scan <max>, %select_n3A_477 masked %reduce_max3A_479 : vector<16xf32>, vector<16xi1> -> vector<16xf32>
        %reduce_max3A_481 = vector.extract %reduce_max3A_480[15] : f32 from vector<16xf32>
        %reduce_max3A_482 = arith.constant true
        %reduce_max3A_483 = vector.broadcast %reduce_max3A_482 : i1 to vector<16xi1>
        %reduce_max3A_484 = tpu.scan <max>, %max3A_458 masked %reduce_max3A_483 : vector<16xf32>, vector<16xi1> -> vector<16xf32>
        %reduce_max3A_485 = vector.extract %reduce_max3A_484[15] : f32 from vector<16xf32>
        %max3A_486 = arith.maximumf %reduce_max3A_481, %reduce_max3A_485 : f32
        %broadcast_in_dim3A_487 = arith.constant 1048576 : i32
        %broadcast_in_dim3A_488 = vector.broadcast %broadcast_in_dim3A_487 : i32 to vector<16xi32>
        %parallel_loop3A_489 = arith.constant 0 : i32
        %parallel_loop3A_490 = arith.constant 63 : i32
        %parallel_loop3A_491 = arith.constant 1 : i32
        %parallel_loop3A_492:3 = scf.for %parallel_loop3A_561 = %parallel_loop3A_489 to %parallel_loop3A_490 step %parallel_loop3A_491 iter_args(%parallel_loop3A_562 = %broadcast_in_dim3A_488, %parallel_loop3A_563 = %broadcast_in_dim3A_488, %parallel_loop3A_564 = %broadcast_in_dim3A_488) -> (vector<16xi32>, vector<16xi32>, vector<16xi32>)  : i32 {
          %parallel_loop3A_565 = arith.constant 62 : i32
          %parallel_loop3A_566 = arith.cmpi slt, %parallel_loop3A_561, %parallel_loop3A_565 : i32
          %parallel_loop3A_567 = arith.constant 16 : i32
          %parallel_loop3A_568 = arith.muli %parallel_loop3A_561, %parallel_loop3A_567 : i32
          %parallel_loop3A_569 = arith.constant 984 : i32
          %parallel_loop3A_570 = arith.select %parallel_loop3A_566, %parallel_loop3A_568, %parallel_loop3A_569 : i32
          %parallel_loop3A_571 = arith.constant 62 : i32
          %parallel_loop3A_572 = arith.cmpi slt, %parallel_loop3A_561, %parallel_loop3A_571 : i32
          %parallel_loop3A_573 = arith.constant 0 : i32
          %parallel_loop3A_574 = arith.constant 8 : i32
          %parallel_loop3A_575 = arith.select %parallel_loop3A_572, %parallel_loop3A_573, %parallel_loop3A_574 : i32
          %parallel_loop3A_576 = arith.index_cast %parallel_loop3A_570 : i32 to index
          %parallel_loop3A_577 = tpu.vector_load %arg7[%parallel_loop3A_576] {strides = array<i32>} : memref<1000xf32, #tpu.memory_space<vmem>>, vector<16xf32>,
          %parallel_loop3A_578 = vector.broadcast %parallel_loop3A_570 : i32 to vector<16xi32>
          %parallel_loop3A_579 = arith.addi %iota3A, %parallel_loop3A_578 : vector<16xi32>
          %parallel_loop3A_580 = vector.broadcast %parallel_loop3A_575 : i32 to vector<16xi32>
          %parallel_loop3A_581 = arith.cmpi sge, %iota3A, %parallel_loop3A_580 : vector<16xi32>
          %parallel_loop3A_582 = vector.broadcast %reduce_max3A_463 : f32 to vector<16xf32>
          %parallel_loop3A_583 = arith.cmpf oeq, %parallel_loop3A_577, %parallel_loop3A_582 : vector<16xf32>
          %parallel_loop3A_584 = arith.andi %parallel_loop3A_583, %parallel_loop3A_581 : vector<16xi1>
          %parallel_loop3A_585 = vector.broadcast %scan3A : i32 to vector<16xi32>
          %parallel_loop3A_586 = arith.select %parallel_loop3A_584, %parallel_loop3A_579, %parallel_loop3A_585 : vector<16xi1>, vector<16xi32>
          %parallel_loop3A_587 = arith.maxsi %parallel_loop3A_562, %parallel_loop3A_586 : vector<16xi32>
          %parallel_loop3A_588 = arith.minsi %parallel_loop3A_563, %parallel_loop3A_587 : vector<16xi32>
          %parallel_loop3A_589 = arith.minsi %parallel_loop3A_562, %parallel_loop3A_586 : vector<16xi32>
          %parallel_loop3A_590 = vector.broadcast %max3A_486 : f32 to vector<16xf32>
          %parallel_loop3A_591 = arith.cmpf oeq, %parallel_loop3A_577, %parallel_loop3A_590 : vector<16xf32>
          %parallel_loop3A_592 = arith.andi %parallel_loop3A_591, %parallel_loop3A_581 : vector<16xi1>
          %parallel_loop3A_593 = vector.broadcast %scan3A : i32 to vector<16xi32>
          %parallel_loop3A_594 = arith.select %parallel_loop3A_592, %parallel_loop3A_579, %parallel_loop3A_593 : vector<16xi1>, vector<16xi32>
          %parallel_loop3A_595 = arith.minsi %parallel_loop3A_564, %parallel_loop3A_594 : vector<16xi32>
          scf.yield %parallel_loop3A_589, %parallel_loop3A_588, %parallel_loop3A_595 : vector<16xi32>, vector<16xi32>, vector<16xi32>
        } {sc.loop_unroll_factor = 4 : i64, sc.parallel_access}
        %reduce_min3A_493 = arith.constant true
        %reduce_min3A_494 = vector.broadcast %reduce_min3A_493 : i1 to vector<16xi1>
        %reduce_min3A_495 = arith.constant -2147483648 : i32
        %reduce_min3A_496 = vector.broadcast %reduce_min3A_495 : i32 to vector<16xi32>
        %reduce_min3A_497 = arith.xori %parallel_loop3A_492#0, %reduce_min3A_496 : vector<16xi32>
        %reduce_min3A_498 = tpu.scan <min>, %reduce_min3A_497 masked %reduce_min3A_494 : vector<16xi32>, vector<16xi1> -> vector<16xi32>
        %reduce_min3A_499 = arith.xori %reduce_min3A_498, %reduce_min3A_496 : vector<16xi32>
        %reduce_min3A_500 = vector.extract %reduce_min3A_499[15] : i32 from vector<16xi32>
        %eq3A_501 = vector.broadcast %reduce_min3A_500 : i32 to vector<16xi32>
        %eq3A_502 = arith.cmpi eq, %parallel_loop3A_492#0, %eq3A_501 : vector<16xi32>
        %all_reduce_ffs3A_503 = tpu.all_reduce %eq3A_502 {dim = 0 : i64, kind = #tpu.reduction_kind<find_first_set>} : vector<16xi1> -> vector<16xi32>
        %reduce_max3A_504 = arith.constant true
        %reduce_max3A_505 = vector.broadcast %reduce_max3A_504 : i1 to vector<16xi1>
        %reduce_max3A_506 = arith.constant -2147483648 : i32
        %reduce_max3A_507 = vector.broadcast %reduce_max3A_506 : i32 to vector<16xi32>
        %reduce_max3A_508 = arith.xori %all_reduce_ffs3A_503, %reduce_max3A_507 : vector<16xi32>
        %reduce_max3A_509 = tpu.scan <max>, %reduce_max3A_508 masked %reduce_max3A_505 : vector<16xi32>, vector<16xi1> -> vector<16xi32>
        %reduce_max3A_510 = arith.xori %reduce_max3A_509, %reduce_max3A_507 : vector<16xi32>
        %reduce_max3A_511 = vector.extract %reduce_max3A_510[15] : i32 from vector<16xi32>
        %eq3A_512 = vector.broadcast %reduce_max3A_511 : i32 to vector<16xi32>
        %eq3A_513 = arith.cmpi eq, %iota3A, %eq3A_512 : vector<16xi32>
        %broadcast_in_dim3A_514 = vector.broadcast %scan3A : i32 to vector<16xi32>
        %select_n3A_515 = arith.select %eq3A_513, %broadcast_in_dim3A_514, %parallel_loop3A_492#0 : vector<16xi1>, vector<16xi32>
        %reduce_min3A_516 = arith.constant true
        %reduce_min3A_517 = vector.broadcast %reduce_min3A_516 : i1 to vector<16xi1>
        %reduce_min3A_518 = arith.constant -2147483648 : i32
        %reduce_min3A_519 = vector.broadcast %reduce_min3A_518 : i32 to vector<16xi32>
        %reduce_min3A_520 = arith.xori %select_n3A_515, %reduce_min3A_519 : vector<16xi32>
        %reduce_min3A_521 = tpu.scan <min>, %reduce_min3A_520 masked %reduce_min3A_517 : vector<16xi32>, vector<16xi1> -> vector<16xi32>
        %reduce_min3A_522 = arith.xori %reduce_min3A_521, %reduce_min3A_519 : vector<16xi32>
        %reduce_min3A_523 = vector.extract %reduce_min3A_522[15] : i32 from vector<16xi32>
        %reduce_min3A_524 = arith.constant true
        %reduce_min3A_525 = vector.broadcast %reduce_min3A_524 : i1 to vector<16xi1>
        %reduce_min3A_526 = arith.constant -2147483648 : i32
        %reduce_min3A_527 = vector.broadcast %reduce_min3A_526 : i32 to vector<16xi32>
        %reduce_min3A_528 = arith.xori %parallel_loop3A_492#1, %reduce_min3A_527 : vector<16xi32>
        %reduce_min3A_529 = tpu.scan <min>, %reduce_min3A_528 masked %reduce_min3A_525 : vector<16xi32>, vector<16xi1> -> vector<16xi32>
        %reduce_min3A_530 = arith.xori %reduce_min3A_529, %reduce_min3A_527 : vector<16xi32>
        %reduce_min3A_531 = vector.extract %reduce_min3A_530[15] : i32 from vector<16xi32>
        %min3A_532 = arith.minsi %reduce_min3A_523, %reduce_min3A_531 : i32
        %eq3A_533 = arith.cmpf oeq, %max3A_486, %reduce_max3A_463 : f32
        %reduce_min3A_534 = arith.constant true
        %reduce_min3A_535 = vector.broadcast %reduce_min3A_534 : i1 to vector<16xi1>
        %reduce_min3A_536 = arith.constant -2147483648 : i32
        %reduce_min3A_537 = vector.broadcast %reduce_min3A_536 : i32 to vector<16xi32>
        %reduce_min3A_538 = arith.xori %parallel_loop3A_492#2, %reduce_min3A_537 : vector<16xi32>
        %reduce_min3A_539 = tpu.scan <min>, %reduce_min3A_538 masked %reduce_min3A_535 : vector<16xi32>, vector<16xi1> -> vector<16xi32>
        %reduce_min3A_540 = arith.xori %reduce_min3A_539, %reduce_min3A_537 : vector<16xi32>
        %reduce_min3A_541 = vector.extract %reduce_min3A_540[15] : i32 from vector<16xi32>
        %select_n3A_542 = arith.select %eq3A_533, %min3A_532, %reduce_min3A_541 : i32
        %eq3A_543 = arith.constant 0 : i32
        %eq3A_544 = vector.broadcast %eq3A_543 : i32 to vector<16xi32>
        %eq3A_545 = arith.cmpi eq, %iota3A, %eq3A_544 : vector<16xi32>
        %broadcast_in_dim3A_546 = vector.broadcast %reduce_min3A_500 : i32 to vector<16xi32>
        %broadcast_in_dim3A_547 = vector.broadcast %select_n3A_542 : i32 to vector<16xi32>
        %select_n3A_548 = arith.select %eq3A_545, %broadcast_in_dim3A_546, %broadcast_in_dim3A_547 : vector<16xi1>, vector<16xi32>
        %lt3A_549 = arith.constant 2 : i32
        %lt3A_550 = vector.broadcast %lt3A_549 : i32 to vector<16xi32>
        %lt3A_551 = arith.cmpi slt, %iota3A, %lt3A_550 : vector<16xi32>
        tpu.vector_store_idx %arg16[%iota3A], %select_n3A_548 masked %lt3A_551 : memref<2xi32, #tpu.memory_space<vmem>>[vector<16xi32>], vector<16xi32>, vector<16xi1>
        %dma_start3A_552 = arith.constant 0 : i32
        %dma_start3A_553 = arith.constant 0 : i32
        %dma_start3A_554 = tpu.memref_slice %arg4[%dma_start3A_552, %dma_start3A_553] : memref<1000x4096xf32, #tpu.memory_space<hbm>> -> memref<1000x4096xf32, #tpu.memory_space<hbm>>
        tpu.enqueue_indirect_dma source(%dma_start3A_554 : memref<1000x4096xf32, #tpu.memory_space<hbm>>) target(%arg11 : memref<2x4096xf32, #tpu.memory_space<vmem>>) offsets(%arg16 : memref<2xi32, #tpu.memory_space<vmem>>) semaphore(%arg21 : memref<!tpu.dma_semaphore, #tpu.memory_space<semaphore_mem>>)
        %dma_start3A_555 = arith.constant 0 : i32
        %dma_start3A_556 = tpu.memref_slice %arg2[%add3A_446, %dma_start3A_555] : memref<4096x4096xf32, #tpu.memory_space<hbm>> -> memref<1x4096xf32, #tpu.memory_space<hbm>>
        %dma_start3A_557 = tpu.memref_squeeze %dma_start3A_556 : memref<1x4096xf32, #tpu.memory_space<hbm>> -> memref<4096xf32, #tpu.memory_space<hbm>>
        %dma_start3A_558 = arith.constant 0 : i32
        %dma_start3A_559 = tpu.memref_slice %arg2[%add3A_446, %dma_start3A_558] : memref<4096x4096xf32, #tpu.memory_space<hbm>> -> memref<1x4096xf32, #tpu.memory_space<hbm>>
        %dma_start3A_560 = tpu.memref_squeeze %dma_start3A_559 : memref<1x4096xf32, #tpu.memory_space<hbm>> -> memref<4096xf32, #tpu.memory_space<hbm>>
        tpu.enqueue_dma source(%dma_start3A_560 : memref<4096xf32, #tpu.memory_space<hbm>>) target(%arg9 : memref<4096xf32, #tpu.memory_space<vmem>>) target_semaphore(%arg20 : memref<!tpu.dma_semaphore, #tpu.memory_space<semaphore_mem>>)
      } else {
      }
      %sub3A_155 = arith.subi %add3A_150, %mul3A_7 : i32
      %lt3A_156 = arith.constant 126 : i32
      %lt3A_157 = arith.cmpi slt, %sub3A_155, %lt3A_156 : i32
      %convert_element_type3A_158 = arith.extui %lt3A_157 : i1 to i32
      %cond3A_159 = arith.constant 0 : i32
      %cond3A_160 = arith.cmpi ne, %convert_element_type3A_158, %cond3A_159 : i32
      scf.if %cond3A_160 {
        %add3A_437 = arith.constant 2 : i32
        %add3A_438 = arith.addi %add3A_150, %add3A_437 : i32
        %dma_start3A_439 = arith.constant 0 : i32
        %dma_start3A_440 = tpu.memref_slice %arg3[%add3A_438, %dma_start3A_439] : memref<4096x1000xf32, #tpu.memory_space<hbm>> -> memref<1x1000xf32, #tpu.memory_space<hbm>>
        %dma_start3A_441 = tpu.memref_squeeze %dma_start3A_440 : memref<1x1000xf32, #tpu.memory_space<hbm>> -> memref<1000xf32, #tpu.memory_space<hbm>>
        %dma_start3A_442 = arith.constant 0 : i32
        %dma_start3A_443 = tpu.memref_slice %arg3[%add3A_438, %dma_start3A_442] : memref<4096x1000xf32, #tpu.memory_space<hbm>> -> memref<1x1000xf32, #tpu.memory_space<hbm>>
        %dma_start3A_444 = tpu.memref_squeeze %dma_start3A_443 : memref<1x1000xf32, #tpu.memory_space<hbm>> -> memref<1000xf32, #tpu.memory_space<hbm>>
        tpu.enqueue_dma source(%dma_start3A_444 : memref<1000xf32, #tpu.memory_space<hbm>>) target(%arg6 : memref<1000xf32, #tpu.memory_space<vmem>>) target_semaphore(%arg19 : memref<!tpu.dma_semaphore, #tpu.memory_space<semaphore_mem>>)
      } else {
      }
      %parallel_loop3A_161 = arith.constant 0 : i32
      %parallel_loop3A_162 = arith.constant 128 : i32
      %parallel_loop3A_163 = arith.constant 1 : i32
      scf.for %parallel_loop3A_437 = %parallel_loop3A_161 to %parallel_loop3A_162 step %parallel_loop3A_163  : i32 {
        %parallel_loop3A_438 = arith.constant 0 : i32
        %parallel_loop3A_439 = vector.broadcast %parallel_loop3A_438 : i32 to vector<16xi32>
        %parallel_loop3A_440 = arith.constant 16 : i32
        %parallel_loop3A_441 = arith.muli %parallel_loop3A_437, %parallel_loop3A_440 : i32
        %parallel_loop3A_442 = arith.index_cast %parallel_loop3A_441 : i32 to index
        %parallel_loop3A_443 = tpu.vector_load %arg17[%parallel_loop3A_442] {strides = array<i32>} : memref<2048xi32, #tpu.memory_space<vmem>>, vector<16xi32>,
        tpu.vector_store %arg17[%parallel_loop3A_442], %parallel_loop3A_439 {strides = array<i32>} : memref<2048xi32, #tpu.memory_space<vmem>>, vector<16xi32>,
      } {sc.loop_unroll_factor = 8 : i64, sc.parallel_access}
      %parallel_loop3A_164 = arith.constant 0 : i32
      %parallel_loop3A_165 = arith.constant 64 : i32
      %parallel_loop3A_166 = arith.constant 1 : i32
      scf.for %parallel_loop3A_437 = %parallel_loop3A_164 to %parallel_loop3A_165 step %parallel_loop3A_166  : i32 {
        %parallel_loop3A_438 = arith.constant 0 : i32
        %parallel_loop3A_439 = vector.broadcast %parallel_loop3A_438 : i32 to vector<16xi32>
        %parallel_loop3A_440 = arith.constant 16 : i32
        %parallel_loop3A_441 = arith.muli %parallel_loop3A_437, %parallel_loop3A_440 : i32
        %parallel_loop3A_442 = arith.index_cast %parallel_loop3A_441 : i32 to index
        %parallel_loop3A_443 = tpu.vector_load %arg18[%parallel_loop3A_442] {strides = array<i32>} : memref<1024xi32, #tpu.memory_space<vmem>>, vector<16xi32>,
        tpu.vector_store %arg18[%parallel_loop3A_442], %parallel_loop3A_439 {strides = array<i32>} : memref<1024xi32, #tpu.memory_space<vmem>>, vector<16xi32>,
      } {sc.loop_unroll_factor = 8 : i64, sc.parallel_access}
      %dma_wait3A_167 = arith.constant 0 : i32
      %dma_wait3A_168 = tpu.memref_slice %arg2[%add3A_150, %dma_wait3A_167] : memref<4096x4096xf32, #tpu.memory_space<hbm>> -> memref<1x4096xf32, #tpu.memory_space<hbm>>
      %dma_wait3A_169 = tpu.memref_squeeze %dma_wait3A_168 : memref<1x4096xf32, #tpu.memory_space<hbm>> -> memref<4096xf32, #tpu.memory_space<hbm>>
      %dma_wait3A_170 = arith.constant 0 : i32
      %dma_wait3A_171 = tpu.memref_slice %arg2[%add3A_150, %dma_wait3A_170] : memref<4096x4096xf32, #tpu.memory_space<hbm>> -> memref<1x4096xf32, #tpu.memory_space<hbm>>
      %dma_wait3A_172 = tpu.memref_squeeze %dma_wait3A_171 : memref<1x4096xf32, #tpu.memory_space<hbm>> -> memref<4096xf32, #tpu.memory_space<hbm>>
      tpu.wait_dma2 semaphore(%arg20 : memref<!tpu.dma_semaphore, #tpu.memory_space<semaphore_mem>>) src(%dma_wait3A_172 : memref<4096xf32, #tpu.memory_space<hbm>>) dst(%arg8 : memref<4096xf32, #tpu.memory_space<vmem>>)
      %dma_wait3A_173 = arith.constant 0 : i32
      %dma_wait3A_174 = arith.constant 0 : i32
      %dma_wait3A_175 = tpu.memref_slice %arg4[%dma_wait3A_173, %dma_wait3A_174] : memref<1000x4096xf32, #tpu.memory_space<hbm>> -> memref<1000x4096xf32, #tpu.memory_space<hbm>>
      tpu.wait_indirect_dma semaphore(%arg21 : memref<!tpu.dma_semaphore, #tpu.memory_space<semaphore_mem>>) src(%dma_wait3A_175 : memref<1000x4096xf32, #tpu.memory_space<hbm>>) dst(%arg10 : memref<2x4096xf32, #tpu.memory_space<vmem>>)
      %broadcast_in_dim3A_176 = arith.constant 0 : i32
      %broadcast_in_dim3A_177 = vector.broadcast %broadcast_in_dim3A_176 : i32 to vector<16xi32>
      %parallel_loop3A_178 = arith.constant 0 : i32
      %parallel_loop3A_179 = arith.constant 256 : i32
      %parallel_loop3A_180 = arith.constant 1 : i32
      %parallel_loop3A_181 = scf.for %parallel_loop3A_437 = %parallel_loop3A_178 to %parallel_loop3A_179 step %parallel_loop3A_180 iter_args(%parallel_loop3A_438 = %broadcast_in_dim3A_177) -> (vector<16xi32>)  : i32 {
        %parallel_loop3A_439 = arith.constant 16 : i32
        %parallel_loop3A_440 = arith.muli %parallel_loop3A_437, %parallel_loop3A_439 : i32
        %parallel_loop3A_441 = arith.index_cast %parallel_loop3A_440 : i32 to index
        %parallel_loop3A_442 = tpu.vector_load %arg8[%parallel_loop3A_441] {strides = array<i32>} : memref<4096xf32, #tpu.memory_space<vmem>>, vector<16xf32>,
        %parallel_loop3A_443 = arith.constant 0 : i32
        %parallel_loop3A_444 = arith.index_cast %parallel_loop3A_443 : i32 to index
        %parallel_loop3A_445 = arith.index_cast %parallel_loop3A_440 : i32 to index
        %parallel_loop3A_446 = tpu.vector_load %arg10[%parallel_loop3A_444, %parallel_loop3A_445] {strides = array<i32>} : memref<2x4096xf32, #tpu.memory_space<vmem>>, vector<16xf32>,
        %parallel_loop3A_447 = arith.constant 1 : i32
        %parallel_loop3A_448 = arith.index_cast %parallel_loop3A_447 : i32 to index
        %parallel_loop3A_449 = arith.index_cast %parallel_loop3A_440 : i32 to index
        %parallel_loop3A_450 = tpu.vector_load %arg10[%parallel_loop3A_448, %parallel_loop3A_449] {strides = array<i32>} : memref<2x4096xf32, #tpu.memory_space<vmem>>, vector<16xf32>,
        %parallel_loop3A_451 = arith.subf %parallel_loop3A_446, %parallel_loop3A_450 : vector<16xf32>
        %parallel_loop3A_452 = arith.mulf %parallel_loop3A_442, %parallel_loop3A_451 : vector<16xf32>
        %parallel_loop3A_453 = math.absf %parallel_loop3A_452 : vector<16xf32>
        %parallel_loop3A_454 = arith.index_cast %parallel_loop3A_440 : i32 to index
        %parallel_loop3A_455 = tpu.vector_load %arg12[%parallel_loop3A_454] {strides = array<i32>} : memref<4096xf32, #tpu.memory_space<vmem>>, vector<16xf32>,
        tpu.vector_store %arg12[%parallel_loop3A_454], %parallel_loop3A_453 {strides = array<i32>} : memref<4096xf32, #tpu.memory_space<vmem>>, vector<16xf32>,
        %parallel_loop3A_456 = vector.bitcast %parallel_loop3A_453 : vector<16xf32> to vector<16xi32>
        %parallel_loop3A_457 = arith.constant 20 : i32
        %parallel_loop3A_458 = vector.broadcast %parallel_loop3A_457 : i32 to vector<16xi32>
        %parallel_loop3A_459 = arith.shrui %parallel_loop3A_456, %parallel_loop3A_458 : vector<16xi32>
        tpu.vector_store_idx %arg17[%parallel_loop3A_459], %broadcast_in_dim3A_0 {add = true} : memref<2048xi32, #tpu.memory_space<vmem>>[vector<16xi32>], vector<16xi32>,
        %parallel_loop3A_460 = arith.maxsi %parallel_loop3A_438, %parallel_loop3A_459 : vector<16xi32>
        scf.yield %parallel_loop3A_460 : vector<16xi32>
      } {sc.loop_unroll_factor = 8 : i64, sc.parallel_access}
      %reduce_max3A_182 = arith.constant true
      %reduce_max3A_183 = vector.broadcast %reduce_max3A_182 : i1 to vector<16xi1>
      %reduce_max3A_184 = arith.constant -2147483648 : i32
      %reduce_max3A_185 = vector.broadcast %reduce_max3A_184 : i32 to vector<16xi32>
      %reduce_max3A_186 = arith.xori %parallel_loop3A_181, %reduce_max3A_185 : vector<16xi32>
      %reduce_max3A_187 = tpu.scan <max>, %reduce_max3A_186 masked %reduce_max3A_183 : vector<16xi32>, vector<16xi1> -> vector<16xi32>
      %reduce_max3A_188 = arith.xori %reduce_max3A_187, %reduce_max3A_185 : vector<16xi32>
      %reduce_max3A_189 = vector.extract %reduce_max3A_188[15] : i32 from vector<16xi32>
      %shift_right_arithmetic3A = arith.constant 4 : i32
      %shift_right_arithmetic3A_190 = arith.shrsi %reduce_max3A_189, %shift_right_arithmetic3A : i32
      %broadcast_in_dim3A_191 = arith.constant 819 : i32
      %broadcast_in_dim3A_192 = vector.broadcast %broadcast_in_dim3A_191 : i32 to vector<16xi32>
      %broadcast_in_dim3A_193 = arith.constant 0 : i32
      %broadcast_in_dim3A_194 = vector.broadcast %broadcast_in_dim3A_193 : i32 to vector<16xi32>
      %broadcast_in_dim3A_195 = arith.constant 0 : i32
      %broadcast_in_dim3A_196 = vector.broadcast %broadcast_in_dim3A_195 : i32 to vector<16xi32>
      %broadcast_in_dim3A_197 = arith.constant 0 : i32
      %broadcast_in_dim3A_198 = vector.broadcast %broadcast_in_dim3A_197 : i32 to vector<16xi32>
      %while3A = arith.constant false
      %while3A_199:6 = scf.while (%while3A_437 = %shift_right_arithmetic3A_190, %while3A_438 = %broadcast_in_dim3A_194, %while3A_439 = %while3A, %while3A_440 = %broadcast_in_dim3A_196, %while3A_441 = %broadcast_in_dim3A_192, %while3A_442 = %broadcast_in_dim3A_198) : (i32, vector<16xi32>, i1, vector<16xi32>, vector<16xi32>, vector<16xi32>) -> (i32, vector<16xi32>, i1, vector<16xi32>, vector<16xi32>, vector<16xi32>) {
        %not3A_443 = arith.constant true
        %not3A_444 = arith.xori %while3A_439, %not3A_443 : i1
        %ge3A_445 = arith.constant 0 : i32
        %ge3A_446 = arith.cmpi sge, %while3A_437, %ge3A_445 : i32
        %and3A = arith.andi %not3A_444, %ge3A_446 : i1
        scf.condition(%and3A) %while3A_437, %while3A_438, %while3A_439, %while3A_440, %while3A_441, %while3A_442 : i32, vector<16xi32>, i1, vector<16xi32>, vector<16xi32>, vector<16xi32>
      } do {
      ^bb0(%while3A_437: i32, %while3A_438: vector<16xi32>, %while3A_439: i1, %while3A_440: vector<16xi32>, %while3A_441: vector<16xi32>, %while3A_442: vector<16xi32>):
        %mul3A_443 = arith.constant 16 : i32
        %mul3A_444 = arith.muli %while3A_437, %mul3A_443 : i32
        %get3A_445 = arith.index_cast %mul3A_444 : i32 to index
        %get3A_446 = tpu.vector_load %arg17[%get3A_445] {strides = array<i32>} : memref<2048xi32, #tpu.memory_space<vmem>>, vector<16xi32>,
        %broadcast_in_dim3A_447 = arith.constant true
        %broadcast_in_dim3A_448 = vector.broadcast %broadcast_in_dim3A_447 : i1 to vector<16xi1>
        %masked_cumsum3A = tpu.scan <sum>, %get3A_446 masked %broadcast_in_dim3A_448 : vector<16xi32>, vector<16xi1> -> vector<16xi32>
        %broadcast_in_dim3A_449 = vector.shape_cast %broadcast_in_dim3A_2 : vector<16xi32> to vector<16x1xi32>
        %gather3A = vector.shape_cast %broadcast_in_dim3A_449 : vector<16x1xi32> to vector<16xi32>
        %gather3A_450 = tpu.dynamic_gather %masked_cumsum3A[%gather3A] in [0] : vector<16xi32>, vector<16xi32> -> vector<16xi32>
        %add3A_451 = arith.addi %while3A_438, %gather3A_450 : vector<16xi32>
        %sub3A_452 = arith.subi %add3A_451, %masked_cumsum3A : vector<16xi32>
        %add3A_453 = arith.addi %sub3A_452, %get3A_446 : vector<16xi32>
        %add3A_454 = arith.addi %while3A_438, %gather3A_450 : vector<16xi32>
        %ge3A_455 = arith.cmpi sge, %add3A_454, %while3A_441 : vector<16xi32>
        %reduce_or3A_456 = arith.constant 1.000000e+00 : f32
        %reduce_or3A_457 = arith.constant 0.000000e+00 : f32
        %reduce_or3A_458 = vector.broadcast %reduce_or3A_456 : f32 to vector<16xf32>
        %reduce_or3A_459 = vector.broadcast %reduce_or3A_457 : f32 to vector<16xf32>
        %reduce_or3A_460 = arith.select %ge3A_455, %reduce_or3A_458, %reduce_or3A_459 : vector<16xi1>, vector<16xf32>
        %reduce_or3A_461 = arith.constant true
        %reduce_or3A_462 = vector.broadcast %reduce_or3A_461 : i1 to vector<16xi1>
        %reduce_or3A_463 = tpu.scan <max>, %reduce_or3A_460 masked %reduce_or3A_462 : vector<16xf32>, vector<16xi1> -> vector<16xf32>
        %reduce_or3A_464 = vector.extract %reduce_or3A_463[15] : f32 from vector<16xf32>
        %reduce_or3A_465 = arith.constant 0.000000e+00 : f32
        %reduce_or3A_466 = arith.cmpf ogt, %reduce_or3A_464, %reduce_or3A_465 : f32
        %ge3A_467 = arith.cmpi sge, %add3A_453, %while3A_441 : vector<16xi32>
        %all_reduce_population_count3A = tpu.all_reduce %ge3A_467 {dim = 0 : i64, kind = #tpu.reduction_kind<sum>} : vector<16xi1> -> vector<16xi32>
        %sub3A_468 = arith.constant 1 : i32
        %sub3A_469 = vector.broadcast %sub3A_468 : i32 to vector<16xi32>
        %sub3A_470 = arith.subi %all_reduce_population_count3A, %sub3A_469 : vector<16xi32>
        %max3A_471 = arith.constant 0 : i32
        %max3A_472 = vector.broadcast %max3A_471 : i32 to vector<16xi32>
        %max3A_473 = arith.maxsi %sub3A_470, %max3A_472 : vector<16xi32>
        %broadcast_in_dim3A_474 = vector.shape_cast %max3A_473 : vector<16xi32> to vector<16x1xi32>
        %gather3A_475 = vector.shape_cast %broadcast_in_dim3A_474 : vector<16x1xi32> to vector<16xi32>
        %gather3A_476 = tpu.dynamic_gather %add3A_453[%gather3A_475] in [0] : vector<16xi32>, vector<16xi32> -> vector<16xi32>
        %broadcast_in_dim3A_477 = vector.shape_cast %max3A_473 : vector<16xi32> to vector<16x1xi32>
        %gather3A_478 = vector.shape_cast %broadcast_in_dim3A_477 : vector<16x1xi32> to vector<16xi32>
        %gather3A_479 = tpu.dynamic_gather %get3A_446[%gather3A_478] in [0] : vector<16xi32>, vector<16xi32> -> vector<16xi32>
        %mul3A_480 = arith.constant 16 : i32
        %mul3A_481 = arith.muli %while3A_437, %mul3A_480 : i32
        %add3A_482 = vector.broadcast %mul3A_481 : i32 to vector<16xi32>
        %add3A_483 = arith.addi %add3A_482, %max3A_473 : vector<16xi32>
        %sub3A_484 = arith.subi %gather3A_476, %gather3A_479 : vector<16xi32>
        %sub3A_485 = arith.subi %while3A_441, %sub3A_484 : vector<16xi32>
        %sub3A_486 = arith.constant 1 : i32
        %sub3A_487 = arith.subi %while3A_437, %sub3A_486 : i32
        %add3A_488 = arith.addi %while3A_438, %gather3A_450 : vector<16xi32>
        %select_n3A_489 = arith.select %reduce_or3A_466, %add3A_483, %while3A_440 : vector<16xi32>
        %select_n3A_490 = arith.select %reduce_or3A_466, %sub3A_485, %while3A_441 : vector<16xi32>
        %select_n3A_491 = arith.select %reduce_or3A_466, %gather3A_479, %while3A_442 : vector<16xi32>
        scf.yield %sub3A_487, %add3A_488, %reduce_or3A_466, %select_n3A_489, %select_n3A_490, %select_n3A_491 : i32, vector<16xi32>, i1, vector<16xi32>, vector<16xi32>, vector<16xi32>
      }
      %broadcast_in_dim3A_200 = arith.constant 0 : i32
      %broadcast_in_dim3A_201 = vector.broadcast %broadcast_in_dim3A_200 : i32 to vector<16xi32>
      %parallel_loop3A_202 = arith.constant 0 : i32
      %parallel_loop3A_203 = arith.constant 256 : i32
      %parallel_loop3A_204 = arith.constant 1 : i32
      %parallel_loop3A_205 = scf.for %parallel_loop3A_437 = %parallel_loop3A_202 to %parallel_loop3A_203 step %parallel_loop3A_204 iter_args(%parallel_loop3A_438 = %broadcast_in_dim3A_201) -> (vector<16xi32>)  : i32 {
        %parallel_loop3A_439 = arith.constant 16 : i32
        %parallel_loop3A_440 = arith.muli %parallel_loop3A_437, %parallel_loop3A_439 : i32
        %parallel_loop3A_441 = arith.index_cast %parallel_loop3A_440 : i32 to index
        %parallel_loop3A_442 = tpu.vector_load %arg12[%parallel_loop3A_441] {strides = array<i32>} : memref<4096xf32, #tpu.memory_space<vmem>>, vector<16xf32>,
        %parallel_loop3A_443 = vector.bitcast %parallel_loop3A_442 : vector<16xf32> to vector<16xi32>
        %parallel_loop3A_444 = arith.constant 20 : i32
        %parallel_loop3A_445 = vector.broadcast %parallel_loop3A_444 : i32 to vector<16xi32>
        %parallel_loop3A_446 = arith.shrui %parallel_loop3A_443, %parallel_loop3A_445 : vector<16xi32>
        %parallel_loop3A_447 = arith.cmpi eq, %parallel_loop3A_446, %while3A_199#3 : vector<16xi32>
        %parallel_loop3A_448 = arith.constant 10 : i32
        %parallel_loop3A_449 = vector.broadcast %parallel_loop3A_448 : i32 to vector<16xi32>
        %parallel_loop3A_450 = arith.shrui %parallel_loop3A_443, %parallel_loop3A_449 : vector<16xi32>
        %parallel_loop3A_451 = arith.constant 1023 : i32
        %parallel_loop3A_452 = vector.broadcast %parallel_loop3A_451 : i32 to vector<16xi32>
        %parallel_loop3A_453 = arith.andi %parallel_loop3A_450, %parallel_loop3A_452 : vector<16xi32>
        tpu.vector_store_idx %arg18[%parallel_loop3A_453], %broadcast_in_dim3A_0 masked %parallel_loop3A_447 {add = true} : memref<1024xi32, #tpu.memory_space<vmem>>[vector<16xi32>], vector<16xi32>, vector<16xi1>
        %parallel_loop3A_454 = arith.constant 0 : i32
        %parallel_loop3A_455 = vector.broadcast %parallel_loop3A_454 : i32 to vector<16xi32>
        %parallel_loop3A_456 = arith.select %parallel_loop3A_447, %parallel_loop3A_453, %parallel_loop3A_455 : vector<16xi1>, vector<16xi32>
        %parallel_loop3A_457 = arith.maxsi %parallel_loop3A_438, %parallel_loop3A_456 : vector<16xi32>
        scf.yield %parallel_loop3A_457 : vector<16xi32>
      } {sc.loop_unroll_factor = 8 : i64, sc.parallel_access}
      %reduce_max3A_206 = arith.constant true
      %reduce_max3A_207 = vector.broadcast %reduce_max3A_206 : i1 to vector<16xi1>
      %reduce_max3A_208 = arith.constant -2147483648 : i32
      %reduce_max3A_209 = vector.broadcast %reduce_max3A_208 : i32 to vector<16xi32>
      %reduce_max3A_210 = arith.xori %parallel_loop3A_205, %reduce_max3A_209 : vector<16xi32>
      %reduce_max3A_211 = tpu.scan <max>, %reduce_max3A_210 masked %reduce_max3A_207 : vector<16xi32>, vector<16xi1> -> vector<16xi32>
      %reduce_max3A_212 = arith.xori %reduce_max3A_211, %reduce_max3A_209 : vector<16xi32>
      %reduce_max3A_213 = vector.extract %reduce_max3A_212[15] : i32 from vector<16xi32>
      %shift_right_arithmetic3A_214 = arith.constant 4 : i32
      %shift_right_arithmetic3A_215 = arith.shrsi %reduce_max3A_213, %shift_right_arithmetic3A_214 : i32
      %broadcast_in_dim3A_216 = arith.constant 0 : i32
      %broadcast_in_dim3A_217 = vector.broadcast %broadcast_in_dim3A_216 : i32 to vector<16xi32>
      %broadcast_in_dim3A_218 = arith.constant 0 : i32
      %broadcast_in_dim3A_219 = vector.broadcast %broadcast_in_dim3A_218 : i32 to vector<16xi32>
      %broadcast_in_dim3A_220 = arith.constant 0 : i32
      %broadcast_in_dim3A_221 = vector.broadcast %broadcast_in_dim3A_220 : i32 to vector<16xi32>
      %while3A_222 = arith.constant false
      %while3A_223:6 = scf.while (%while3A_437 = %shift_right_arithmetic3A_215, %while3A_438 = %broadcast_in_dim3A_217, %while3A_439 = %while3A_222, %while3A_440 = %broadcast_in_dim3A_219, %while3A_441 = %while3A_199#4, %while3A_442 = %broadcast_in_dim3A_221) : (i32, vector<16xi32>, i1, vector<16xi32>, vector<16xi32>, vector<16xi32>) -> (i32, vector<16xi32>, i1, vector<16xi32>, vector<16xi32>, vector<16xi32>) {
        %not3A_443 = arith.constant true
        %not3A_444 = arith.xori %while3A_439, %not3A_443 : i1
        %ge3A_445 = arith.constant 0 : i32
        %ge3A_446 = arith.cmpi sge, %while3A_437, %ge3A_445 : i32
        %and3A = arith.andi %not3A_444, %ge3A_446 : i1
        scf.condition(%and3A) %while3A_437, %while3A_438, %while3A_439, %while3A_440, %while3A_441, %while3A_442 : i32, vector<16xi32>, i1, vector<16xi32>, vector<16xi32>, vector<16xi32>
      } do {
      ^bb0(%while3A_437: i32, %while3A_438: vector<16xi32>, %while3A_439: i1, %while3A_440: vector<16xi32>, %while3A_441: vector<16xi32>, %while3A_442: vector<16xi32>):
        %mul3A_443 = arith.constant 16 : i32
        %mul3A_444 = arith.muli %while3A_437, %mul3A_443 : i32
        %get3A_445 = arith.index_cast %mul3A_444 : i32 to index
        %get3A_446 = tpu.vector_load %arg18[%get3A_445] {strides = array<i32>} : memref<1024xi32, #tpu.memory_space<vmem>>, vector<16xi32>,
        %broadcast_in_dim3A_447 = arith.constant true
        %broadcast_in_dim3A_448 = vector.broadcast %broadcast_in_dim3A_447 : i1 to vector<16xi1>
        %masked_cumsum3A = tpu.scan <sum>, %get3A_446 masked %broadcast_in_dim3A_448 : vector<16xi32>, vector<16xi1> -> vector<16xi32>
        %broadcast_in_dim3A_449 = vector.shape_cast %broadcast_in_dim3A_2 : vector<16xi32> to vector<16x1xi32>
        %gather3A = vector.shape_cast %broadcast_in_dim3A_449 : vector<16x1xi32> to vector<16xi32>
        %gather3A_450 = tpu.dynamic_gather %masked_cumsum3A[%gather3A] in [0] : vector<16xi32>, vector<16xi32> -> vector<16xi32>
        %add3A_451 = arith.addi %while3A_438, %gather3A_450 : vector<16xi32>
        %sub3A_452 = arith.subi %add3A_451, %masked_cumsum3A : vector<16xi32>
        %add3A_453 = arith.addi %sub3A_452, %get3A_446 : vector<16xi32>
        %add3A_454 = arith.addi %while3A_438, %gather3A_450 : vector<16xi32>
        %ge3A_455 = arith.cmpi sge, %add3A_454, %while3A_441 : vector<16xi32>
        %reduce_or3A_456 = arith.constant 1.000000e+00 : f32
        %reduce_or3A_457 = arith.constant 0.000000e+00 : f32
        %reduce_or3A_458 = vector.broadcast %reduce_or3A_456 : f32 to vector<16xf32>
        %reduce_or3A_459 = vector.broadcast %reduce_or3A_457 : f32 to vector<16xf32>
        %reduce_or3A_460 = arith.select %ge3A_455, %reduce_or3A_458, %reduce_or3A_459 : vector<16xi1>, vector<16xf32>
        %reduce_or3A_461 = arith.constant true
        %reduce_or3A_462 = vector.broadcast %reduce_or3A_461 : i1 to vector<16xi1>
        %reduce_or3A_463 = tpu.scan <max>, %reduce_or3A_460 masked %reduce_or3A_462 : vector<16xf32>, vector<16xi1> -> vector<16xf32>
        %reduce_or3A_464 = vector.extract %reduce_or3A_463[15] : f32 from vector<16xf32>
        %reduce_or3A_465 = arith.constant 0.000000e+00 : f32
        %reduce_or3A_466 = arith.cmpf ogt, %reduce_or3A_464, %reduce_or3A_465 : f32
        %ge3A_467 = arith.cmpi sge, %add3A_453, %while3A_441 : vector<16xi32>
        %all_reduce_population_count3A = tpu.all_reduce %ge3A_467 {dim = 0 : i64, kind = #tpu.reduction_kind<sum>} : vector<16xi1> -> vector<16xi32>
        %sub3A_468 = arith.constant 1 : i32
        %sub3A_469 = vector.broadcast %sub3A_468 : i32 to vector<16xi32>
        %sub3A_470 = arith.subi %all_reduce_population_count3A, %sub3A_469 : vector<16xi32>
        %max3A_471 = arith.constant 0 : i32
        %max3A_472 = vector.broadcast %max3A_471 : i32 to vector<16xi32>
        %max3A_473 = arith.maxsi %sub3A_470, %max3A_472 : vector<16xi32>
        %broadcast_in_dim3A_474 = vector.shape_cast %max3A_473 : vector<16xi32> to vector<16x1xi32>
        %gather3A_475 = vector.shape_cast %broadcast_in_dim3A_474 : vector<16x1xi32> to vector<16xi32>
        %gather3A_476 = tpu.dynamic_gather %add3A_453[%gather3A_475] in [0] : vector<16xi32>, vector<16xi32> -> vector<16xi32>
        %broadcast_in_dim3A_477 = vector.shape_cast %max3A_473 : vector<16xi32> to vector<16x1xi32>
        %gather3A_478 = vector.shape_cast %broadcast_in_dim3A_477 : vector<16x1xi32> to vector<16xi32>
        %gather3A_479 = tpu.dynamic_gather %get3A_446[%gather3A_478] in [0] : vector<16xi32>, vector<16xi32> -> vector<16xi32>
        %mul3A_480 = arith.constant 16 : i32
        %mul3A_481 = arith.muli %while3A_437, %mul3A_480 : i32
        %add3A_482 = vector.broadcast %mul3A_481 : i32 to vector<16xi32>
        %add3A_483 = arith.addi %add3A_482, %max3A_473 : vector<16xi32>
        %sub3A_484 = arith.subi %gather3A_476, %gather3A_479 : vector<16xi32>
        %sub3A_485 = arith.subi %while3A_441, %sub3A_484 : vector<16xi32>
        %sub3A_486 = arith.constant 1 : i32
        %sub3A_487 = arith.subi %while3A_437, %sub3A_486 : i32
        %add3A_488 = arith.addi %while3A_438, %gather3A_450 : vector<16xi32>
        %select_n3A_489 = arith.select %reduce_or3A_466, %add3A_483, %while3A_440 : vector<16xi32>
        %select_n3A_490 = arith.select %reduce_or3A_466, %sub3A_485, %while3A_441 : vector<16xi32>
        %select_n3A_491 = arith.select %reduce_or3A_466, %gather3A_479, %while3A_442 : vector<16xi32>
        scf.yield %sub3A_487, %add3A_488, %reduce_or3A_466, %select_n3A_489, %select_n3A_490, %select_n3A_491 : i32, vector<16xi32>, i1, vector<16xi32>, vector<16xi32>, vector<16xi32>
      }
      %shift_left3A = arith.constant 10 : i32
      %shift_left3A_224 = vector.broadcast %shift_left3A : i32 to vector<16xi32>
      %shift_left3A_225 = arith.shli %while3A_199#3, %shift_left3A_224 : vector<16xi32>
      %or3A = arith.ori %shift_left3A_225, %while3A_223#3 : vector<16xi32>
      %parallel_loop3A_226 = arith.constant 0 : i32
      %parallel_loop3A_227 = arith.constant 64 : i32
      %parallel_loop3A_228 = arith.constant 1 : i32
      scf.for %parallel_loop3A_437 = %parallel_loop3A_226 to %parallel_loop3A_227 step %parallel_loop3A_228  : i32 {
        %parallel_loop3A_438 = arith.constant 0 : i32
        %parallel_loop3A_439 = vector.broadcast %parallel_loop3A_438 : i32 to vector<16xi32>
        %parallel_loop3A_440 = arith.constant 16 : i32
        %parallel_loop3A_441 = arith.muli %parallel_loop3A_437, %parallel_loop3A_440 : i32
        %parallel_loop3A_442 = arith.index_cast %parallel_loop3A_441 : i32 to index
        %parallel_loop3A_443 = tpu.vector_load %arg18[%parallel_loop3A_442] {strides = array<i32>} : memref<1024xi32, #tpu.memory_space<vmem>>, vector<16xi32>,
        tpu.vector_store %arg18[%parallel_loop3A_442], %parallel_loop3A_439 {strides = array<i32>} : memref<1024xi32, #tpu.memory_space<vmem>>, vector<16xi32>,
      } {sc.loop_unroll_factor = 8 : i64, sc.parallel_access}
      %broadcast_in_dim3A_229 = arith.constant 0 : i32
      %broadcast_in_dim3A_230 = vector.broadcast %broadcast_in_dim3A_229 : i32 to vector<16xi32>
      %parallel_loop3A_231 = arith.constant 0 : i32
      %parallel_loop3A_232 = arith.constant 256 : i32
      %parallel_loop3A_233 = arith.constant 1 : i32
      %parallel_loop3A_234 = scf.for %parallel_loop3A_437 = %parallel_loop3A_231 to %parallel_loop3A_232 step %parallel_loop3A_233 iter_args(%parallel_loop3A_438 = %broadcast_in_dim3A_230) -> (vector<16xi32>)  : i32 {
        %parallel_loop3A_439 = arith.constant 16 : i32
        %parallel_loop3A_440 = arith.muli %parallel_loop3A_437, %parallel_loop3A_439 : i32
        %parallel_loop3A_441 = arith.index_cast %parallel_loop3A_440 : i32 to index
        %parallel_loop3A_442 = tpu.vector_load %arg12[%parallel_loop3A_441] {strides = array<i32>} : memref<4096xf32, #tpu.memory_space<vmem>>, vector<16xf32>,
        %parallel_loop3A_443 = vector.bitcast %parallel_loop3A_442 : vector<16xf32> to vector<16xi32>
        %parallel_loop3A_444 = arith.constant 10 : i32
        %parallel_loop3A_445 = vector.broadcast %parallel_loop3A_444 : i32 to vector<16xi32>
        %parallel_loop3A_446 = arith.shrui %parallel_loop3A_443, %parallel_loop3A_445 : vector<16xi32>
        %parallel_loop3A_447 = arith.cmpi eq, %parallel_loop3A_446, %or3A : vector<16xi32>
        %parallel_loop3A_448 = arith.constant 1023 : i32
        %parallel_loop3A_449 = vector.broadcast %parallel_loop3A_448 : i32 to vector<16xi32>
        %parallel_loop3A_450 = arith.andi %parallel_loop3A_443, %parallel_loop3A_449 : vector<16xi32>
        tpu.vector_store_idx %arg18[%parallel_loop3A_450], %broadcast_in_dim3A_0 masked %parallel_loop3A_447 {add = true} : memref<1024xi32, #tpu.memory_space<vmem>>[vector<16xi32>], vector<16xi32>, vector<16xi1>
        %parallel_loop3A_451 = arith.constant 0 : i32
        %parallel_loop3A_452 = vector.broadcast %parallel_loop3A_451 : i32 to vector<16xi32>
        %parallel_loop3A_453 = arith.select %parallel_loop3A_447, %parallel_loop3A_450, %parallel_loop3A_452 : vector<16xi1>, vector<16xi32>
        %parallel_loop3A_454 = arith.maxsi %parallel_loop3A_438, %parallel_loop3A_453 : vector<16xi32>
        scf.yield %parallel_loop3A_454 : vector<16xi32>
      } {sc.loop_unroll_factor = 8 : i64, sc.parallel_access}
      %reduce_max3A_235 = arith.constant true
      %reduce_max3A_236 = vector.broadcast %reduce_max3A_235 : i1 to vector<16xi1>
      %reduce_max3A_237 = arith.constant -2147483648 : i32
      %reduce_max3A_238 = vector.broadcast %reduce_max3A_237 : i32 to vector<16xi32>
      %reduce_max3A_239 = arith.xori %parallel_loop3A_234, %reduce_max3A_238 : vector<16xi32>
      %reduce_max3A_240 = tpu.scan <max>, %reduce_max3A_239 masked %reduce_max3A_236 : vector<16xi32>, vector<16xi1> -> vector<16xi32>
      %reduce_max3A_241 = arith.xori %reduce_max3A_240, %reduce_max3A_238 : vector<16xi32>
      %reduce_max3A_242 = vector.extract %reduce_max3A_241[15] : i32 from vector<16xi32>
      %shift_right_arithmetic3A_243 = arith.constant 4 : i32
      %shift_right_arithmetic3A_244 = arith.shrsi %reduce_max3A_242, %shift_right_arithmetic3A_243 : i32
      %broadcast_in_dim3A_245 = arith.constant 0 : i32
      %broadcast_in_dim3A_246 = vector.broadcast %broadcast_in_dim3A_245 : i32 to vector<16xi32>
      %broadcast_in_dim3A_247 = arith.constant 0 : i32
      %broadcast_in_dim3A_248 = vector.broadcast %broadcast_in_dim3A_247 : i32 to vector<16xi32>
      %broadcast_in_dim3A_249 = arith.constant 0 : i32
      %broadcast_in_dim3A_250 = vector.broadcast %broadcast_in_dim3A_249 : i32 to vector<16xi32>
      %while3A_251 = arith.constant false
      %while3A_252:6 = scf.while (%while3A_437 = %shift_right_arithmetic3A_244, %while3A_438 = %broadcast_in_dim3A_246, %while3A_439 = %while3A_251, %while3A_440 = %broadcast_in_dim3A_248, %while3A_441 = %while3A_223#4, %while3A_442 = %broadcast_in_dim3A_250) : (i32, vector<16xi32>, i1, vector<16xi32>, vector<16xi32>, vector<16xi32>) -> (i32, vector<16xi32>, i1, vector<16xi32>, vector<16xi32>, vector<16xi32>) {
        %not3A_443 = arith.constant true
        %not3A_444 = arith.xori %while3A_439, %not3A_443 : i1
        %ge3A_445 = arith.constant 0 : i32
        %ge3A_446 = arith.cmpi sge, %while3A_437, %ge3A_445 : i32
        %and3A = arith.andi %not3A_444, %ge3A_446 : i1
        scf.condition(%and3A) %while3A_437, %while3A_438, %while3A_439, %while3A_440, %while3A_441, %while3A_442 : i32, vector<16xi32>, i1, vector<16xi32>, vector<16xi32>, vector<16xi32>
      } do {
      ^bb0(%while3A_437: i32, %while3A_438: vector<16xi32>, %while3A_439: i1, %while3A_440: vector<16xi32>, %while3A_441: vector<16xi32>, %while3A_442: vector<16xi32>):
        %mul3A_443 = arith.constant 16 : i32
        %mul3A_444 = arith.muli %while3A_437, %mul3A_443 : i32
        %get3A_445 = arith.index_cast %mul3A_444 : i32 to index
        %get3A_446 = tpu.vector_load %arg18[%get3A_445] {strides = array<i32>} : memref<1024xi32, #tpu.memory_space<vmem>>, vector<16xi32>,
        %broadcast_in_dim3A_447 = arith.constant true
        %broadcast_in_dim3A_448 = vector.broadcast %broadcast_in_dim3A_447 : i1 to vector<16xi1>
        %masked_cumsum3A = tpu.scan <sum>, %get3A_446 masked %broadcast_in_dim3A_448 : vector<16xi32>, vector<16xi1> -> vector<16xi32>
        %broadcast_in_dim3A_449 = vector.shape_cast %broadcast_in_dim3A_2 : vector<16xi32> to vector<16x1xi32>
        %gather3A = vector.shape_cast %broadcast_in_dim3A_449 : vector<16x1xi32> to vector<16xi32>
        %gather3A_450 = tpu.dynamic_gather %masked_cumsum3A[%gather3A] in [0] : vector<16xi32>, vector<16xi32> -> vector<16xi32>
        %add3A_451 = arith.addi %while3A_438, %gather3A_450 : vector<16xi32>
        %sub3A_452 = arith.subi %add3A_451, %masked_cumsum3A : vector<16xi32>
        %add3A_453 = arith.addi %sub3A_452, %get3A_446 : vector<16xi32>
        %add3A_454 = arith.addi %while3A_438, %gather3A_450 : vector<16xi32>
        %ge3A_455 = arith.cmpi sge, %add3A_454, %while3A_441 : vector<16xi32>
        %reduce_or3A_456 = arith.constant 1.000000e+00 : f32
        %reduce_or3A_457 = arith.constant 0.000000e+00 : f32
        %reduce_or3A_458 = vector.broadcast %reduce_or3A_456 : f32 to vector<16xf32>
        %reduce_or3A_459 = vector.broadcast %reduce_or3A_457 : f32 to vector<16xf32>
        %reduce_or3A_460 = arith.select %ge3A_455, %reduce_or3A_458, %reduce_or3A_459 : vector<16xi1>, vector<16xf32>
        %reduce_or3A_461 = arith.constant true
        %reduce_or3A_462 = vector.broadcast %reduce_or3A_461 : i1 to vector<16xi1>
        %reduce_or3A_463 = tpu.scan <max>, %reduce_or3A_460 masked %reduce_or3A_462 : vector<16xf32>, vector<16xi1> -> vector<16xf32>
        %reduce_or3A_464 = vector.extract %reduce_or3A_463[15] : f32 from vector<16xf32>
        %reduce_or3A_465 = arith.constant 0.000000e+00 : f32
        %reduce_or3A_466 = arith.cmpf ogt, %reduce_or3A_464, %reduce_or3A_465 : f32
        %ge3A_467 = arith.cmpi sge, %add3A_453, %while3A_441 : vector<16xi32>
        %all_reduce_population_count3A = tpu.all_reduce %ge3A_467 {dim = 0 : i64, kind = #tpu.reduction_kind<sum>} : vector<16xi1> -> vector<16xi32>
        %sub3A_468 = arith.constant 1 : i32
        %sub3A_469 = vector.broadcast %sub3A_468 : i32 to vector<16xi32>
        %sub3A_470 = arith.subi %all_reduce_population_count3A, %sub3A_469 : vector<16xi32>
        %max3A_471 = arith.constant 0 : i32
        %max3A_472 = vector.broadcast %max3A_471 : i32 to vector<16xi32>
        %max3A_473 = arith.maxsi %sub3A_470, %max3A_472 : vector<16xi32>
        %broadcast_in_dim3A_474 = vector.shape_cast %max3A_473 : vector<16xi32> to vector<16x1xi32>
        %gather3A_475 = vector.shape_cast %broadcast_in_dim3A_474 : vector<16x1xi32> to vector<16xi32>
        %gather3A_476 = tpu.dynamic_gather %add3A_453[%gather3A_475] in [0] : vector<16xi32>, vector<16xi32> -> vector<16xi32>
        %broadcast_in_dim3A_477 = vector.shape_cast %max3A_473 : vector<16xi32> to vector<16x1xi32>
        %gather3A_478 = vector.shape_cast %broadcast_in_dim3A_477 : vector<16x1xi32> to vector<16xi32>
        %gather3A_479 = tpu.dynamic_gather %get3A_446[%gather3A_478] in [0] : vector<16xi32>, vector<16xi32> -> vector<16xi32>
        %mul3A_480 = arith.constant 16 : i32
        %mul3A_481 = arith.muli %while3A_437, %mul3A_480 : i32
        %add3A_482 = vector.broadcast %mul3A_481 : i32 to vector<16xi32>
        %add3A_483 = arith.addi %add3A_482, %max3A_473 : vector<16xi32>
        %sub3A_484 = arith.subi %gather3A_476, %gather3A_479 : vector<16xi32>
        %sub3A_485 = arith.subi %while3A_441, %sub3A_484 : vector<16xi32>
        %sub3A_486 = arith.constant 1 : i32
        %sub3A_487 = arith.subi %while3A_437, %sub3A_486 : i32
        %add3A_488 = arith.addi %while3A_438, %gather3A_450 : vector<16xi32>
        %select_n3A_489 = arith.select %reduce_or3A_466, %add3A_483, %while3A_440 : vector<16xi32>
        %select_n3A_490 = arith.select %reduce_or3A_466, %sub3A_485, %while3A_441 : vector<16xi32>
        %select_n3A_491 = arith.select %reduce_or3A_466, %gather3A_479, %while3A_442 : vector<16xi32>
        scf.yield %sub3A_487, %add3A_488, %reduce_or3A_466, %select_n3A_489, %select_n3A_490, %select_n3A_491 : i32, vector<16xi32>, i1, vector<16xi32>, vector<16xi32>, vector<16xi32>
      }
      %shift_left3A_253 = arith.constant 10 : i32
      %shift_left3A_254 = vector.broadcast %shift_left3A_253 : i32 to vector<16xi32>
      %shift_left3A_255 = arith.shli %or3A, %shift_left3A_254 : vector<16xi32>
      %or3A_256 = arith.ori %shift_left3A_255, %while3A_252#3 : vector<16xi32>
      %sub3A_257 = arith.subi %add3A_150, %mul3A_7 : i32
      %ge3A_258 = arith.constant 2 : i32
      %ge3A_259 = arith.cmpi sge, %sub3A_257, %ge3A_258 : i32
      %convert_element_type3A_260 = arith.extui %ge3A_259 : i1 to i32
      %cond3A_261 = arith.constant 0 : i32
      %cond3A_262 = arith.cmpi ne, %convert_element_type3A_260, %cond3A_261 : i32
      scf.if %cond3A_262 {
        %sub3A_437 = arith.constant 2 : i32
        %sub3A_438 = arith.subi %add3A_150, %sub3A_437 : i32
        %dma_wait3A_439 = arith.constant 0 : i32
        %dma_wait3A_440 = tpu.memref_slice %arg5[%sub3A_438, %dma_wait3A_439] : memref<4096x4096xf32, #tpu.memory_space<hbm>> -> memref<1x4096xf32, #tpu.memory_space<hbm>>
        %dma_wait3A_441 = tpu.memref_squeeze %dma_wait3A_440 : memref<1x4096xf32, #tpu.memory_space<hbm>> -> memref<4096xf32, #tpu.memory_space<hbm>>
        %dma_wait3A_442 = arith.constant 0 : i32
        %dma_wait3A_443 = tpu.memref_slice %arg5[%sub3A_438, %dma_wait3A_442] : memref<4096x4096xf32, #tpu.memory_space<hbm>> -> memref<1x4096xf32, #tpu.memory_space<hbm>>
        %dma_wait3A_444 = tpu.memref_squeeze %dma_wait3A_443 : memref<1x4096xf32, #tpu.memory_space<hbm>> -> memref<4096xf32, #tpu.memory_space<hbm>>
        tpu.wait_dma2 semaphore(%arg22 : memref<!tpu.dma_semaphore, #tpu.memory_space<semaphore_mem>>) src(%arg13 : memref<4096xf32, #tpu.memory_space<vmem>>) dst(%dma_wait3A_444 : memref<4096xf32, #tpu.memory_space<hbm>>)
      } else {
      }
      %eq3A_263 = arith.cmpi eq, %while3A_252#5, %while3A_252#4 : vector<16xi32>
      %reduce_or3A = arith.constant 1.000000e+00 : f32
      %reduce_or3A_264 = arith.constant 0.000000e+00 : f32
      %reduce_or3A_265 = vector.broadcast %reduce_or3A : f32 to vector<16xf32>
      %reduce_or3A_266 = vector.broadcast %reduce_or3A_264 : f32 to vector<16xf32>
      %reduce_or3A_267 = arith.select %eq3A_263, %reduce_or3A_265, %reduce_or3A_266 : vector<16xi1>, vector<16xf32>
      %reduce_or3A_268 = arith.constant true
      %reduce_or3A_269 = vector.broadcast %reduce_or3A_268 : i1 to vector<16xi1>
      %reduce_or3A_270 = tpu.scan <max>, %reduce_or3A_267 masked %reduce_or3A_269 : vector<16xf32>, vector<16xi1> -> vector<16xf32>
      %reduce_or3A_271 = vector.extract %reduce_or3A_270[15] : f32 from vector<16xf32>
      %reduce_or3A_272 = arith.constant 0.000000e+00 : f32
      %reduce_or3A_273 = arith.cmpf ogt, %reduce_or3A_271, %reduce_or3A_272 : f32
      %convert_element_type3A_274 = arith.extui %reduce_or3A_273 : i1 to i32
      %cond3A_275 = arith.constant 0 : i32
      %cond3A_276 = arith.cmpi ne, %convert_element_type3A_274, %cond3A_275 : i32
      scf.if %cond3A_276 {
        %parallel_loop3A_437 = arith.constant 0 : i32
        %parallel_loop3A_438 = arith.constant 256 : i32
        %parallel_loop3A_439 = arith.constant 1 : i32
        scf.for %parallel_loop3A_440 = %parallel_loop3A_437 to %parallel_loop3A_438 step %parallel_loop3A_439  : i32 {
          %parallel_loop3A_441 = arith.constant 16 : i32
          %parallel_loop3A_442 = arith.muli %parallel_loop3A_440, %parallel_loop3A_441 : i32
          %parallel_loop3A_443 = arith.index_cast %parallel_loop3A_442 : i32 to index
          %parallel_loop3A_444 = tpu.vector_load %arg12[%parallel_loop3A_443] {strides = array<i32>} : memref<4096xf32, #tpu.memory_space<vmem>>, vector<16xf32>,
          %parallel_loop3A_445 = vector.bitcast %parallel_loop3A_444 : vector<16xf32> to vector<16xi32>
          %parallel_loop3A_446 = arith.index_cast %parallel_loop3A_442 : i32 to index
          %parallel_loop3A_447 = tpu.vector_load %arg8[%parallel_loop3A_446] {strides = array<i32>} : memref<4096xf32, #tpu.memory_space<vmem>>, vector<16xf32>,
          %parallel_loop3A_448 = arith.cmpi ult, %parallel_loop3A_445, %or3A_256 : vector<16xi32>
          %parallel_loop3A_449 = arith.constant 0.000000e+00 : f32
          %parallel_loop3A_450 = vector.broadcast %parallel_loop3A_449 : f32 to vector<16xf32>
          %parallel_loop3A_451 = arith.select %parallel_loop3A_448, %parallel_loop3A_447, %parallel_loop3A_450 : vector<16xi1>, vector<16xf32>
          %parallel_loop3A_452 = arith.index_cast %parallel_loop3A_442 : i32 to index
          %parallel_loop3A_453 = tpu.vector_load %arg13[%parallel_loop3A_452] {strides = array<i32>} : memref<4096xf32, #tpu.memory_space<vmem>>, vector<16xf32>,
          tpu.vector_store %arg13[%parallel_loop3A_452], %parallel_loop3A_451 {strides = array<i32>} : memref<4096xf32, #tpu.memory_space<vmem>>, vector<16xf32>,
        } {sc.loop_unroll_factor = 8 : i64, sc.parallel_access}
      } else {
      }
      %not3A = arith.constant true
      %not3A_277 = arith.xori %reduce_or3A_273, %not3A : i1
      %convert_element_type3A_278 = arith.extui %not3A_277 : i1 to i32
      %cond3A_279 = arith.constant 0 : i32
      %cond3A_280 = arith.cmpi ne, %convert_element_type3A_278, %cond3A_279 : i32
      scf.if %cond3A_280 {
        %broadcast_in_dim3A_437 = arith.constant 0 : i32
        %broadcast_in_dim3A_438 = vector.broadcast %broadcast_in_dim3A_437 : i32 to vector<16xi32>
        %scan3A_439 = arith.constant 0 : i32
        %scan3A_440 = arith.constant 256 : i32
        %scan3A_441 = arith.addi %scan3A_439, %scan3A_440 : i32
        %scan3A_442 = arith.constant 1 : i32
        %scan3A_443 = scf.for %scan3A_445 = %scan3A_439 to %scan3A_441 step %scan3A_442 iter_args(%scan3A_446 = %broadcast_in_dim3A_438) -> (vector<16xi32>)  : i32 {
          %mul3A_447 = arith.constant 16 : i32
          %mul3A_448 = arith.muli %scan3A_445, %mul3A_447 : i32
          %get3A_449 = arith.index_cast %mul3A_448 : i32 to index
          %get3A_450 = tpu.vector_load %arg12[%get3A_449] {strides = array<i32>} : memref<4096xf32, #tpu.memory_space<vmem>>, vector<16xf32>,
          %bitcast3A = vector.bitcast %get3A_450 : vector<16xf32> to vector<16xi32>
          %get3A_451 = arith.index_cast %mul3A_448 : i32 to index
          %get3A_452 = tpu.vector_load %arg8[%get3A_451] {strides = array<i32>} : memref<4096xf32, #tpu.memory_space<vmem>>, vector<16xf32>,
          %eq3A_453 = arith.cmpi eq, %bitcast3A, %or3A_256 : vector<16xi32>
          %convert_element_type3A_454 = arith.extui %eq3A_453 : vector<16xi1> to vector<16xi32>
          %broadcast_in_dim3A_455 = arith.constant true
          %broadcast_in_dim3A_456 = vector.broadcast %broadcast_in_dim3A_455 : i1 to vector<16xi1>
          %masked_cumsum3A = tpu.scan <sum>, %convert_element_type3A_454 masked %broadcast_in_dim3A_456 : vector<16xi32>, vector<16xi1> -> vector<16xi32>
          %add3A_457 = arith.addi %masked_cumsum3A, %scan3A_446 : vector<16xi32>
          %gt3A = arith.cmpi ugt, %bitcast3A, %or3A_256 : vector<16xi32>
          %le3A = arith.cmpi sle, %add3A_457, %while3A_252#4 : vector<16xi32>
          %and3A = arith.andi %eq3A_453, %le3A : vector<16xi1>
          %or3A_458 = arith.ori %gt3A, %and3A : vector<16xi1>
          %jit3A_459 = arith.constant 0.000000e+00 : f32
          %broadcast_in_dim3A_460 = vector.broadcast %jit3A_459 : f32 to vector<16xf32>
          %select_n3A_461 = arith.select %or3A_458, %broadcast_in_dim3A_460, %get3A_452 : vector<16xi1>, vector<16xf32>
          %swap3A = arith.index_cast %mul3A_448 : i32 to index
          %swap3A_462 = tpu.vector_load %arg13[%swap3A] {strides = array<i32>} : memref<4096xf32, #tpu.memory_space<vmem>>, vector<16xf32>,
          tpu.vector_store %arg13[%swap3A], %select_n3A_461 {strides = array<i32>} : memref<4096xf32, #tpu.memory_space<vmem>>, vector<16xf32>,
          %broadcast_in_dim3A_463 = vector.shape_cast %broadcast_in_dim3A_2 : vector<16xi32> to vector<16x1xi32>
          %gather3A = vector.shape_cast %broadcast_in_dim3A_463 : vector<16x1xi32> to vector<16xi32>
          %gather3A_464 = tpu.dynamic_gather %add3A_457[%gather3A] in [0] : vector<16xi32>, vector<16xi32> -> vector<16xi32>
          scf.yield %gather3A_464 : vector<16xi32>
        }
        %scan3A_444 = arith.constant 256 : i32
      } else {
      }
      %dma_start3A_281 = arith.constant 0 : i32
      %dma_start3A_282 = tpu.memref_slice %arg5[%add3A_150, %dma_start3A_281] : memref<4096x4096xf32, #tpu.memory_space<hbm>> -> memref<1x4096xf32, #tpu.memory_space<hbm>>
      %dma_start3A_283 = tpu.memref_squeeze %dma_start3A_282 : memref<1x4096xf32, #tpu.memory_space<hbm>> -> memref<4096xf32, #tpu.memory_space<hbm>>
      %dma_start3A_284 = arith.constant 0 : i32
      %dma_start3A_285 = tpu.memref_slice %arg5[%add3A_150, %dma_start3A_284] : memref<4096x4096xf32, #tpu.memory_space<hbm>> -> memref<1x4096xf32, #tpu.memory_space<hbm>>
      %dma_start3A_286 = tpu.memref_squeeze %dma_start3A_285 : memref<1x4096xf32, #tpu.memory_space<hbm>> -> memref<4096xf32, #tpu.memory_space<hbm>>
      tpu.enqueue_dma source(%arg13 : memref<4096xf32, #tpu.memory_space<vmem>>) target(%dma_start3A_286 : memref<4096xf32, #tpu.memory_space<hbm>>) target_semaphore(%arg22 : memref<!tpu.dma_semaphore, #tpu.memory_space<semaphore_mem>>)
      %mul3A_287 = arith.constant 2 : i32
      %mul3A_288 = arith.muli %mul3A_287, %scan3A_144 : i32
      %add3A_289 = arith.addi %mul3A_7, %mul3A_288 : i32
      %add3A_290 = arith.constant 1 : i32
      %add3A_291 = arith.addi %add3A_289, %add3A_290 : i32
      %sub3A_292 = arith.subi %add3A_291, %mul3A_7 : i32
      %lt3A_293 = arith.constant 127 : i32
      %lt3A_294 = arith.cmpi slt, %sub3A_292, %lt3A_293 : i32
      %convert_element_type3A_295 = arith.extui %lt3A_294 : i1 to i32
      %cond3A_296 = arith.constant 0 : i32
      %cond3A_297 = arith.cmpi ne, %convert_element_type3A_295, %cond3A_296 : i32
      scf.if %cond3A_297 {
        %add3A_437 = arith.constant 1 : i32
        %add3A_438 = arith.addi %add3A_291, %add3A_437 : i32
        %dma_wait3A_439 = arith.constant 0 : i32
        %dma_wait3A_440 = tpu.memref_slice %arg3[%add3A_438, %dma_wait3A_439] : memref<4096x1000xf32, #tpu.memory_space<hbm>> -> memref<1x1000xf32, #tpu.memory_space<hbm>>
        %dma_wait3A_441 = tpu.memref_squeeze %dma_wait3A_440 : memref<1x1000xf32, #tpu.memory_space<hbm>> -> memref<1000xf32, #tpu.memory_space<hbm>>
        %dma_wait3A_442 = arith.constant 0 : i32
        %dma_wait3A_443 = tpu.memref_slice %arg3[%add3A_438, %dma_wait3A_442] : memref<4096x1000xf32, #tpu.memory_space<hbm>> -> memref<1x1000xf32, #tpu.memory_space<hbm>>
        %dma_wait3A_444 = tpu.memref_squeeze %dma_wait3A_443 : memref<1x1000xf32, #tpu.memory_space<hbm>> -> memref<1000xf32, #tpu.memory_space<hbm>>
        tpu.wait_dma2 semaphore(%arg19 : memref<!tpu.dma_semaphore, #tpu.memory_space<semaphore_mem>>) src(%dma_wait3A_444 : memref<1000xf32, #tpu.memory_space<hbm>>) dst(%arg6 : memref<1000xf32, #tpu.memory_space<vmem>>)
        %add3A_445 = arith.constant 1 : i32
        %add3A_446 = arith.addi %add3A_291, %add3A_445 : i32
        %parallel_loop3A_447 = arith.constant 0 : i32
        %parallel_loop3A_448 = arith.constant 62 : i32
        %parallel_loop3A_449 = arith.constant 1 : i32
        %parallel_loop3A_450:2 = scf.for %parallel_loop3A_561 = %parallel_loop3A_447 to %parallel_loop3A_448 step %parallel_loop3A_449 iter_args(%parallel_loop3A_562 = %broadcast_in_dim3A_4, %parallel_loop3A_563 = %broadcast_in_dim3A_4) -> (vector<16xf32>, vector<16xf32>)  : i32 {
          %parallel_loop3A_564 = arith.constant 16 : i32
          %parallel_loop3A_565 = arith.muli %parallel_loop3A_561, %parallel_loop3A_564 : i32
          %parallel_loop3A_566 = arith.index_cast %parallel_loop3A_565 : i32 to index
          %parallel_loop3A_567 = tpu.vector_load %arg6[%parallel_loop3A_566] {strides = array<i32>} : memref<1000xf32, #tpu.memory_space<vmem>>, vector<16xf32>,
          %parallel_loop3A_568 = arith.minimumf %parallel_loop3A_562, %parallel_loop3A_567 : vector<16xf32>
          %parallel_loop3A_569 = arith.maximumf %parallel_loop3A_563, %parallel_loop3A_568 : vector<16xf32>
          %parallel_loop3A_570 = arith.maximumf %parallel_loop3A_562, %parallel_loop3A_567 : vector<16xf32>
          scf.yield %parallel_loop3A_570, %parallel_loop3A_569 : vector<16xf32>, vector<16xf32>
        } {sc.loop_unroll_factor = 8 : i64, sc.parallel_access}
        %get3A_451 = arith.constant 984 : index
        %get3A_452 = tpu.vector_load %arg6[%get3A_451] {strides = array<i32>} : memref<1000xf32, #tpu.memory_space<vmem>>, vector<16xf32>,
        %ge3A_453 = arith.constant 8 : i32
        %ge3A_454 = vector.broadcast %ge3A_453 : i32 to vector<16xi32>
        %ge3A_455 = arith.cmpi sge, %iota3A, %ge3A_454 : vector<16xi32>
        %select_n3A_456 = arith.select %ge3A_455, %get3A_452, %broadcast_in_dim3A_4 : vector<16xi1>, vector<16xf32>
        %min3A_457 = arith.minimumf %parallel_loop3A_450#0, %select_n3A_456 : vector<16xf32>
        %max3A_458 = arith.maximumf %parallel_loop3A_450#1, %min3A_457 : vector<16xf32>
        %max3A_459 = arith.maximumf %parallel_loop3A_450#0, %select_n3A_456 : vector<16xf32>
        %reduce_max3A_460 = arith.constant true
        %reduce_max3A_461 = vector.broadcast %reduce_max3A_460 : i1 to vector<16xi1>
        %reduce_max3A_462 = tpu.scan <max>, %max3A_459 masked %reduce_max3A_461 : vector<16xf32>, vector<16xi1> -> vector<16xf32>
        %reduce_max3A_463 = vector.extract %reduce_max3A_462[15] : f32 from vector<16xf32>
        %eq3A_464 = vector.broadcast %reduce_max3A_463 : f32 to vector<16xf32>
        %eq3A_465 = arith.cmpf oeq, %max3A_459, %eq3A_464 : vector<16xf32>
        %all_reduce_ffs3A_466 = tpu.all_reduce %eq3A_465 {dim = 0 : i64, kind = #tpu.reduction_kind<find_first_set>} : vector<16xi1> -> vector<16xi32>
        %reduce_max3A_467 = arith.constant true
        %reduce_max3A_468 = vector.broadcast %reduce_max3A_467 : i1 to vector<16xi1>
        %reduce_max3A_469 = arith.constant -2147483648 : i32
        %reduce_max3A_470 = vector.broadcast %reduce_max3A_469 : i32 to vector<16xi32>
        %reduce_max3A_471 = arith.xori %all_reduce_ffs3A_466, %reduce_max3A_470 : vector<16xi32>
        %reduce_max3A_472 = tpu.scan <max>, %reduce_max3A_471 masked %reduce_max3A_468 : vector<16xi32>, vector<16xi1> -> vector<16xi32>
        %reduce_max3A_473 = arith.xori %reduce_max3A_472, %reduce_max3A_470 : vector<16xi32>
        %reduce_max3A_474 = vector.extract %reduce_max3A_473[15] : i32 from vector<16xi32>
        %eq3A_475 = vector.broadcast %reduce_max3A_474 : i32 to vector<16xi32>
        %eq3A_476 = arith.cmpi eq, %iota3A, %eq3A_475 : vector<16xi32>
        %select_n3A_477 = arith.select %eq3A_476, %broadcast_in_dim3A_4, %max3A_459 : vector<16xi1>, vector<16xf32>
        %reduce_max3A_478 = arith.constant true
        %reduce_max3A_479 = vector.broadcast %reduce_max3A_478 : i1 to vector<16xi1>
        %reduce_max3A_480 = tpu.scan <max>, %select_n3A_477 masked %reduce_max3A_479 : vector<16xf32>, vector<16xi1> -> vector<16xf32>
        %reduce_max3A_481 = vector.extract %reduce_max3A_480[15] : f32 from vector<16xf32>
        %reduce_max3A_482 = arith.constant true
        %reduce_max3A_483 = vector.broadcast %reduce_max3A_482 : i1 to vector<16xi1>
        %reduce_max3A_484 = tpu.scan <max>, %max3A_458 masked %reduce_max3A_483 : vector<16xf32>, vector<16xi1> -> vector<16xf32>
        %reduce_max3A_485 = vector.extract %reduce_max3A_484[15] : f32 from vector<16xf32>
        %max3A_486 = arith.maximumf %reduce_max3A_481, %reduce_max3A_485 : f32
        %broadcast_in_dim3A_487 = arith.constant 1048576 : i32
        %broadcast_in_dim3A_488 = vector.broadcast %broadcast_in_dim3A_487 : i32 to vector<16xi32>
        %parallel_loop3A_489 = arith.constant 0 : i32
        %parallel_loop3A_490 = arith.constant 63 : i32
        %parallel_loop3A_491 = arith.constant 1 : i32
        %parallel_loop3A_492:3 = scf.for %parallel_loop3A_561 = %parallel_loop3A_489 to %parallel_loop3A_490 step %parallel_loop3A_491 iter_args(%parallel_loop3A_562 = %broadcast_in_dim3A_488, %parallel_loop3A_563 = %broadcast_in_dim3A_488, %parallel_loop3A_564 = %broadcast_in_dim3A_488) -> (vector<16xi32>, vector<16xi32>, vector<16xi32>)  : i32 {
          %parallel_loop3A_565 = arith.constant 62 : i32
          %parallel_loop3A_566 = arith.cmpi slt, %parallel_loop3A_561, %parallel_loop3A_565 : i32
          %parallel_loop3A_567 = arith.constant 16 : i32
          %parallel_loop3A_568 = arith.muli %parallel_loop3A_561, %parallel_loop3A_567 : i32
          %parallel_loop3A_569 = arith.constant 984 : i32
          %parallel_loop3A_570 = arith.select %parallel_loop3A_566, %parallel_loop3A_568, %parallel_loop3A_569 : i32
          %parallel_loop3A_571 = arith.constant 62 : i32
          %parallel_loop3A_572 = arith.cmpi slt, %parallel_loop3A_561, %parallel_loop3A_571 : i32
          %parallel_loop3A_573 = arith.constant 0 : i32
          %parallel_loop3A_574 = arith.constant 8 : i32
          %parallel_loop3A_575 = arith.select %parallel_loop3A_572, %parallel_loop3A_573, %parallel_loop3A_574 : i32
          %parallel_loop3A_576 = arith.index_cast %parallel_loop3A_570 : i32 to index
          %parallel_loop3A_577 = tpu.vector_load %arg6[%parallel_loop3A_576] {strides = array<i32>} : memref<1000xf32, #tpu.memory_space<vmem>>, vector<16xf32>,
          %parallel_loop3A_578 = vector.broadcast %parallel_loop3A_570 : i32 to vector<16xi32>
          %parallel_loop3A_579 = arith.addi %iota3A, %parallel_loop3A_578 : vector<16xi32>
          %parallel_loop3A_580 = vector.broadcast %parallel_loop3A_575 : i32 to vector<16xi32>
          %parallel_loop3A_581 = arith.cmpi sge, %iota3A, %parallel_loop3A_580 : vector<16xi32>
          %parallel_loop3A_582 = vector.broadcast %reduce_max3A_463 : f32 to vector<16xf32>
          %parallel_loop3A_583 = arith.cmpf oeq, %parallel_loop3A_577, %parallel_loop3A_582 : vector<16xf32>
          %parallel_loop3A_584 = arith.andi %parallel_loop3A_583, %parallel_loop3A_581 : vector<16xi1>
          %parallel_loop3A_585 = vector.broadcast %scan3A : i32 to vector<16xi32>
          %parallel_loop3A_586 = arith.select %parallel_loop3A_584, %parallel_loop3A_579, %parallel_loop3A_585 : vector<16xi1>, vector<16xi32>
          %parallel_loop3A_587 = arith.maxsi %parallel_loop3A_562, %parallel_loop3A_586 : vector<16xi32>
          %parallel_loop3A_588 = arith.minsi %parallel_loop3A_563, %parallel_loop3A_587 : vector<16xi32>
          %parallel_loop3A_589 = arith.minsi %parallel_loop3A_562, %parallel_loop3A_586 : vector<16xi32>
          %parallel_loop3A_590 = vector.broadcast %max3A_486 : f32 to vector<16xf32>
          %parallel_loop3A_591 = arith.cmpf oeq, %parallel_loop3A_577, %parallel_loop3A_590 : vector<16xf32>
          %parallel_loop3A_592 = arith.andi %parallel_loop3A_591, %parallel_loop3A_581 : vector<16xi1>
          %parallel_loop3A_593 = vector.broadcast %scan3A : i32 to vector<16xi32>
          %parallel_loop3A_594 = arith.select %parallel_loop3A_592, %parallel_loop3A_579, %parallel_loop3A_593 : vector<16xi1>, vector<16xi32>
          %parallel_loop3A_595 = arith.minsi %parallel_loop3A_564, %parallel_loop3A_594 : vector<16xi32>
          scf.yield %parallel_loop3A_589, %parallel_loop3A_588, %parallel_loop3A_595 : vector<16xi32>, vector<16xi32>, vector<16xi32>
        } {sc.loop_unroll_factor = 4 : i64, sc.parallel_access}
        %reduce_min3A_493 = arith.constant true
        %reduce_min3A_494 = vector.broadcast %reduce_min3A_493 : i1 to vector<16xi1>
        %reduce_min3A_495 = arith.constant -2147483648 : i32
        %reduce_min3A_496 = vector.broadcast %reduce_min3A_495 : i32 to vector<16xi32>
        %reduce_min3A_497 = arith.xori %parallel_loop3A_492#0, %reduce_min3A_496 : vector<16xi32>
        %reduce_min3A_498 = tpu.scan <min>, %reduce_min3A_497 masked %reduce_min3A_494 : vector<16xi32>, vector<16xi1> -> vector<16xi32>
        %reduce_min3A_499 = arith.xori %reduce_min3A_498, %reduce_min3A_496 : vector<16xi32>
        %reduce_min3A_500 = vector.extract %reduce_min3A_499[15] : i32 from vector<16xi32>
        %eq3A_501 = vector.broadcast %reduce_min3A_500 : i32 to vector<16xi32>
        %eq3A_502 = arith.cmpi eq, %parallel_loop3A_492#0, %eq3A_501 : vector<16xi32>
        %all_reduce_ffs3A_503 = tpu.all_reduce %eq3A_502 {dim = 0 : i64, kind = #tpu.reduction_kind<find_first_set>} : vector<16xi1> -> vector<16xi32>
        %reduce_max3A_504 = arith.constant true
        %reduce_max3A_505 = vector.broadcast %reduce_max3A_504 : i1 to vector<16xi1>
        %reduce_max3A_506 = arith.constant -2147483648 : i32
        %reduce_max3A_507 = vector.broadcast %reduce_max3A_506 : i32 to vector<16xi32>
        %reduce_max3A_508 = arith.xori %all_reduce_ffs3A_503, %reduce_max3A_507 : vector<16xi32>
        %reduce_max3A_509 = tpu.scan <max>, %reduce_max3A_508 masked %reduce_max3A_505 : vector<16xi32>, vector<16xi1> -> vector<16xi32>
        %reduce_max3A_510 = arith.xori %reduce_max3A_509, %reduce_max3A_507 : vector<16xi32>
        %reduce_max3A_511 = vector.extract %reduce_max3A_510[15] : i32 from vector<16xi32>
        %eq3A_512 = vector.broadcast %reduce_max3A_511 : i32 to vector<16xi32>
        %eq3A_513 = arith.cmpi eq, %iota3A, %eq3A_512 : vector<16xi32>
        %broadcast_in_dim3A_514 = vector.broadcast %scan3A : i32 to vector<16xi32>
        %select_n3A_515 = arith.select %eq3A_513, %broadcast_in_dim3A_514, %parallel_loop3A_492#0 : vector<16xi1>, vector<16xi32>
        %reduce_min3A_516 = arith.constant true
        %reduce_min3A_517 = vector.broadcast %reduce_min3A_516 : i1 to vector<16xi1>
        %reduce_min3A_518 = arith.constant -2147483648 : i32
        %reduce_min3A_519 = vector.broadcast %reduce_min3A_518 : i32 to vector<16xi32>
        %reduce_min3A_520 = arith.xori %select_n3A_515, %reduce_min3A_519 : vector<16xi32>
        %reduce_min3A_521 = tpu.scan <min>, %reduce_min3A_520 masked %reduce_min3A_517 : vector<16xi32>, vector<16xi1> -> vector<16xi32>
        %reduce_min3A_522 = arith.xori %reduce_min3A_521, %reduce_min3A_519 : vector<16xi32>
        %reduce_min3A_523 = vector.extract %reduce_min3A_522[15] : i32 from vector<16xi32>
        %reduce_min3A_524 = arith.constant true
        %reduce_min3A_525 = vector.broadcast %reduce_min3A_524 : i1 to vector<16xi1>
        %reduce_min3A_526 = arith.constant -2147483648 : i32
        %reduce_min3A_527 = vector.broadcast %reduce_min3A_526 : i32 to vector<16xi32>
        %reduce_min3A_528 = arith.xori %parallel_loop3A_492#1, %reduce_min3A_527 : vector<16xi32>
        %reduce_min3A_529 = tpu.scan <min>, %reduce_min3A_528 masked %reduce_min3A_525 : vector<16xi32>, vector<16xi1> -> vector<16xi32>
        %reduce_min3A_530 = arith.xori %reduce_min3A_529, %reduce_min3A_527 : vector<16xi32>
        %reduce_min3A_531 = vector.extract %reduce_min3A_530[15] : i32 from vector<16xi32>
        %min3A_532 = arith.minsi %reduce_min3A_523, %reduce_min3A_531 : i32
        %eq3A_533 = arith.cmpf oeq, %max3A_486, %reduce_max3A_463 : f32
        %reduce_min3A_534 = arith.constant true
        %reduce_min3A_535 = vector.broadcast %reduce_min3A_534 : i1 to vector<16xi1>
        %reduce_min3A_536 = arith.constant -2147483648 : i32
        %reduce_min3A_537 = vector.broadcast %reduce_min3A_536 : i32 to vector<16xi32>
        %reduce_min3A_538 = arith.xori %parallel_loop3A_492#2, %reduce_min3A_537 : vector<16xi32>
        %reduce_min3A_539 = tpu.scan <min>, %reduce_min3A_538 masked %reduce_min3A_535 : vector<16xi32>, vector<16xi1> -> vector<16xi32>
        %reduce_min3A_540 = arith.xori %reduce_min3A_539, %reduce_min3A_537 : vector<16xi32>
        %reduce_min3A_541 = vector.extract %reduce_min3A_540[15] : i32 from vector<16xi32>
        %select_n3A_542 = arith.select %eq3A_533, %min3A_532, %reduce_min3A_541 : i32
        %eq3A_543 = arith.constant 0 : i32
        %eq3A_544 = vector.broadcast %eq3A_543 : i32 to vector<16xi32>
        %eq3A_545 = arith.cmpi eq, %iota3A, %eq3A_544 : vector<16xi32>
        %broadcast_in_dim3A_546 = vector.broadcast %reduce_min3A_500 : i32 to vector<16xi32>
        %broadcast_in_dim3A_547 = vector.broadcast %select_n3A_542 : i32 to vector<16xi32>
        %select_n3A_548 = arith.select %eq3A_545, %broadcast_in_dim3A_546, %broadcast_in_dim3A_547 : vector<16xi1>, vector<16xi32>
        %lt3A_549 = arith.constant 2 : i32
        %lt3A_550 = vector.broadcast %lt3A_549 : i32 to vector<16xi32>
        %lt3A_551 = arith.cmpi slt, %iota3A, %lt3A_550 : vector<16xi32>
        tpu.vector_store_idx %arg15[%iota3A], %select_n3A_548 masked %lt3A_551 : memref<2xi32, #tpu.memory_space<vmem>>[vector<16xi32>], vector<16xi32>, vector<16xi1>
        %dma_start3A_552 = arith.constant 0 : i32
        %dma_start3A_553 = arith.constant 0 : i32
        %dma_start3A_554 = tpu.memref_slice %arg4[%dma_start3A_552, %dma_start3A_553] : memref<1000x4096xf32, #tpu.memory_space<hbm>> -> memref<1000x4096xf32, #tpu.memory_space<hbm>>
        tpu.enqueue_indirect_dma source(%dma_start3A_554 : memref<1000x4096xf32, #tpu.memory_space<hbm>>) target(%arg10 : memref<2x4096xf32, #tpu.memory_space<vmem>>) offsets(%arg15 : memref<2xi32, #tpu.memory_space<vmem>>) semaphore(%arg21 : memref<!tpu.dma_semaphore, #tpu.memory_space<semaphore_mem>>)
        %dma_start3A_555 = arith.constant 0 : i32
        %dma_start3A_556 = tpu.memref_slice %arg2[%add3A_446, %dma_start3A_555] : memref<4096x4096xf32, #tpu.memory_space<hbm>> -> memref<1x4096xf32, #tpu.memory_space<hbm>>
        %dma_start3A_557 = tpu.memref_squeeze %dma_start3A_556 : memref<1x4096xf32, #tpu.memory_space<hbm>> -> memref<4096xf32, #tpu.memory_space<hbm>>
        %dma_start3A_558 = arith.constant 0 : i32
        %dma_start3A_559 = tpu.memref_slice %arg2[%add3A_446, %dma_start3A_558] : memref<4096x4096xf32, #tpu.memory_space<hbm>> -> memref<1x4096xf32, #tpu.memory_space<hbm>>
        %dma_start3A_560 = tpu.memref_squeeze %dma_start3A_559 : memref<1x4096xf32, #tpu.memory_space<hbm>> -> memref<4096xf32, #tpu.memory_space<hbm>>
        tpu.enqueue_dma source(%dma_start3A_560 : memref<4096xf32, #tpu.memory_space<hbm>>) target(%arg8 : memref<4096xf32, #tpu.memory_space<vmem>>) target_semaphore(%arg20 : memref<!tpu.dma_semaphore, #tpu.memory_space<semaphore_mem>>)
      } else {
      }
      %sub3A_298 = arith.subi %add3A_291, %mul3A_7 : i32
      %lt3A_299 = arith.constant 126 : i32
      %lt3A_300 = arith.cmpi slt, %sub3A_298, %lt3A_299 : i32
      %convert_element_type3A_301 = arith.extui %lt3A_300 : i1 to i32
      %cond3A_302 = arith.constant 0 : i32
      %cond3A_303 = arith.cmpi ne, %convert_element_type3A_301, %cond3A_302 : i32
      scf.if %cond3A_303 {
        %add3A_437 = arith.constant 2 : i32
        %add3A_438 = arith.addi %add3A_291, %add3A_437 : i32
        %dma_start3A_439 = arith.constant 0 : i32
        %dma_start3A_440 = tpu.memref_slice %arg3[%add3A_438, %dma_start3A_439] : memref<4096x1000xf32, #tpu.memory_space<hbm>> -> memref<1x1000xf32, #tpu.memory_space<hbm>>
        %dma_start3A_441 = tpu.memref_squeeze %dma_start3A_440 : memref<1x1000xf32, #tpu.memory_space<hbm>> -> memref<1000xf32, #tpu.memory_space<hbm>>
        %dma_start3A_442 = arith.constant 0 : i32
        %dma_start3A_443 = tpu.memref_slice %arg3[%add3A_438, %dma_start3A_442] : memref<4096x1000xf32, #tpu.memory_space<hbm>> -> memref<1x1000xf32, #tpu.memory_space<hbm>>
        %dma_start3A_444 = tpu.memref_squeeze %dma_start3A_443 : memref<1x1000xf32, #tpu.memory_space<hbm>> -> memref<1000xf32, #tpu.memory_space<hbm>>
        tpu.enqueue_dma source(%dma_start3A_444 : memref<1000xf32, #tpu.memory_space<hbm>>) target(%arg7 : memref<1000xf32, #tpu.memory_space<vmem>>) target_semaphore(%arg19 : memref<!tpu.dma_semaphore, #tpu.memory_space<semaphore_mem>>)
      } else {
      }
      %parallel_loop3A_304 = arith.constant 0 : i32
      %parallel_loop3A_305 = arith.constant 128 : i32
      %parallel_loop3A_306 = arith.constant 1 : i32
      scf.for %parallel_loop3A_437 = %parallel_loop3A_304 to %parallel_loop3A_305 step %parallel_loop3A_306  : i32 {
        %parallel_loop3A_438 = arith.constant 0 : i32
        %parallel_loop3A_439 = vector.broadcast %parallel_loop3A_438 : i32 to vector<16xi32>
        %parallel_loop3A_440 = arith.constant 16 : i32
        %parallel_loop3A_441 = arith.muli %parallel_loop3A_437, %parallel_loop3A_440 : i32
        %parallel_loop3A_442 = arith.index_cast %parallel_loop3A_441 : i32 to index
        %parallel_loop3A_443 = tpu.vector_load %arg17[%parallel_loop3A_442] {strides = array<i32>} : memref<2048xi32, #tpu.memory_space<vmem>>, vector<16xi32>,
        tpu.vector_store %arg17[%parallel_loop3A_442], %parallel_loop3A_439 {strides = array<i32>} : memref<2048xi32, #tpu.memory_space<vmem>>, vector<16xi32>,
      } {sc.loop_unroll_factor = 8 : i64, sc.parallel_access}
      %parallel_loop3A_307 = arith.constant 0 : i32
      %parallel_loop3A_308 = arith.constant 64 : i32
      %parallel_loop3A_309 = arith.constant 1 : i32
      scf.for %parallel_loop3A_437 = %parallel_loop3A_307 to %parallel_loop3A_308 step %parallel_loop3A_309  : i32 {
        %parallel_loop3A_438 = arith.constant 0 : i32
        %parallel_loop3A_439 = vector.broadcast %parallel_loop3A_438 : i32 to vector<16xi32>
        %parallel_loop3A_440 = arith.constant 16 : i32
        %parallel_loop3A_441 = arith.muli %parallel_loop3A_437, %parallel_loop3A_440 : i32
        %parallel_loop3A_442 = arith.index_cast %parallel_loop3A_441 : i32 to index
        %parallel_loop3A_443 = tpu.vector_load %arg18[%parallel_loop3A_442] {strides = array<i32>} : memref<1024xi32, #tpu.memory_space<vmem>>, vector<16xi32>,
        tpu.vector_store %arg18[%parallel_loop3A_442], %parallel_loop3A_439 {strides = array<i32>} : memref<1024xi32, #tpu.memory_space<vmem>>, vector<16xi32>,
      } {sc.loop_unroll_factor = 8 : i64, sc.parallel_access}
      %dma_wait3A_310 = arith.constant 0 : i32
      %dma_wait3A_311 = tpu.memref_slice %arg2[%add3A_291, %dma_wait3A_310] : memref<4096x4096xf32, #tpu.memory_space<hbm>> -> memref<1x4096xf32, #tpu.memory_space<hbm>>
      %dma_wait3A_312 = tpu.memref_squeeze %dma_wait3A_311 : memref<1x4096xf32, #tpu.memory_space<hbm>> -> memref<4096xf32, #tpu.memory_space<hbm>>
      %dma_wait3A_313 = arith.constant 0 : i32
      %dma_wait3A_314 = tpu.memref_slice %arg2[%add3A_291, %dma_wait3A_313] : memref<4096x4096xf32, #tpu.memory_space<hbm>> -> memref<1x4096xf32, #tpu.memory_space<hbm>>
      %dma_wait3A_315 = tpu.memref_squeeze %dma_wait3A_314 : memref<1x4096xf32, #tpu.memory_space<hbm>> -> memref<4096xf32, #tpu.memory_space<hbm>>
      tpu.wait_dma2 semaphore(%arg20 : memref<!tpu.dma_semaphore, #tpu.memory_space<semaphore_mem>>) src(%dma_wait3A_315 : memref<4096xf32, #tpu.memory_space<hbm>>) dst(%arg9 : memref<4096xf32, #tpu.memory_space<vmem>>)
      %dma_wait3A_316 = arith.constant 0 : i32
      %dma_wait3A_317 = arith.constant 0 : i32
      %dma_wait3A_318 = tpu.memref_slice %arg4[%dma_wait3A_316, %dma_wait3A_317] : memref<1000x4096xf32, #tpu.memory_space<hbm>> -> memref<1000x4096xf32, #tpu.memory_space<hbm>>
      tpu.wait_indirect_dma semaphore(%arg21 : memref<!tpu.dma_semaphore, #tpu.memory_space<semaphore_mem>>) src(%dma_wait3A_318 : memref<1000x4096xf32, #tpu.memory_space<hbm>>) dst(%arg11 : memref<2x4096xf32, #tpu.memory_space<vmem>>)
      %broadcast_in_dim3A_319 = arith.constant 0 : i32
      %broadcast_in_dim3A_320 = vector.broadcast %broadcast_in_dim3A_319 : i32 to vector<16xi32>
      %parallel_loop3A_321 = arith.constant 0 : i32
      %parallel_loop3A_322 = arith.constant 256 : i32
      %parallel_loop3A_323 = arith.constant 1 : i32
      %parallel_loop3A_324 = scf.for %parallel_loop3A_437 = %parallel_loop3A_321 to %parallel_loop3A_322 step %parallel_loop3A_323 iter_args(%parallel_loop3A_438 = %broadcast_in_dim3A_320) -> (vector<16xi32>)  : i32 {
        %parallel_loop3A_439 = arith.constant 16 : i32
        %parallel_loop3A_440 = arith.muli %parallel_loop3A_437, %parallel_loop3A_439 : i32
        %parallel_loop3A_441 = arith.index_cast %parallel_loop3A_440 : i32 to index
        %parallel_loop3A_442 = tpu.vector_load %arg9[%parallel_loop3A_441] {strides = array<i32>} : memref<4096xf32, #tpu.memory_space<vmem>>, vector<16xf32>,
        %parallel_loop3A_443 = arith.constant 0 : i32
        %parallel_loop3A_444 = arith.index_cast %parallel_loop3A_443 : i32 to index
        %parallel_loop3A_445 = arith.index_cast %parallel_loop3A_440 : i32 to index
        %parallel_loop3A_446 = tpu.vector_load %arg11[%parallel_loop3A_444, %parallel_loop3A_445] {strides = array<i32>} : memref<2x4096xf32, #tpu.memory_space<vmem>>, vector<16xf32>,
        %parallel_loop3A_447 = arith.constant 1 : i32
        %parallel_loop3A_448 = arith.index_cast %parallel_loop3A_447 : i32 to index
        %parallel_loop3A_449 = arith.index_cast %parallel_loop3A_440 : i32 to index
        %parallel_loop3A_450 = tpu.vector_load %arg11[%parallel_loop3A_448, %parallel_loop3A_449] {strides = array<i32>} : memref<2x4096xf32, #tpu.memory_space<vmem>>, vector<16xf32>,
        %parallel_loop3A_451 = arith.subf %parallel_loop3A_446, %parallel_loop3A_450 : vector<16xf32>
        %parallel_loop3A_452 = arith.mulf %parallel_loop3A_442, %parallel_loop3A_451 : vector<16xf32>
        %parallel_loop3A_453 = math.absf %parallel_loop3A_452 : vector<16xf32>
        %parallel_loop3A_454 = arith.index_cast %parallel_loop3A_440 : i32 to index
        %parallel_loop3A_455 = tpu.vector_load %arg12[%parallel_loop3A_454] {strides = array<i32>} : memref<4096xf32, #tpu.memory_space<vmem>>, vector<16xf32>,
        tpu.vector_store %arg12[%parallel_loop3A_454], %parallel_loop3A_453 {strides = array<i32>} : memref<4096xf32, #tpu.memory_space<vmem>>, vector<16xf32>,
        %parallel_loop3A_456 = vector.bitcast %parallel_loop3A_453 : vector<16xf32> to vector<16xi32>
        %parallel_loop3A_457 = arith.constant 20 : i32
        %parallel_loop3A_458 = vector.broadcast %parallel_loop3A_457 : i32 to vector<16xi32>
        %parallel_loop3A_459 = arith.shrui %parallel_loop3A_456, %parallel_loop3A_458 : vector<16xi32>
        tpu.vector_store_idx %arg17[%parallel_loop3A_459], %broadcast_in_dim3A_0 {add = true} : memref<2048xi32, #tpu.memory_space<vmem>>[vector<16xi32>], vector<16xi32>,
        %parallel_loop3A_460 = arith.maxsi %parallel_loop3A_438, %parallel_loop3A_459 : vector<16xi32>
        scf.yield %parallel_loop3A_460 : vector<16xi32>
      } {sc.loop_unroll_factor = 8 : i64, sc.parallel_access}
      %reduce_max3A_325 = arith.constant true
      %reduce_max3A_326 = vector.broadcast %reduce_max3A_325 : i1 to vector<16xi1>
      %reduce_max3A_327 = arith.constant -2147483648 : i32
      %reduce_max3A_328 = vector.broadcast %reduce_max3A_327 : i32 to vector<16xi32>
      %reduce_max3A_329 = arith.xori %parallel_loop3A_324, %reduce_max3A_328 : vector<16xi32>
      %reduce_max3A_330 = tpu.scan <max>, %reduce_max3A_329 masked %reduce_max3A_326 : vector<16xi32>, vector<16xi1> -> vector<16xi32>
      %reduce_max3A_331 = arith.xori %reduce_max3A_330, %reduce_max3A_328 : vector<16xi32>
      %reduce_max3A_332 = vector.extract %reduce_max3A_331[15] : i32 from vector<16xi32>
      %shift_right_arithmetic3A_333 = arith.constant 4 : i32
      %shift_right_arithmetic3A_334 = arith.shrsi %reduce_max3A_332, %shift_right_arithmetic3A_333 : i32
      %broadcast_in_dim3A_335 = arith.constant 819 : i32
      %broadcast_in_dim3A_336 = vector.broadcast %broadcast_in_dim3A_335 : i32 to vector<16xi32>
      %broadcast_in_dim3A_337 = arith.constant 0 : i32
      %broadcast_in_dim3A_338 = vector.broadcast %broadcast_in_dim3A_337 : i32 to vector<16xi32>
      %broadcast_in_dim3A_339 = arith.constant 0 : i32
      %broadcast_in_dim3A_340 = vector.broadcast %broadcast_in_dim3A_339 : i32 to vector<16xi32>
      %broadcast_in_dim3A_341 = arith.constant 0 : i32
      %broadcast_in_dim3A_342 = vector.broadcast %broadcast_in_dim3A_341 : i32 to vector<16xi32>
      %while3A_343 = arith.constant false
      %while3A_344:6 = scf.while (%while3A_437 = %shift_right_arithmetic3A_334, %while3A_438 = %broadcast_in_dim3A_338, %while3A_439 = %while3A_343, %while3A_440 = %broadcast_in_dim3A_340, %while3A_441 = %broadcast_in_dim3A_336, %while3A_442 = %broadcast_in_dim3A_342) : (i32, vector<16xi32>, i1, vector<16xi32>, vector<16xi32>, vector<16xi32>) -> (i32, vector<16xi32>, i1, vector<16xi32>, vector<16xi32>, vector<16xi32>) {
        %not3A_443 = arith.constant true
        %not3A_444 = arith.xori %while3A_439, %not3A_443 : i1
        %ge3A_445 = arith.constant 0 : i32
        %ge3A_446 = arith.cmpi sge, %while3A_437, %ge3A_445 : i32
        %and3A = arith.andi %not3A_444, %ge3A_446 : i1
        scf.condition(%and3A) %while3A_437, %while3A_438, %while3A_439, %while3A_440, %while3A_441, %while3A_442 : i32, vector<16xi32>, i1, vector<16xi32>, vector<16xi32>, vector<16xi32>
      } do {
      ^bb0(%while3A_437: i32, %while3A_438: vector<16xi32>, %while3A_439: i1, %while3A_440: vector<16xi32>, %while3A_441: vector<16xi32>, %while3A_442: vector<16xi32>):
        %mul3A_443 = arith.constant 16 : i32
        %mul3A_444 = arith.muli %while3A_437, %mul3A_443 : i32
        %get3A_445 = arith.index_cast %mul3A_444 : i32 to index
        %get3A_446 = tpu.vector_load %arg17[%get3A_445] {strides = array<i32>} : memref<2048xi32, #tpu.memory_space<vmem>>, vector<16xi32>,
        %broadcast_in_dim3A_447 = arith.constant true
        %broadcast_in_dim3A_448 = vector.broadcast %broadcast_in_dim3A_447 : i1 to vector<16xi1>
        %masked_cumsum3A = tpu.scan <sum>, %get3A_446 masked %broadcast_in_dim3A_448 : vector<16xi32>, vector<16xi1> -> vector<16xi32>
        %broadcast_in_dim3A_449 = vector.shape_cast %broadcast_in_dim3A_2 : vector<16xi32> to vector<16x1xi32>
        %gather3A = vector.shape_cast %broadcast_in_dim3A_449 : vector<16x1xi32> to vector<16xi32>
        %gather3A_450 = tpu.dynamic_gather %masked_cumsum3A[%gather3A] in [0] : vector<16xi32>, vector<16xi32> -> vector<16xi32>
        %add3A_451 = arith.addi %while3A_438, %gather3A_450 : vector<16xi32>
        %sub3A_452 = arith.subi %add3A_451, %masked_cumsum3A : vector<16xi32>
        %add3A_453 = arith.addi %sub3A_452, %get3A_446 : vector<16xi32>
        %add3A_454 = arith.addi %while3A_438, %gather3A_450 : vector<16xi32>
        %ge3A_455 = arith.cmpi sge, %add3A_454, %while3A_441 : vector<16xi32>
        %reduce_or3A_456 = arith.constant 1.000000e+00 : f32
        %reduce_or3A_457 = arith.constant 0.000000e+00 : f32
        %reduce_or3A_458 = vector.broadcast %reduce_or3A_456 : f32 to vector<16xf32>
        %reduce_or3A_459 = vector.broadcast %reduce_or3A_457 : f32 to vector<16xf32>
        %reduce_or3A_460 = arith.select %ge3A_455, %reduce_or3A_458, %reduce_or3A_459 : vector<16xi1>, vector<16xf32>
        %reduce_or3A_461 = arith.constant true
        %reduce_or3A_462 = vector.broadcast %reduce_or3A_461 : i1 to vector<16xi1>
        %reduce_or3A_463 = tpu.scan <max>, %reduce_or3A_460 masked %reduce_or3A_462 : vector<16xf32>, vector<16xi1> -> vector<16xf32>
        %reduce_or3A_464 = vector.extract %reduce_or3A_463[15] : f32 from vector<16xf32>
        %reduce_or3A_465 = arith.constant 0.000000e+00 : f32
        %reduce_or3A_466 = arith.cmpf ogt, %reduce_or3A_464, %reduce_or3A_465 : f32
        %ge3A_467 = arith.cmpi sge, %add3A_453, %while3A_441 : vector<16xi32>
        %all_reduce_population_count3A = tpu.all_reduce %ge3A_467 {dim = 0 : i64, kind = #tpu.reduction_kind<sum>} : vector<16xi1> -> vector<16xi32>
        %sub3A_468 = arith.constant 1 : i32
        %sub3A_469 = vector.broadcast %sub3A_468 : i32 to vector<16xi32>
        %sub3A_470 = arith.subi %all_reduce_population_count3A, %sub3A_469 : vector<16xi32>
        %max3A_471 = arith.constant 0 : i32
        %max3A_472 = vector.broadcast %max3A_471 : i32 to vector<16xi32>
        %max3A_473 = arith.maxsi %sub3A_470, %max3A_472 : vector<16xi32>
        %broadcast_in_dim3A_474 = vector.shape_cast %max3A_473 : vector<16xi32> to vector<16x1xi32>
        %gather3A_475 = vector.shape_cast %broadcast_in_dim3A_474 : vector<16x1xi32> to vector<16xi32>
        %gather3A_476 = tpu.dynamic_gather %add3A_453[%gather3A_475] in [0] : vector<16xi32>, vector<16xi32> -> vector<16xi32>
        %broadcast_in_dim3A_477 = vector.shape_cast %max3A_473 : vector<16xi32> to vector<16x1xi32>
        %gather3A_478 = vector.shape_cast %broadcast_in_dim3A_477 : vector<16x1xi32> to vector<16xi32>
        %gather3A_479 = tpu.dynamic_gather %get3A_446[%gather3A_478] in [0] : vector<16xi32>, vector<16xi32> -> vector<16xi32>
        %mul3A_480 = arith.constant 16 : i32
        %mul3A_481 = arith.muli %while3A_437, %mul3A_480 : i32
        %add3A_482 = vector.broadcast %mul3A_481 : i32 to vector<16xi32>
        %add3A_483 = arith.addi %add3A_482, %max3A_473 : vector<16xi32>
        %sub3A_484 = arith.subi %gather3A_476, %gather3A_479 : vector<16xi32>
        %sub3A_485 = arith.subi %while3A_441, %sub3A_484 : vector<16xi32>
        %sub3A_486 = arith.constant 1 : i32
        %sub3A_487 = arith.subi %while3A_437, %sub3A_486 : i32
        %add3A_488 = arith.addi %while3A_438, %gather3A_450 : vector<16xi32>
        %select_n3A_489 = arith.select %reduce_or3A_466, %add3A_483, %while3A_440 : vector<16xi32>
        %select_n3A_490 = arith.select %reduce_or3A_466, %sub3A_485, %while3A_441 : vector<16xi32>
        %select_n3A_491 = arith.select %reduce_or3A_466, %gather3A_479, %while3A_442 : vector<16xi32>
        scf.yield %sub3A_487, %add3A_488, %reduce_or3A_466, %select_n3A_489, %select_n3A_490, %select_n3A_491 : i32, vector<16xi32>, i1, vector<16xi32>, vector<16xi32>, vector<16xi32>
      }
      %broadcast_in_dim3A_345 = arith.constant 0 : i32
      %broadcast_in_dim3A_346 = vector.broadcast %broadcast_in_dim3A_345 : i32 to vector<16xi32>
      %parallel_loop3A_347 = arith.constant 0 : i32
      %parallel_loop3A_348 = arith.constant 256 : i32
      %parallel_loop3A_349 = arith.constant 1 : i32
      %parallel_loop3A_350 = scf.for %parallel_loop3A_437 = %parallel_loop3A_347 to %parallel_loop3A_348 step %parallel_loop3A_349 iter_args(%parallel_loop3A_438 = %broadcast_in_dim3A_346) -> (vector<16xi32>)  : i32 {
        %parallel_loop3A_439 = arith.constant 16 : i32
        %parallel_loop3A_440 = arith.muli %parallel_loop3A_437, %parallel_loop3A_439 : i32
        %parallel_loop3A_441 = arith.index_cast %parallel_loop3A_440 : i32 to index
        %parallel_loop3A_442 = tpu.vector_load %arg12[%parallel_loop3A_441] {strides = array<i32>} : memref<4096xf32, #tpu.memory_space<vmem>>, vector<16xf32>,
        %parallel_loop3A_443 = vector.bitcast %parallel_loop3A_442 : vector<16xf32> to vector<16xi32>
        %parallel_loop3A_444 = arith.constant 20 : i32
        %parallel_loop3A_445 = vector.broadcast %parallel_loop3A_444 : i32 to vector<16xi32>
        %parallel_loop3A_446 = arith.shrui %parallel_loop3A_443, %parallel_loop3A_445 : vector<16xi32>
        %parallel_loop3A_447 = arith.cmpi eq, %parallel_loop3A_446, %while3A_344#3 : vector<16xi32>
        %parallel_loop3A_448 = arith.constant 10 : i32
        %parallel_loop3A_449 = vector.broadcast %parallel_loop3A_448 : i32 to vector<16xi32>
        %parallel_loop3A_450 = arith.shrui %parallel_loop3A_443, %parallel_loop3A_449 : vector<16xi32>
        %parallel_loop3A_451 = arith.constant 1023 : i32
        %parallel_loop3A_452 = vector.broadcast %parallel_loop3A_451 : i32 to vector<16xi32>
        %parallel_loop3A_453 = arith.andi %parallel_loop3A_450, %parallel_loop3A_452 : vector<16xi32>
        tpu.vector_store_idx %arg18[%parallel_loop3A_453], %broadcast_in_dim3A_0 masked %parallel_loop3A_447 {add = true} : memref<1024xi32, #tpu.memory_space<vmem>>[vector<16xi32>], vector<16xi32>, vector<16xi1>
        %parallel_loop3A_454 = arith.constant 0 : i32
        %parallel_loop3A_455 = vector.broadcast %parallel_loop3A_454 : i32 to vector<16xi32>
        %parallel_loop3A_456 = arith.select %parallel_loop3A_447, %parallel_loop3A_453, %parallel_loop3A_455 : vector<16xi1>, vector<16xi32>
        %parallel_loop3A_457 = arith.maxsi %parallel_loop3A_438, %parallel_loop3A_456 : vector<16xi32>
        scf.yield %parallel_loop3A_457 : vector<16xi32>
      } {sc.loop_unroll_factor = 8 : i64, sc.parallel_access}
      %reduce_max3A_351 = arith.constant true
      %reduce_max3A_352 = vector.broadcast %reduce_max3A_351 : i1 to vector<16xi1>
      %reduce_max3A_353 = arith.constant -2147483648 : i32
      %reduce_max3A_354 = vector.broadcast %reduce_max3A_353 : i32 to vector<16xi32>
      %reduce_max3A_355 = arith.xori %parallel_loop3A_350, %reduce_max3A_354 : vector<16xi32>
      %reduce_max3A_356 = tpu.scan <max>, %reduce_max3A_355 masked %reduce_max3A_352 : vector<16xi32>, vector<16xi1> -> vector<16xi32>
      %reduce_max3A_357 = arith.xori %reduce_max3A_356, %reduce_max3A_354 : vector<16xi32>
      %reduce_max3A_358 = vector.extract %reduce_max3A_357[15] : i32 from vector<16xi32>
      %shift_right_arithmetic3A_359 = arith.constant 4 : i32
      %shift_right_arithmetic3A_360 = arith.shrsi %reduce_max3A_358, %shift_right_arithmetic3A_359 : i32
      %broadcast_in_dim3A_361 = arith.constant 0 : i32
      %broadcast_in_dim3A_362 = vector.broadcast %broadcast_in_dim3A_361 : i32 to vector<16xi32>
      %broadcast_in_dim3A_363 = arith.constant 0 : i32
      %broadcast_in_dim3A_364 = vector.broadcast %broadcast_in_dim3A_363 : i32 to vector<16xi32>
      %broadcast_in_dim3A_365 = arith.constant 0 : i32
      %broadcast_in_dim3A_366 = vector.broadcast %broadcast_in_dim3A_365 : i32 to vector<16xi32>
      %while3A_367 = arith.constant false
      %while3A_368:6 = scf.while (%while3A_437 = %shift_right_arithmetic3A_360, %while3A_438 = %broadcast_in_dim3A_362, %while3A_439 = %while3A_367, %while3A_440 = %broadcast_in_dim3A_364, %while3A_441 = %while3A_344#4, %while3A_442 = %broadcast_in_dim3A_366) : (i32, vector<16xi32>, i1, vector<16xi32>, vector<16xi32>, vector<16xi32>) -> (i32, vector<16xi32>, i1, vector<16xi32>, vector<16xi32>, vector<16xi32>) {
        %not3A_443 = arith.constant true
        %not3A_444 = arith.xori %while3A_439, %not3A_443 : i1
        %ge3A_445 = arith.constant 0 : i32
        %ge3A_446 = arith.cmpi sge, %while3A_437, %ge3A_445 : i32
        %and3A = arith.andi %not3A_444, %ge3A_446 : i1
        scf.condition(%and3A) %while3A_437, %while3A_438, %while3A_439, %while3A_440, %while3A_441, %while3A_442 : i32, vector<16xi32>, i1, vector<16xi32>, vector<16xi32>, vector<16xi32>
      } do {
      ^bb0(%while3A_437: i32, %while3A_438: vector<16xi32>, %while3A_439: i1, %while3A_440: vector<16xi32>, %while3A_441: vector<16xi32>, %while3A_442: vector<16xi32>):
        %mul3A_443 = arith.constant 16 : i32
        %mul3A_444 = arith.muli %while3A_437, %mul3A_443 : i32
        %get3A_445 = arith.index_cast %mul3A_444 : i32 to index
        %get3A_446 = tpu.vector_load %arg18[%get3A_445] {strides = array<i32>} : memref<1024xi32, #tpu.memory_space<vmem>>, vector<16xi32>,
        %broadcast_in_dim3A_447 = arith.constant true
        %broadcast_in_dim3A_448 = vector.broadcast %broadcast_in_dim3A_447 : i1 to vector<16xi1>
        %masked_cumsum3A = tpu.scan <sum>, %get3A_446 masked %broadcast_in_dim3A_448 : vector<16xi32>, vector<16xi1> -> vector<16xi32>
        %broadcast_in_dim3A_449 = vector.shape_cast %broadcast_in_dim3A_2 : vector<16xi32> to vector<16x1xi32>
        %gather3A = vector.shape_cast %broadcast_in_dim3A_449 : vector<16x1xi32> to vector<16xi32>
        %gather3A_450 = tpu.dynamic_gather %masked_cumsum3A[%gather3A] in [0] : vector<16xi32>, vector<16xi32> -> vector<16xi32>
        %add3A_451 = arith.addi %while3A_438, %gather3A_450 : vector<16xi32>
        %sub3A_452 = arith.subi %add3A_451, %masked_cumsum3A : vector<16xi32>
        %add3A_453 = arith.addi %sub3A_452, %get3A_446 : vector<16xi32>
        %add3A_454 = arith.addi %while3A_438, %gather3A_450 : vector<16xi32>
        %ge3A_455 = arith.cmpi sge, %add3A_454, %while3A_441 : vector<16xi32>
        %reduce_or3A_456 = arith.constant 1.000000e+00 : f32
        %reduce_or3A_457 = arith.constant 0.000000e+00 : f32
        %reduce_or3A_458 = vector.broadcast %reduce_or3A_456 : f32 to vector<16xf32>
        %reduce_or3A_459 = vector.broadcast %reduce_or3A_457 : f32 to vector<16xf32>
        %reduce_or3A_460 = arith.select %ge3A_455, %reduce_or3A_458, %reduce_or3A_459 : vector<16xi1>, vector<16xf32>
        %reduce_or3A_461 = arith.constant true
        %reduce_or3A_462 = vector.broadcast %reduce_or3A_461 : i1 to vector<16xi1>
        %reduce_or3A_463 = tpu.scan <max>, %reduce_or3A_460 masked %reduce_or3A_462 : vector<16xf32>, vector<16xi1> -> vector<16xf32>
        %reduce_or3A_464 = vector.extract %reduce_or3A_463[15] : f32 from vector<16xf32>
        %reduce_or3A_465 = arith.constant 0.000000e+00 : f32
        %reduce_or3A_466 = arith.cmpf ogt, %reduce_or3A_464, %reduce_or3A_465 : f32
        %ge3A_467 = arith.cmpi sge, %add3A_453, %while3A_441 : vector<16xi32>
        %all_reduce_population_count3A = tpu.all_reduce %ge3A_467 {dim = 0 : i64, kind = #tpu.reduction_kind<sum>} : vector<16xi1> -> vector<16xi32>
        %sub3A_468 = arith.constant 1 : i32
        %sub3A_469 = vector.broadcast %sub3A_468 : i32 to vector<16xi32>
        %sub3A_470 = arith.subi %all_reduce_population_count3A, %sub3A_469 : vector<16xi32>
        %max3A_471 = arith.constant 0 : i32
        %max3A_472 = vector.broadcast %max3A_471 : i32 to vector<16xi32>
        %max3A_473 = arith.maxsi %sub3A_470, %max3A_472 : vector<16xi32>
        %broadcast_in_dim3A_474 = vector.shape_cast %max3A_473 : vector<16xi32> to vector<16x1xi32>
        %gather3A_475 = vector.shape_cast %broadcast_in_dim3A_474 : vector<16x1xi32> to vector<16xi32>
        %gather3A_476 = tpu.dynamic_gather %add3A_453[%gather3A_475] in [0] : vector<16xi32>, vector<16xi32> -> vector<16xi32>
        %broadcast_in_dim3A_477 = vector.shape_cast %max3A_473 : vector<16xi32> to vector<16x1xi32>
        %gather3A_478 = vector.shape_cast %broadcast_in_dim3A_477 : vector<16x1xi32> to vector<16xi32>
        %gather3A_479 = tpu.dynamic_gather %get3A_446[%gather3A_478] in [0] : vector<16xi32>, vector<16xi32> -> vector<16xi32>
        %mul3A_480 = arith.constant 16 : i32
        %mul3A_481 = arith.muli %while3A_437, %mul3A_480 : i32
        %add3A_482 = vector.broadcast %mul3A_481 : i32 to vector<16xi32>
        %add3A_483 = arith.addi %add3A_482, %max3A_473 : vector<16xi32>
        %sub3A_484 = arith.subi %gather3A_476, %gather3A_479 : vector<16xi32>
        %sub3A_485 = arith.subi %while3A_441, %sub3A_484 : vector<16xi32>
        %sub3A_486 = arith.constant 1 : i32
        %sub3A_487 = arith.subi %while3A_437, %sub3A_486 : i32
        %add3A_488 = arith.addi %while3A_438, %gather3A_450 : vector<16xi32>
        %select_n3A_489 = arith.select %reduce_or3A_466, %add3A_483, %while3A_440 : vector<16xi32>
        %select_n3A_490 = arith.select %reduce_or3A_466, %sub3A_485, %while3A_441 : vector<16xi32>
        %select_n3A_491 = arith.select %reduce_or3A_466, %gather3A_479, %while3A_442 : vector<16xi32>
        scf.yield %sub3A_487, %add3A_488, %reduce_or3A_466, %select_n3A_489, %select_n3A_490, %select_n3A_491 : i32, vector<16xi32>, i1, vector<16xi32>, vector<16xi32>, vector<16xi32>
      }
      %shift_left3A_369 = arith.constant 10 : i32
      %shift_left3A_370 = vector.broadcast %shift_left3A_369 : i32 to vector<16xi32>
      %shift_left3A_371 = arith.shli %while3A_344#3, %shift_left3A_370 : vector<16xi32>
      %or3A_372 = arith.ori %shift_left3A_371, %while3A_368#3 : vector<16xi32>
      %parallel_loop3A_373 = arith.constant 0 : i32
      %parallel_loop3A_374 = arith.constant 64 : i32
      %parallel_loop3A_375 = arith.constant 1 : i32
      scf.for %parallel_loop3A_437 = %parallel_loop3A_373 to %parallel_loop3A_374 step %parallel_loop3A_375  : i32 {
        %parallel_loop3A_438 = arith.constant 0 : i32
        %parallel_loop3A_439 = vector.broadcast %parallel_loop3A_438 : i32 to vector<16xi32>
        %parallel_loop3A_440 = arith.constant 16 : i32
        %parallel_loop3A_441 = arith.muli %parallel_loop3A_437, %parallel_loop3A_440 : i32
        %parallel_loop3A_442 = arith.index_cast %parallel_loop3A_441 : i32 to index
        %parallel_loop3A_443 = tpu.vector_load %arg18[%parallel_loop3A_442] {strides = array<i32>} : memref<1024xi32, #tpu.memory_space<vmem>>, vector<16xi32>,
        tpu.vector_store %arg18[%parallel_loop3A_442], %parallel_loop3A_439 {strides = array<i32>} : memref<1024xi32, #tpu.memory_space<vmem>>, vector<16xi32>,
      } {sc.loop_unroll_factor = 8 : i64, sc.parallel_access}
      %broadcast_in_dim3A_376 = arith.constant 0 : i32
      %broadcast_in_dim3A_377 = vector.broadcast %broadcast_in_dim3A_376 : i32 to vector<16xi32>
      %parallel_loop3A_378 = arith.constant 0 : i32
      %parallel_loop3A_379 = arith.constant 256 : i32
      %parallel_loop3A_380 = arith.constant 1 : i32
      %parallel_loop3A_381 = scf.for %parallel_loop3A_437 = %parallel_loop3A_378 to %parallel_loop3A_379 step %parallel_loop3A_380 iter_args(%parallel_loop3A_438 = %broadcast_in_dim3A_377) -> (vector<16xi32>)  : i32 {
        %parallel_loop3A_439 = arith.constant 16 : i32
        %parallel_loop3A_440 = arith.muli %parallel_loop3A_437, %parallel_loop3A_439 : i32
        %parallel_loop3A_441 = arith.index_cast %parallel_loop3A_440 : i32 to index
        %parallel_loop3A_442 = tpu.vector_load %arg12[%parallel_loop3A_441] {strides = array<i32>} : memref<4096xf32, #tpu.memory_space<vmem>>, vector<16xf32>,
        %parallel_loop3A_443 = vector.bitcast %parallel_loop3A_442 : vector<16xf32> to vector<16xi32>
        %parallel_loop3A_444 = arith.constant 10 : i32
        %parallel_loop3A_445 = vector.broadcast %parallel_loop3A_444 : i32 to vector<16xi32>
        %parallel_loop3A_446 = arith.shrui %parallel_loop3A_443, %parallel_loop3A_445 : vector<16xi32>
        %parallel_loop3A_447 = arith.cmpi eq, %parallel_loop3A_446, %or3A_372 : vector<16xi32>
        %parallel_loop3A_448 = arith.constant 1023 : i32
        %parallel_loop3A_449 = vector.broadcast %parallel_loop3A_448 : i32 to vector<16xi32>
        %parallel_loop3A_450 = arith.andi %parallel_loop3A_443, %parallel_loop3A_449 : vector<16xi32>
        tpu.vector_store_idx %arg18[%parallel_loop3A_450], %broadcast_in_dim3A_0 masked %parallel_loop3A_447 {add = true} : memref<1024xi32, #tpu.memory_space<vmem>>[vector<16xi32>], vector<16xi32>, vector<16xi1>
        %parallel_loop3A_451 = arith.constant 0 : i32
        %parallel_loop3A_452 = vector.broadcast %parallel_loop3A_451 : i32 to vector<16xi32>
        %parallel_loop3A_453 = arith.select %parallel_loop3A_447, %parallel_loop3A_450, %parallel_loop3A_452 : vector<16xi1>, vector<16xi32>
        %parallel_loop3A_454 = arith.maxsi %parallel_loop3A_438, %parallel_loop3A_453 : vector<16xi32>
        scf.yield %parallel_loop3A_454 : vector<16xi32>
      } {sc.loop_unroll_factor = 8 : i64, sc.parallel_access}
      %reduce_max3A_382 = arith.constant true
      %reduce_max3A_383 = vector.broadcast %reduce_max3A_382 : i1 to vector<16xi1>
      %reduce_max3A_384 = arith.constant -2147483648 : i32
      %reduce_max3A_385 = vector.broadcast %reduce_max3A_384 : i32 to vector<16xi32>
      %reduce_max3A_386 = arith.xori %parallel_loop3A_381, %reduce_max3A_385 : vector<16xi32>
      %reduce_max3A_387 = tpu.scan <max>, %reduce_max3A_386 masked %reduce_max3A_383 : vector<16xi32>, vector<16xi1> -> vector<16xi32>
      %reduce_max3A_388 = arith.xori %reduce_max3A_387, %reduce_max3A_385 : vector<16xi32>
      %reduce_max3A_389 = vector.extract %reduce_max3A_388[15] : i32 from vector<16xi32>
      %shift_right_arithmetic3A_390 = arith.constant 4 : i32
      %shift_right_arithmetic3A_391 = arith.shrsi %reduce_max3A_389, %shift_right_arithmetic3A_390 : i32
      %broadcast_in_dim3A_392 = arith.constant 0 : i32
      %broadcast_in_dim3A_393 = vector.broadcast %broadcast_in_dim3A_392 : i32 to vector<16xi32>
      %broadcast_in_dim3A_394 = arith.constant 0 : i32
      %broadcast_in_dim3A_395 = vector.broadcast %broadcast_in_dim3A_394 : i32 to vector<16xi32>
      %broadcast_in_dim3A_396 = arith.constant 0 : i32
      %broadcast_in_dim3A_397 = vector.broadcast %broadcast_in_dim3A_396 : i32 to vector<16xi32>
      %while3A_398 = arith.constant false
      %while3A_399:6 = scf.while (%while3A_437 = %shift_right_arithmetic3A_391, %while3A_438 = %broadcast_in_dim3A_393, %while3A_439 = %while3A_398, %while3A_440 = %broadcast_in_dim3A_395, %while3A_441 = %while3A_368#4, %while3A_442 = %broadcast_in_dim3A_397) : (i32, vector<16xi32>, i1, vector<16xi32>, vector<16xi32>, vector<16xi32>) -> (i32, vector<16xi32>, i1, vector<16xi32>, vector<16xi32>, vector<16xi32>) {
        %not3A_443 = arith.constant true
        %not3A_444 = arith.xori %while3A_439, %not3A_443 : i1
        %ge3A_445 = arith.constant 0 : i32
        %ge3A_446 = arith.cmpi sge, %while3A_437, %ge3A_445 : i32
        %and3A = arith.andi %not3A_444, %ge3A_446 : i1
        scf.condition(%and3A) %while3A_437, %while3A_438, %while3A_439, %while3A_440, %while3A_441, %while3A_442 : i32, vector<16xi32>, i1, vector<16xi32>, vector<16xi32>, vector<16xi32>
      } do {
      ^bb0(%while3A_437: i32, %while3A_438: vector<16xi32>, %while3A_439: i1, %while3A_440: vector<16xi32>, %while3A_441: vector<16xi32>, %while3A_442: vector<16xi32>):
        %mul3A_443 = arith.constant 16 : i32
        %mul3A_444 = arith.muli %while3A_437, %mul3A_443 : i32
        %get3A_445 = arith.index_cast %mul3A_444 : i32 to index
        %get3A_446 = tpu.vector_load %arg18[%get3A_445] {strides = array<i32>} : memref<1024xi32, #tpu.memory_space<vmem>>, vector<16xi32>,
        %broadcast_in_dim3A_447 = arith.constant true
        %broadcast_in_dim3A_448 = vector.broadcast %broadcast_in_dim3A_447 : i1 to vector<16xi1>
        %masked_cumsum3A = tpu.scan <sum>, %get3A_446 masked %broadcast_in_dim3A_448 : vector<16xi32>, vector<16xi1> -> vector<16xi32>
        %broadcast_in_dim3A_449 = vector.shape_cast %broadcast_in_dim3A_2 : vector<16xi32> to vector<16x1xi32>
        %gather3A = vector.shape_cast %broadcast_in_dim3A_449 : vector<16x1xi32> to vector<16xi32>
        %gather3A_450 = tpu.dynamic_gather %masked_cumsum3A[%gather3A] in [0] : vector<16xi32>, vector<16xi32> -> vector<16xi32>
        %add3A_451 = arith.addi %while3A_438, %gather3A_450 : vector<16xi32>
        %sub3A_452 = arith.subi %add3A_451, %masked_cumsum3A : vector<16xi32>
        %add3A_453 = arith.addi %sub3A_452, %get3A_446 : vector<16xi32>
        %add3A_454 = arith.addi %while3A_438, %gather3A_450 : vector<16xi32>
        %ge3A_455 = arith.cmpi sge, %add3A_454, %while3A_441 : vector<16xi32>
        %reduce_or3A_456 = arith.constant 1.000000e+00 : f32
        %reduce_or3A_457 = arith.constant 0.000000e+00 : f32
        %reduce_or3A_458 = vector.broadcast %reduce_or3A_456 : f32 to vector<16xf32>
        %reduce_or3A_459 = vector.broadcast %reduce_or3A_457 : f32 to vector<16xf32>
        %reduce_or3A_460 = arith.select %ge3A_455, %reduce_or3A_458, %reduce_or3A_459 : vector<16xi1>, vector<16xf32>
        %reduce_or3A_461 = arith.constant true
        %reduce_or3A_462 = vector.broadcast %reduce_or3A_461 : i1 to vector<16xi1>
        %reduce_or3A_463 = tpu.scan <max>, %reduce_or3A_460 masked %reduce_or3A_462 : vector<16xf32>, vector<16xi1> -> vector<16xf32>
        %reduce_or3A_464 = vector.extract %reduce_or3A_463[15] : f32 from vector<16xf32>
        %reduce_or3A_465 = arith.constant 0.000000e+00 : f32
        %reduce_or3A_466 = arith.cmpf ogt, %reduce_or3A_464, %reduce_or3A_465 : f32
        %ge3A_467 = arith.cmpi sge, %add3A_453, %while3A_441 : vector<16xi32>
        %all_reduce_population_count3A = tpu.all_reduce %ge3A_467 {dim = 0 : i64, kind = #tpu.reduction_kind<sum>} : vector<16xi1> -> vector<16xi32>
        %sub3A_468 = arith.constant 1 : i32
        %sub3A_469 = vector.broadcast %sub3A_468 : i32 to vector<16xi32>
        %sub3A_470 = arith.subi %all_reduce_population_count3A, %sub3A_469 : vector<16xi32>
        %max3A_471 = arith.constant 0 : i32
        %max3A_472 = vector.broadcast %max3A_471 : i32 to vector<16xi32>
        %max3A_473 = arith.maxsi %sub3A_470, %max3A_472 : vector<16xi32>
        %broadcast_in_dim3A_474 = vector.shape_cast %max3A_473 : vector<16xi32> to vector<16x1xi32>
        %gather3A_475 = vector.shape_cast %broadcast_in_dim3A_474 : vector<16x1xi32> to vector<16xi32>
        %gather3A_476 = tpu.dynamic_gather %add3A_453[%gather3A_475] in [0] : vector<16xi32>, vector<16xi32> -> vector<16xi32>
        %broadcast_in_dim3A_477 = vector.shape_cast %max3A_473 : vector<16xi32> to vector<16x1xi32>
        %gather3A_478 = vector.shape_cast %broadcast_in_dim3A_477 : vector<16x1xi32> to vector<16xi32>
        %gather3A_479 = tpu.dynamic_gather %get3A_446[%gather3A_478] in [0] : vector<16xi32>, vector<16xi32> -> vector<16xi32>
        %mul3A_480 = arith.constant 16 : i32
        %mul3A_481 = arith.muli %while3A_437, %mul3A_480 : i32
        %add3A_482 = vector.broadcast %mul3A_481 : i32 to vector<16xi32>
        %add3A_483 = arith.addi %add3A_482, %max3A_473 : vector<16xi32>
        %sub3A_484 = arith.subi %gather3A_476, %gather3A_479 : vector<16xi32>
        %sub3A_485 = arith.subi %while3A_441, %sub3A_484 : vector<16xi32>
        %sub3A_486 = arith.constant 1 : i32
        %sub3A_487 = arith.subi %while3A_437, %sub3A_486 : i32
        %add3A_488 = arith.addi %while3A_438, %gather3A_450 : vector<16xi32>
        %select_n3A_489 = arith.select %reduce_or3A_466, %add3A_483, %while3A_440 : vector<16xi32>
        %select_n3A_490 = arith.select %reduce_or3A_466, %sub3A_485, %while3A_441 : vector<16xi32>
        %select_n3A_491 = arith.select %reduce_or3A_466, %gather3A_479, %while3A_442 : vector<16xi32>
        scf.yield %sub3A_487, %add3A_488, %reduce_or3A_466, %select_n3A_489, %select_n3A_490, %select_n3A_491 : i32, vector<16xi32>, i1, vector<16xi32>, vector<16xi32>, vector<16xi32>
      }
      %shift_left3A_400 = arith.constant 10 : i32
      %shift_left3A_401 = vector.broadcast %shift_left3A_400 : i32 to vector<16xi32>
      %shift_left3A_402 = arith.shli %or3A_372, %shift_left3A_401 : vector<16xi32>
      %or3A_403 = arith.ori %shift_left3A_402, %while3A_399#3 : vector<16xi32>
      %sub3A_404 = arith.subi %add3A_291, %mul3A_7 : i32
      %ge3A_405 = arith.constant 2 : i32
      %ge3A_406 = arith.cmpi sge, %sub3A_404, %ge3A_405 : i32
      %convert_element_type3A_407 = arith.extui %ge3A_406 : i1 to i32
      %cond3A_408 = arith.constant 0 : i32
      %cond3A_409 = arith.cmpi ne, %convert_element_type3A_407, %cond3A_408 : i32
      scf.if %cond3A_409 {
        %sub3A_437 = arith.constant 2 : i32
        %sub3A_438 = arith.subi %add3A_291, %sub3A_437 : i32
        %dma_wait3A_439 = arith.constant 0 : i32
        %dma_wait3A_440 = tpu.memref_slice %arg5[%sub3A_438, %dma_wait3A_439] : memref<4096x4096xf32, #tpu.memory_space<hbm>> -> memref<1x4096xf32, #tpu.memory_space<hbm>>
        %dma_wait3A_441 = tpu.memref_squeeze %dma_wait3A_440 : memref<1x4096xf32, #tpu.memory_space<hbm>> -> memref<4096xf32, #tpu.memory_space<hbm>>
        %dma_wait3A_442 = arith.constant 0 : i32
        %dma_wait3A_443 = tpu.memref_slice %arg5[%sub3A_438, %dma_wait3A_442] : memref<4096x4096xf32, #tpu.memory_space<hbm>> -> memref<1x4096xf32, #tpu.memory_space<hbm>>
        %dma_wait3A_444 = tpu.memref_squeeze %dma_wait3A_443 : memref<1x4096xf32, #tpu.memory_space<hbm>> -> memref<4096xf32, #tpu.memory_space<hbm>>
        tpu.wait_dma2 semaphore(%arg22 : memref<!tpu.dma_semaphore, #tpu.memory_space<semaphore_mem>>) src(%arg14 : memref<4096xf32, #tpu.memory_space<vmem>>) dst(%dma_wait3A_444 : memref<4096xf32, #tpu.memory_space<hbm>>)
      } else {
      }
      %eq3A_410 = arith.cmpi eq, %while3A_399#5, %while3A_399#4 : vector<16xi32>
      %reduce_or3A_411 = arith.constant 1.000000e+00 : f32
      %reduce_or3A_412 = arith.constant 0.000000e+00 : f32
      %reduce_or3A_413 = vector.broadcast %reduce_or3A_411 : f32 to vector<16xf32>
      %reduce_or3A_414 = vector.broadcast %reduce_or3A_412 : f32 to vector<16xf32>
      %reduce_or3A_415 = arith.select %eq3A_410, %reduce_or3A_413, %reduce_or3A_414 : vector<16xi1>, vector<16xf32>
      %reduce_or3A_416 = arith.constant true
      %reduce_or3A_417 = vector.broadcast %reduce_or3A_416 : i1 to vector<16xi1>
      %reduce_or3A_418 = tpu.scan <max>, %reduce_or3A_415 masked %reduce_or3A_417 : vector<16xf32>, vector<16xi1> -> vector<16xf32>
      %reduce_or3A_419 = vector.extract %reduce_or3A_418[15] : f32 from vector<16xf32>
      %reduce_or3A_420 = arith.constant 0.000000e+00 : f32
      %reduce_or3A_421 = arith.cmpf ogt, %reduce_or3A_419, %reduce_or3A_420 : f32
      %convert_element_type3A_422 = arith.extui %reduce_or3A_421 : i1 to i32
      %cond3A_423 = arith.constant 0 : i32
      %cond3A_424 = arith.cmpi ne, %convert_element_type3A_422, %cond3A_423 : i32
      scf.if %cond3A_424 {
        %parallel_loop3A_437 = arith.constant 0 : i32
        %parallel_loop3A_438 = arith.constant 256 : i32
        %parallel_loop3A_439 = arith.constant 1 : i32
        scf.for %parallel_loop3A_440 = %parallel_loop3A_437 to %parallel_loop3A_438 step %parallel_loop3A_439  : i32 {
          %parallel_loop3A_441 = arith.constant 16 : i32
          %parallel_loop3A_442 = arith.muli %parallel_loop3A_440, %parallel_loop3A_441 : i32
          %parallel_loop3A_443 = arith.index_cast %parallel_loop3A_442 : i32 to index
          %parallel_loop3A_444 = tpu.vector_load %arg12[%parallel_loop3A_443] {strides = array<i32>} : memref<4096xf32, #tpu.memory_space<vmem>>, vector<16xf32>,
          %parallel_loop3A_445 = vector.bitcast %parallel_loop3A_444 : vector<16xf32> to vector<16xi32>
          %parallel_loop3A_446 = arith.index_cast %parallel_loop3A_442 : i32 to index
          %parallel_loop3A_447 = tpu.vector_load %arg9[%parallel_loop3A_446] {strides = array<i32>} : memref<4096xf32, #tpu.memory_space<vmem>>, vector<16xf32>,
          %parallel_loop3A_448 = arith.cmpi ult, %parallel_loop3A_445, %or3A_403 : vector<16xi32>
          %parallel_loop3A_449 = arith.constant 0.000000e+00 : f32
          %parallel_loop3A_450 = vector.broadcast %parallel_loop3A_449 : f32 to vector<16xf32>
          %parallel_loop3A_451 = arith.select %parallel_loop3A_448, %parallel_loop3A_447, %parallel_loop3A_450 : vector<16xi1>, vector<16xf32>
          %parallel_loop3A_452 = arith.index_cast %parallel_loop3A_442 : i32 to index
          %parallel_loop3A_453 = tpu.vector_load %arg14[%parallel_loop3A_452] {strides = array<i32>} : memref<4096xf32, #tpu.memory_space<vmem>>, vector<16xf32>,
          tpu.vector_store %arg14[%parallel_loop3A_452], %parallel_loop3A_451 {strides = array<i32>} : memref<4096xf32, #tpu.memory_space<vmem>>, vector<16xf32>,
        } {sc.loop_unroll_factor = 8 : i64, sc.parallel_access}
      } else {
      }
      %not3A_425 = arith.constant true
      %not3A_426 = arith.xori %reduce_or3A_421, %not3A_425 : i1
      %convert_element_type3A_427 = arith.extui %not3A_426 : i1 to i32
      %cond3A_428 = arith.constant 0 : i32
      %cond3A_429 = arith.cmpi ne, %convert_element_type3A_427, %cond3A_428 : i32
      scf.if %cond3A_429 {
        %broadcast_in_dim3A_437 = arith.constant 0 : i32
        %broadcast_in_dim3A_438 = vector.broadcast %broadcast_in_dim3A_437 : i32 to vector<16xi32>
        %scan3A_439 = arith.constant 0 : i32
        %scan3A_440 = arith.constant 256 : i32
        %scan3A_441 = arith.addi %scan3A_439, %scan3A_440 : i32
        %scan3A_442 = arith.constant 1 : i32
        %scan3A_443 = scf.for %scan3A_445 = %scan3A_439 to %scan3A_441 step %scan3A_442 iter_args(%scan3A_446 = %broadcast_in_dim3A_438) -> (vector<16xi32>)  : i32 {
          %mul3A_447 = arith.constant 16 : i32
          %mul3A_448 = arith.muli %scan3A_445, %mul3A_447 : i32
          %get3A_449 = arith.index_cast %mul3A_448 : i32 to index
          %get3A_450 = tpu.vector_load %arg12[%get3A_449] {strides = array<i32>} : memref<4096xf32, #tpu.memory_space<vmem>>, vector<16xf32>,
          %bitcast3A = vector.bitcast %get3A_450 : vector<16xf32> to vector<16xi32>
          %get3A_451 = arith.index_cast %mul3A_448 : i32 to index
          %get3A_452 = tpu.vector_load %arg9[%get3A_451] {strides = array<i32>} : memref<4096xf32, #tpu.memory_space<vmem>>, vector<16xf32>,
          %eq3A_453 = arith.cmpi eq, %bitcast3A, %or3A_403 : vector<16xi32>
          %convert_element_type3A_454 = arith.extui %eq3A_453 : vector<16xi1> to vector<16xi32>
          %broadcast_in_dim3A_455 = arith.constant true
          %broadcast_in_dim3A_456 = vector.broadcast %broadcast_in_dim3A_455 : i1 to vector<16xi1>
          %masked_cumsum3A = tpu.scan <sum>, %convert_element_type3A_454 masked %broadcast_in_dim3A_456 : vector<16xi32>, vector<16xi1> -> vector<16xi32>
          %add3A_457 = arith.addi %masked_cumsum3A, %scan3A_446 : vector<16xi32>
          %gt3A = arith.cmpi ugt, %bitcast3A, %or3A_403 : vector<16xi32>
          %le3A = arith.cmpi sle, %add3A_457, %while3A_399#4 : vector<16xi32>
          %and3A = arith.andi %eq3A_453, %le3A : vector<16xi1>
          %or3A_458 = arith.ori %gt3A, %and3A : vector<16xi1>
          %jit3A_459 = arith.constant 0.000000e+00 : f32
          %broadcast_in_dim3A_460 = vector.broadcast %jit3A_459 : f32 to vector<16xf32>
          %select_n3A_461 = arith.select %or3A_458, %broadcast_in_dim3A_460, %get3A_452 : vector<16xi1>, vector<16xf32>
          %swap3A = arith.index_cast %mul3A_448 : i32 to index
          %swap3A_462 = tpu.vector_load %arg14[%swap3A] {strides = array<i32>} : memref<4096xf32, #tpu.memory_space<vmem>>, vector<16xf32>,
          tpu.vector_store %arg14[%swap3A], %select_n3A_461 {strides = array<i32>} : memref<4096xf32, #tpu.memory_space<vmem>>, vector<16xf32>,
          %broadcast_in_dim3A_463 = vector.shape_cast %broadcast_in_dim3A_2 : vector<16xi32> to vector<16x1xi32>
          %gather3A = vector.shape_cast %broadcast_in_dim3A_463 : vector<16x1xi32> to vector<16xi32>
          %gather3A_464 = tpu.dynamic_gather %add3A_457[%gather3A] in [0] : vector<16xi32>, vector<16xi32> -> vector<16xi32>
          scf.yield %gather3A_464 : vector<16xi32>
        }
        %scan3A_444 = arith.constant 256 : i32
      } else {
      }
      %dma_start3A_430 = arith.constant 0 : i32
      %dma_start3A_431 = tpu.memref_slice %arg5[%add3A_291, %dma_start3A_430] : memref<4096x4096xf32, #tpu.memory_space<hbm>> -> memref<1x4096xf32, #tpu.memory_space<hbm>>
      %dma_start3A_432 = tpu.memref_squeeze %dma_start3A_431 : memref<1x4096xf32, #tpu.memory_space<hbm>> -> memref<4096xf32, #tpu.memory_space<hbm>>
      %dma_start3A_433 = arith.constant 0 : i32
      %dma_start3A_434 = tpu.memref_slice %arg5[%add3A_291, %dma_start3A_433] : memref<4096x4096xf32, #tpu.memory_space<hbm>> -> memref<1x4096xf32, #tpu.memory_space<hbm>>
      %dma_start3A_435 = tpu.memref_squeeze %dma_start3A_434 : memref<1x4096xf32, #tpu.memory_space<hbm>> -> memref<4096xf32, #tpu.memory_space<hbm>>
      tpu.enqueue_dma source(%arg14 : memref<4096xf32, #tpu.memory_space<vmem>>) target(%dma_start3A_435 : memref<4096xf32, #tpu.memory_space<hbm>>) target_semaphore(%arg22 : memref<!tpu.dma_semaphore, #tpu.memory_space<semaphore_mem>>)
      %scan3A_436 = arith.constant 0 : i32
      scf.yield %scan3A_436 : i32
    }
    %scan3A_125 = arith.constant 64 : i32
    %add3A_126 = arith.constant 128 : i32
    %add3A_127 = arith.addi %mul3A_7, %add3A_126 : i32
    %sub3A = arith.constant 2 : i32
    %sub3A_128 = arith.subi %add3A_127, %sub3A : i32
    %dma_wait3A = arith.constant 0 : i32
    %dma_wait3A_129 = tpu.memref_slice %arg5[%sub3A_128, %dma_wait3A] : memref<4096x4096xf32, #tpu.memory_space<hbm>> -> memref<1x4096xf32, #tpu.memory_space<hbm>>
    %dma_wait3A_130 = tpu.memref_squeeze %dma_wait3A_129 : memref<1x4096xf32, #tpu.memory_space<hbm>> -> memref<4096xf32, #tpu.memory_space<hbm>>
    %dma_wait3A_131 = arith.constant 0 : i32
    %dma_wait3A_132 = tpu.memref_slice %arg5[%sub3A_128, %dma_wait3A_131] : memref<4096x4096xf32, #tpu.memory_space<hbm>> -> memref<1x4096xf32, #tpu.memory_space<hbm>>
    %dma_wait3A_133 = tpu.memref_squeeze %dma_wait3A_132 : memref<1x4096xf32, #tpu.memory_space<hbm>> -> memref<4096xf32, #tpu.memory_space<hbm>>
    tpu.wait_dma2 semaphore(%arg22 : memref<!tpu.dma_semaphore, #tpu.memory_space<semaphore_mem>>) src(%arg13 : memref<4096xf32, #tpu.memory_space<vmem>>) dst(%dma_wait3A_133 : memref<4096xf32, #tpu.memory_space<hbm>>)
    %add3A_134 = arith.constant 128 : i32
    %add3A_135 = arith.addi %mul3A_7, %add3A_134 : i32
    %sub3A_136 = arith.constant 1 : i32
    %sub3A_137 = arith.subi %add3A_135, %sub3A_136 : i32
    %dma_wait3A_138 = arith.constant 0 : i32
    %dma_wait3A_139 = tpu.memref_slice %arg5[%sub3A_137, %dma_wait3A_138] : memref<4096x4096xf32, #tpu.memory_space<hbm>> -> memref<1x4096xf32, #tpu.memory_space<hbm>>
    %dma_wait3A_140 = tpu.memref_squeeze %dma_wait3A_139 : memref<1x4096xf32, #tpu.memory_space<hbm>> -> memref<4096xf32, #tpu.memory_space<hbm>>
    %dma_wait3A_141 = arith.constant 0 : i32
    %dma_wait3A_142 = tpu.memref_slice %arg5[%sub3A_137, %dma_wait3A_141] : memref<4096x4096xf32, #tpu.memory_space<hbm>> -> memref<1x4096xf32, #tpu.memory_space<hbm>>
    %dma_wait3A_143 = tpu.memref_squeeze %dma_wait3A_142 : memref<1x4096xf32, #tpu.memory_space<hbm>> -> memref<4096xf32, #tpu.memory_space<hbm>>
    tpu.wait_dma2 semaphore(%arg22 : memref<!tpu.dma_semaphore, #tpu.memory_space<semaphore_mem>>) src(%arg14 : memref<4096xf32, #tpu.memory_space<vmem>>) dst(%dma_wait3A_143 : memref<4096xf32, #tpu.memory_space<hbm>>)
    return
  }
}

</mosaic_0001>

<sc_bundles>
// kernel: kernel.3.cloned.1.call-start
scs
__scs_entry_jumppad:
0x0: {  	(pc) =	sbr.rel $0x88, $3  }
0x1: {  	(tag) =	ssettag $0x0;
	lr =	simm.s32 $0x1  }
0x2: {  	[smem:$0x3F9E] =	sst lr;
	_ =	strace $0xD0000000  }
0x3: {  	_ = 	snop  }
0x4: {  	_ = 	snop  }
0x5: {  	_ = 	snop  }
0x6: {  	_ = 	snop  }
0x7: {  	_ = 	snop  }
__scs_overlays_trampoline_lowered:
0x8: {  	[smem:$0x3FAD] =	sst s0  }
0x9: {  	[smem:$0x3FAE] =	sst s1  }
0xa: {  	[smem:$0x3FAF] =	sst s2  }
0xb: {  	[smem:$0x3FB0] =	sst s3  }
0xc: {  	[smem:$0x3FB1] =	sst s4  }
0xd: {  	[smem:$0x3FB2] =	sst s5  }
0xe: {  	[smem:$0x3FB3] =	sst s6  }
0xf: {  	[smem:$0x3FB4] =	sst s7  }
0x10: {  	[smem:$0x3FB5] =	sst s8  }
0x11: {  	[smem:$0x3FB6] =	sst s9;
	s0 =	simm.s32 @!p0 $0x0  }
0x12: {  	s1 =	sld [smem:$0x3F9C];
	s0 =	simm.s32 @p0 $0x1  }
0x13: {  	[smem:$0x3FB7] =	sst s0;
	s0 =	simm.s32 @!p1 $0x0  }
0x14: {  	s2 =	sld [smem:$0x3F9B];
	s0 =	simm.s32 @p1 $0x1  }
0x15: {  	[smem:$0x3FB8] =	sst s0;
	s0 =	simm.s32 @!p2 $0x0  }
0x16: {  	s3 =	sld [smem:$0x3FDB];
	s0 =	simm.s32 @p2 $0x1  }
0x17: {  	s4 =	simm.s32 $0x1BF5;
	[smem:$0x3FBA] =	sst s0  }
0x18: {  	s0 =	sld [smem:$0x3F9D];
	_ =	swait.ge [sflag:s4], $0x0  }
0x19: {  	s7 =	sld [smem:$0x3F9E]  }
0x1a: {  	s8 =	sadd.s32 $0xFFFFE003, lr  }
0x1b: {  	s9 =	sadd.s32 $0xFFFFFEF7, lr;
	s5 =	simm.s32 $0xFFFFFFFF;
	p2 =	slt.u32 s8, $0xFFFFF086  }
0x1c: {  	p1 =	slt.u32 s9, $0xF7A;
	s5 =	simm.s32 @!p2 $0x0  }
0x1d: {  	s5 =	simm.s32 @p1 $0x1;
	p0 =	seq.s32 s7, s2  }
0x1e: {  	s7 =	smul.u32 @!p0 $0xF7A, s2;
	p2 =	seq.s32 @!p0 s5, $0x0  }
0x1f: {  	s9 =	smul.u32 $0xF7A, s1;
	s8 =	simm.s32 @!p0 $0x1BF5;
	p2 =	por !p2, p0  }
0x20: {  	[sflag:s8] =	ssyncset.s32 @!p0 $0xFFFFF086;
	s6 =	sadd.s32 @!p0 s3, s7;
	s7 =	simm.s32 @!p0 $0x108  }
0x21: {  	s3 =	sadd.s32 s3, s9;
	s6 =	sadd.s32 @!p0 $0x88, s6;
	s7 =	simm.s32 @p2 $0x1082  }
0x22: {  	[simem:s7], [sflag:s8] =	dma.local @!p0 [hbm:s6], $0xF7A  }
0x23: {  	s9 =	sor.u32 $0xD0000000, s2;
	s6 =	simm.s32 $0x108;
	_ =	swait.ge @!p0 [sflag:s8], $0x0  }
0x24: {  	s3 =	sadd.s32 $0x88, s3;
	s6 =	simm.s32 @!p1 $0x1082;
	[sflag:s4] =	ssyncset.s32 $0xFFFFF086  }
0x25: {  	[simem:s6], [sflag:s4] =	dma.local [hbm:s3], $0xF7A  }
0x26: {  	[smem:$0x3F9E] =	sst s1;
	(tag) =	ssettag s2;
	_ =	strace s9  }
0x27: {  	s1 =	sld [smem:$0x3FAE]  }
0x28: {  	s2 =	sld [smem:$0x3FAF]  }
0x29: {  	s4 =	sld [smem:$0x3FB1]  }
0x2a: {  	p0 =	seq.s32 s5, $0x0;
	s5 =	sld [smem:$0x3FB2]  }
0x2b: {  	s6 =	sld [smem:$0x3FB3]  }
0x2c: {  	s7 =	sld [smem:$0x3FB4]  }
0x2d: {  	s3 =	simm.s32 $0x108;
	s8 =	sld [smem:$0x3FB5]  }
0x2e: {  	s3 =	simm.s32 @!p0 $0x1082;
	s9 =	sld [smem:$0x3FB6]  }
0x2f: {  	lr =	sadd.s32 s0, s3;
	s0 =	sld [smem:$0x3FAD]  }
0x30: {  	s3 =	sld [smem:$0x3FB0]  }
0x31: {  	[smem:$0x3FB9] =	sst s10  }
0x32: {  	s10 =	sld [smem:$0x3FB7];
	_ =	sdelay $0x3  }
0x33: {  	p0 =	seq.s32 s10, $0x1;
	s10 =	sld [smem:$0x3FB9];
	_ =	sdelay $0x3  }
0x34: {  	[smem:$0x3FB9] =	sst s10  }
0x35: {  	s10 =	sld [smem:$0x3FB8];
	_ =	sdelay $0x3  }
0x36: {  	p1 =	seq.s32 s10, $0x1;
	s10 =	sld [smem:$0x3FB9];
	_ =	sdelay $0x3  }
0x37: {  	[smem:$0x3FB9] =	sst s10  }
0x38: {  	s10 =	sld [smem:$0x3FBA]  }
0x39: {  	_ = 	snop;
	(pc) =	sbr.ind lr, $3  }
0x3a: {  	_ = 	snop  }
0x3b: {  	_ = 	snop  }
0x3c: {  	p2 =	seq.s32 s10, $0x1;
	s10 =	sld [smem:$0x3FB9]  }
0x3d: {  	_ =	shalt  }
0x3e: {  	_ =	shalt  }
0x3f: {  	_ =	shalt  }
0x40: {  	_ =	shalt  }
0x41: {  	_ =	shalt  }
0x42: {  	_ =	shalt  }
0x43: {  	_ =	shalt  }
0x44: {  	_ =	shalt  }
0x45: {  	_ =	shalt  }
0x46: {  	_ =	shalt  }
0x47: {  	_ =	shalt  }
0x48: {  	_ =	shalt  }
0x49: {  	_ =	shalt  }
0x4a: {  	_ =	shalt  }
0x4b: {  	_ =	shalt  }
0x4c: {  	_ =	shalt  }
0x4d: {  	_ =	shalt  }
0x4e: {  	_ =	shalt  }
0x4f: {  	_ =	shalt  }
0x50: {  	_ =	shalt  }
0x51: {  	_ =	shalt  }
0x52: {  	_ =	shalt  }
0x53: {  	_ =	shalt  }
0x54: {  	_ =	shalt  }
0x55: {  	_ =	shalt  }
0x56: {  	_ =	shalt  }
0x57: {  	_ =	shalt  }
0x58: {  	_ =	shalt  }
0x59: {  	_ =	shalt  }
0x5a: {  	_ =	shalt  }
0x5b: {  	_ =	shalt  }
0x5c: {  	_ =	shalt  }
0x5d: {  	_ =	shalt  }
0x5e: {  	_ =	shalt  }
0x5f: {  	_ =	shalt  }
0x60: {  	_ =	shalt  }
0x61: {  	_ =	shalt  }
0x62: {  	_ =	shalt  }
0x63: {  	_ =	shalt  }
0x64: {  	_ =	shalt  }
0x65: {  	_ =	shalt  }
0x66: {  	_ =	shalt  }
0x67: {  	_ =	shalt  }
0x68: {  	_ =	shalt  }
0x69: {  	_ =	shalt  }
0x6a: {  	_ =	shalt  }
0x6b: {  	_ =	shalt  }
0x6c: {  	_ =	shalt  }
0x6d: {  	_ =	shalt  }
0x6e: {  	_ =	shalt  }
0x6f: {  	_ =	shalt  }
0x70: {  	_ =	shalt  }
0x71: {  	_ =	shalt  }
0x72: {  	_ =	shalt  }
0x73: {  	_ =	shalt  }
0x74: {  	_ =	shalt  }
0x75: {  	_ =	shalt  }
0x76: {  	_ =	shalt  }
0x77: {  	_ =	shalt  }
0x78: {  	_ =	shalt  }
0x79: {  	_ =	shalt  }
0x7a: {  	_ =	shalt  }
0x7b: {  	_ =	shalt  }
0x7c: {  	_ =	shalt  }
0x7d: {  	_ =	shalt  }
0x7e: {  	_ =	shalt  }
0x7f: {  	_ =	shalt  }
0x80: {  	_ =	shalt  }
0x81: {  	_ =	shalt  }
0x82: {  	_ =	shalt  }
0x83: {  	_ =	shalt  }
0x84: {  	_ =	shalt  }
0x85: {  	_ =	shalt  }
0x86: {  	_ =	shalt  }
0x87: {  	_ =	shalt  }
.Lfunc_end0:
.L_simem_size_0:
called_computation_lowered:
.L_overlay_start_0:
0x88: {  	s2 =	sld [smem:$0x3FD9]  }
0x89: {  	s3 =	sld [smem:$0x3FFE];
	_ =	sdelay $0x1  }
0x8a: {  	s1 =	srdreg.scid  }
0x8b: {  	s0 =	sand.u32 $0x1, s1  }
0x8c: {  	s17 =	sshll.u32 s0, $0xA;
	s2 =	sadd.s32 s3, s2  }
0x8d: {  	s2 =	sadd.s32 s2, s17  }
0x8e: {  	[smem:$0x3FC5] =	sst s2  }
0x8f: {  	_ = 	snop  }
0x90: {  	s2 =	sld [smem:$0x3FC9]  }
0x91: {  	s18 =	sld [smem:$0x3FC7]  }
0x92: {  	s4 =	sld [smem:$0x3FD0];
	(tm) =	ssettm $0x1  }
0x93: {  	s5 =	sld [smem:$0x3FFB];
	_ =	sdelay $0x3  }
0x94: {  	_ =	strace s5  }
0x95: {  	s5 =	sld [smem:$0x3FFC];
	_ =	sdelay $0x3  }
0x96: {  	_ =	strace s5  }
0x97: {  	s5 =	sld [smem:$0x3FFD];
	_ =	sdelay $0x3  }
0x98: {  	_ =	strace s5  }
0x99: {  	_ =	strace $0x8FFFFFFF  }
0x9a: {  	s19 =	sld [smem:$0x3FDB];
	_ =	sdelay $0x1  }
0x9b: {  	s6 =	simm.s32 $_scs_section_size  }
0x9c: {  	s7 =	simm.s32 $_size__tile_overlayer_lowered;
	s8 =	simm.s32 $_tile_overlayer_lowered  }
0x9d: {  	s22 =	simm.s32 $0x1BFF;
	s21 =	sshll.u32 s8, $0x1;
	s5 =	sadd.s32 s6, s19  }
0x9e: {  	s9 =	simm.s32 $0x0;
	s20 =	sshll.u32 s7, $0x1;
	s7 =	sadd.s32 s21, s5  }
0x9f: {  	[timem:s9], [sflag:s22] =	dma.local [hbm:s7], s20  }
0xa0: {  	_ =	swait.ge [sflag:s22], s20  }
0xa1: {  	s6 =	ssub.s32 $0x0, s20;
	[sflag:s22] =	ssyncset.done $0x0  }
0xa2: {  	[sflag:s22] =	ssyncadd.s32 s6;
	_ =	sdelay $0x1  }
0xa3: {  	s23 =	simm.s32 $0x1B8B  }
0xa4: {  	_ =	swait.ge [sflag:s23], $0x1  }
0xa5: {  	[sflag:s23] =	ssyncset.done $0x0  }
0xa6: {  	s25 =	simm.s32 $0x1B8E;
	s24 =	sld [smem:$0x3FFE];
	[sflag:s23] =	ssyncadd.s32 $0xFFFFFFFF  }
0xa7: {  	s26 =	simm.s32 $execute0_lowered;
	[smem:$0x3FD2] =	sst s25  }
0xa8: {  	s7 =	sshll.u32 s26, $0x1;
	_ =	strace $0x80000046;
	[dreg:$0x1] =	wrdreg $0xFFFFFFFF  }
0xa9: {  	s28 =	simm.s32 $_size_execute0_lowered;
	s5 =	sadd.s32 s5, s7;
	[dreg:$0x0] =	wrdreg $0x0  }
0xaa: {  	s7 =	sshll.u32 s28, $0x1;
	[dreg:$0x2] =	wrdreg s5  }
0xab: {  	[dreg:$0x3] =	wrdreg s7  }
0xac: {  	[dreg:$0x4] =	wrdreg $0xC0  }
0xad: {  	_ =	task [dreg:s9], $0x5FFFF  }
0xae: {  	[dreg:$0x1] =	wrdreg $0xFFFFFFFF  }
0xaf: {  	[dreg:$0x0] =	wrdreg $0x60  }
0xb0: {  	[dreg:$0x2] =	wrdreg s2  }
0xb1: {  	[dreg:$0x3] =	wrdreg s24  }
0xb2: {  	[dreg:$0x4] =	wrdreg s18  }
0xb3: {  	[dreg:$0x5] =	wrdreg s4  }
0xb4: {  	[dreg:$0x6] =	wrdreg $0x9  }
0xb5: {  	_ =	task.clear_ibuf [dreg:s9], $0x7FFFF;
	_ =	strace $0x90000046  }
0xb6: {  	s29 =	simm.s32 $0x9;
	_ =	strace $0x80000048  }
0xb7: {  	_ =	swait.ge [sflag:s29], $0x1  }
0xb8: {  	[sflag:s29] =	ssyncadd.s32 $0xFFFFFFFF  }
0xb9: {  	_ =	strace $0x90000048  }
0xba: {  	_ =	sfence  }
0xbb: {  	s30 =	sld [smem:$0x0];
	_ =	sdelay $0x2  }
0xbc: {  	s31 =	sshll.u32 s1, $0xD;
	s1 =	sshrl.u32 s1, $0x2  }
0xbd: {  	s3 =	sand.u32 $0x4000, s31;
	s1 =	sadd.s32 s1, s30  }
0xbe: {  	s0 =	sor.u32 s3, s0;
	s1 =	sshll.u32 s1, $0x11  }
0xbf: {  	s0 =	sor.u32 s1, s0  }
0xc0: {  	s0 =	sadd.s32 $0x8F2B, s0  }
0xc1: {  	[sflag:s0] =	ssyncadd.remote.s32 $0x1  }
0xc2: {  	_ =	sfence.sel $0xFFFF  }
0xc3: {  	[dreg:$0x0] =	wrdreg $0xFFFFFFFF;
	(pc) =	sbr.abs _section_cstart, $3  }
0xc4: {  	[dreg:$0x1] =	wrdreg $0xFFFFFFFF  }
0xc5: {  	_ =	task.clear_ibuf [dreg:s9], $0x2FFFF;
	_ =	strace $0x9FFFFFFF  }
0xc6: {  	(tm) =	ssettm $0x7FFFFFFF  }
0xc7: {  	_ =	shalt  }
tec
execute0_lowered:
.L_overlay_start_1:
0x0: {  	(tag) =	ssettag $0x1  }
0x1: {  	s1 =	rddreg [dreg:$0x0]  }
0x2: {  	s0 =	rddreg [dreg:$0x1]  }
0x3: {  	s2 =	rddreg [dreg:$0x2]  }
0x4: {  	s4 =	rddreg [dreg:$0x3];
	s3 =	srdreg.scid  }
0x5: {  	s5 =	simm.s32 $0x0;
	s6 =	stileid.u32;
	s15 =	simm.s32 $0x80  }
0x6: {  	s16 =	simm.s32 $0x400;
	s24 =	simm.s32 $0x1;
	s29 =	simm.s32 $0x5800  }
0x7: {  	s30 =	simm.s32 $0x6000;
	s31 =	simm.s32 $0x1800;
	s12 =	simm.s32 $0x9900  }
0x8: {  	s13 =	simm.s32 $0xA100;
	s14 =	simm.s32 $0x7800;
	s19 =	simm.s32 $0x0  }
0x9: {  	s3 =	sand.u32 $0x1, s3;
	[smem:$0x7FF] =	sst s5;
	s6 =	sshll.u32 s6, $0x8  }
0xa: {  	s9 =	sadd.s32 $0x400, s2;
	s10 =	sadd.s32 $0x800, s2;
	s7 =	sshll.u32 s3, $0x7  }
0xb: {  	s3 =	ssub.s32 $0x2, s3;
	s6 =	sor.u32 s7, s6;
	s7 =	sadd.s32 $0x400, s0  }
0xc: {  	s25 =	sshrl.u32 s3, $0x1;
	s8 =	sshll.u32 s6, $0x7;
	s26 =	sshll.u32 s6, $0x9  }
.Ltmp0:
0xd: {  	s0 =	ssub.s32 s3, s25;
	s3 =	sadd.s32 s1, s26;
	(pc) =	sbr.rel .LBB2_1-.Ltmp0, $4  }
0xe: {  	_ =	strace $0x80000047;
	s8 =	sadd.s32 s7, s8;
	[dreg:$0x6] =	wrdreg s3  }
0xf: {  	vm0 =	vmmov $0xff;
	v0 =	vlaneseq.u32;
	vm1 =	vmmov $0xffff;
	s11 =	sadd.s32 $0xC00, s2;
	s0 =	smax.u32 s0, $0x1;
	[dreg:$0x5] =	wrdreg s8  }
0x10: {  	vm2 =	vmmov $0x1;
	v1 =	vimm.s32 $0x0;
	v2 =	vimm.s32 $0x1;
	s28 =	sadd.s32 $0x10, s8;
	[dreg:$0x8] =	wrdreg s0;
	s0 =	simm.s32 $0x2  }
0x11: {  	v3 =	vimm.f32 $0.0e+00;
	v4 =	vimm.s32 $0xF;
	v5 =	vimm.f32 $1.000000000e+00;
	s3 =	simm.s32 $0x3;
	s8 =	simm.s32 $0x8800;
	[dreg:$0x7] =	wrdreg s28  }
.LBB2_93:
0x12: {  	s18 =	simm.s32 $0x4  }
0x13: {  	_ =	swait.ge [sflag:s18], $0x1000  }
0x14: {  	[sflag:s18] =	ssyncset.done $0x0  }
0x15: {  	[sflag:s18] =	ssyncadd.s32 $0xFFFFF000  }
0x16: {  	_ =	swait.ge [sflag:s18], $0x1000  }
0x17: {  	s19 =	rddreg [dreg:$0x9]  }
0x18: {  	s17 =	rddreg [dreg:$0x8];
	s19 =	sadd.s32 $0x1, s19  }
0x19: {  	p0 =	sne.s32 s19, s17  }
.Ltmp1:
0x1a: {  	_ = 	snop;
	(pc) =	sbr.rel @!p0 .LBB2_94-.Ltmp1, $3  }
0x1b: {  	_ =	sdelay $0x1  }
0x1c: {  	[sflag:s18] =	ssyncset.done $0x0  }
0x1d: {  	[sflag:s18] =	ssyncadd.s32 $0xFFFFF000  }
.LBB2_1:
0x1e: {  	[dreg:$0x9] =	wrdreg s19  }
0x1f: {  	s17 =	rddreg [dreg:$0x5];
	s28 =	simm.s32 $0x5  }
0x20: {  	[tilespmem:s5], [sflag:$0x5] =	stream.strided.gather [hbm4b:s17+s15], $0x400, s16, s15, $0x38;
	[tilespmem:$0xA500] =	vst v63  }
0x21: {  	_ =	swait.ge [sflag:s28], $0x400  }
0x22: {  	[sflag:s28] =	ssyncset.done $0x0  }
0x23: {  	s18 =	simm.s32 $0x40;
	[sflag:s28] =	ssyncadd.s32 $0xFFFFFC00  }
0x24: {  	v7 =	vld [tilespmem:s18+$0x10]  }
0x25: {  	v8 =	vld [tilespmem:s18+$0xFFFFFFC0]  }
0x26: {  	v9 =	vld [tilespmem:s18+$0xFFFFFFD0]  }
0x27: {  	v10 =	vld [tilespmem:s18+$0xFFFFFFE0]  }
0x28: {  	v11 =	vld [tilespmem:s18+$0xFFFFFFF0]  }
0x29: {  	v12 =	vimm.f32 $-Inf;
	s17 =	simm.s32 $0xC0;
	v13 =	vld [tilespmem:s18+$0x0]  }
0x2a: {  	v6 =	vld [tilespmem:s17+$0x10];
	v14 =	vmin.f32 v12, v8;
	v8 =	vmax.f32 v12, v8  }
0x2b: {  	v15 =	vld [tilespmem:s18+$0x20];
	v12 =	vmax.f32 v12, v14;
	v14 =	vmin.f32 v8, v9;
	v8 =	vmax.f32 v8, v9  }
0x2c: {  	v9 =	vmax.f32 v12, v14;
	v12 =	vmin.f32 v8, v10;
	v8 =	vmax.f32 v8, v10;
	v14 =	vld [tilespmem:s18+$0x30]  }
0x2d: {  	v10 =	vld [tilespmem:s17+$0xFFFFFFC0];
	v9 =	vmax.f32 v9, v12;
	v12 =	vmin.f32 v8, v11;
	v11 =	vmax.f32 v8, v11  }
0x2e: {  	v8 =	vld [tilespmem:s17+$0xFFFFFFD0];
	v12 =	vmax.f32 v9, v12;
	v16 =	vmin.f32 v11, v13;
	v11 =	vmax.f32 v11, v13  }
0x2f: {  	v9 =	vld [tilespmem:s17+$0xFFFFFFE0];
	v12 =	vmax.f32 v12, v16;
	v13 =	vmin.f32 v11, v7;
	v11 =	vmax.f32 v11, v7  }
0x30: {  	v7 =	vld [tilespmem:s17+$0xFFFFFFF0];
	v12 =	vmax.f32 v12, v13;
	v13 =	vmin.f32 v11, v15;
	v15 =	vmax.f32 v11, v15  }
0x31: {  	s19 =	simm.s32 $0x140;
	s18 =	simm.s32 $0x8;
	v11 =	vld [tilespmem:s17+$0x0];
	v12 =	vmax.f32 v12, v13;
	v13 =	vmin.f32 v15, v14;
	v14 =	vmax.f32 v15, v14  }
.LBB2_2:
0x32: {  	v15 =	vld [tilespmem:s19+$0x10];
	s18 =	sadd.s32 $0x8, s18;
	v16 =	vmin.f32 v14, v10;
	v10 =	vmax.f32 v14, v10;
	v12 =	vmax.f32 v12, v13  }
0x33: {  	p0 =	slt.u32 s18, $0x30;
	v12 =	vmax.f32 v12, v16;
	v13 =	vmin.f32 v10, v8;
	v8 =	vmax.f32 v10, v8;
	v14 =	vld [tilespmem:s17+$0x20]  }
0x34: {  	v12 =	vmax.f32 v12, v13;
	v13 =	vmin.f32 v8, v9;
	v8 =	vmax.f32 v8, v9;
	v16 =	vld [tilespmem:s17+$0x30];
	s17 =	smov.u32 s19  }
.Ltmp2:
0x35: {  	v10 =	vld [tilespmem:s19+$0xFFFFFFC0];
	v9 =	vmax.f32 v12, v13;
	v12 =	vmin.f32 v8, v7;
	v7 =	vmax.f32 v8, v7;
	(pc) =	sbr.rel @p0 .LBB2_2-.Ltmp2, $4  }
0x36: {  	v8 =	vld [tilespmem:s19+$0xFFFFFFD0];
	v12 =	vmax.f32 v9, v12;
	v13 =	vmin.f32 v7, v11;
	v7 =	vmax.f32 v7, v11  }
0x37: {  	v9 =	vld [tilespmem:s19+$0xFFFFFFE0];
	v11 =	vmax.f32 v12, v13;
	v12 =	vmin.f32 v7, v6;
	v13 =	vmax.f32 v7, v6;
	v6 =	vmovc v15  }
0x38: {  	v7 =	vld [tilespmem:s19+$0xFFFFFFF0];
	v12 =	vmax.f32 v11, v12;
	v15 =	vmin.f32 v13, v14;
	v14 =	vmax.f32 v13, v14  }
0x39: {  	s19 =	sadd.s32 $0x80, s19;
	v11 =	vld [tilespmem:s17+$0x0];
	v12 =	vmax.f32 v12, v15;
	v13 =	vmin.f32 v14, v16;
	v14 =	vmax.f32 v14, v16  }
0x3a: {  	v15 =	vmin.f32 v14, v10;
	v10 =	vmax.f32 v14, v10;
	v12 =	vmax.f32 v12, v13  }
0x3b: {  	v12 =	vmax.f32 v12, v15;
	v60 =	vmin.f32 v10, v8;
	v8 =	vmax.f32 v10, v8;
	v10 =	vld [tilespmem:s17+$0x20]  }
0x3c: {  	v12 =	vmax.f32 v12, v60;
	v61 =	vmin.f32 v8, v9;
	v8 =	vmax.f32 v8, v9;
	v9 =	vld [tilespmem:s17+$0x30]  }
0x3d: {  	v12 =	vmax.f32 v12, v61;
	v62 =	vmin.f32 v8, v7;
	v7 =	vmax.f32 v8, v7  }
0x3e: {  	v8 =	vmax.f32 v12, v62;
	v63 =	vmin.f32 v7, v11;
	v7 =	vmax.f32 v7, v11  }
0x3f: {  	v8 =	vmax.f32 v8, v63;
	v11 =	vmin.f32 v7, v6;
	v6 =	vmax.f32 v7, v6  }
0x40: {  	v7 =	vmax.f32 v8, v11;
	v8 =	vmin.f32 v6, v10;
	v6 =	vmax.f32 v6, v10  }
0x41: {  	v7 =	vmax.f32 v7, v8;
	v8 =	vmin.f32 v6, v9  }
0x42: {  	s17 =	simm.s32 $0x0;
	v9 =	vmax.f32 v6, v9;
	v6 =	vmax.f32 v7, v8  }
.LBB2_4:
0x43: {  	s18 =	sshra.s32 s17, $0x2  }
0x44: {  	v7 =	vld [tilespmem:s18+$0x380]  }
0x45: {  	p0 =	sne.s32 s17, $0x140  }
.Ltmp3:
0x46: {  	_ = 	snop;
	(pc) =	sbr.rel @p0 .LBB2_4-.Ltmp3, $3  }
0x47: {  	_ =	sdelay $0x1  }
0x48: {  	v8 =	vmin.f32 v9, v7  }
0x49: {  	s17 =	sadd.s32 $0x40, s17;
	v9 =	vmax.f32 v9, v7;
	v6 =	vmax.f32 v6, v8  }
0x4a: {  	v7 =	vld [tilespmem:$0x3D8];
	_ =	sdelay $0x4  }
0x4b: {  	v10 =	vsel vm0, $0xFF800000, v7  }
0x4c: {  	v11 =	vmax.f32 v9, v10  }
0x4d: {  	(xrf0) =	vmax.scan.msk.f32 $0xffff, v11;
	_ =	sdelay $0x5  }
0x4e: {  	v7, _, _ =	vpop (xrf0)  }
0x4f: {  	v8 =	vbroadcast v7, $0xF;
	_ =	sdelay $0x1  }
0x50: {  	vm3 =	veq.f32 v11, v8  }
0x51: {  	v12 =	vmctz.xlane vm3;
	_ =	sdelay $0x1  }
0x52: {  	v12 =	vxor.u32 $0x80000000, v12  }
0x53: {  	(xrf0) =	vmax.scan.msk.u32 $0xffff, v12;
	_ =	sdelay $0x5  }
0x54: {  	v12, _, _ =	vpop (xrf0)  }
0x55: {  	(v2sf) =	vpush v12, $0xF;
	_ =	sdelay $0xe  }
0x56: {  	s17 =	spop (v2sf)  }
0x57: {  	s17 =	sxor.u32 $0x80000000, s17  }
0x58: {  	v12 =	vmov s17  }
0x59: {  	vm3 =	veq.s32 v12, v0  }
0x5a: {  	v9 =	vmin.f32 v9, v10;
	v10 =	vsel vm3, $0xFF800000, v11  }
0x5b: {  	v6 =	vmax.f32 v6, v9;
	(xrf0) =	vmax.scan.msk.f32 $0xffff, v10  }
0x5c: {  	(xrf0) =	vmax.scan.msk.f32 $0xffff, v6;
	_ =	sdelay $0x4  }
0x5d: {  	v6, _, _ =	vpop (xrf0)  }
0x5e: {  	(v2sf) =	vpush v6, $0xF;
	v6, _, _ =	vpop (xrf0)  }
0x5f: {  	(v2sf) =	vpush v6, $0xF;
	_ =	sdelay $0x3  }
0x60: {  	s18 =	simm.s32 $0x20  }
0x61: {  	v6 =	vld [tilespmem:s18+$0xFFFFFFE0]  }
0x62: {  	v12 =	vld [tilespmem:s18+$0x0]  }
0x63: {  	v10 =	vld [tilespmem:s18+$0xFFFFFFF0];
	_ =	sdelay $0x1  }
0x64: {  	s26 =	simm.s32 $0x0;
	v14 =	vimm.s32 $0x100000;
	s20 =	simm.s32 $0x10;
	v11 =	vld [tilespmem:s18+$0x10]  }
0x65: {  	s28 =	simm.s32 $0x30;
	s21 =	simm.s32 $0x20;
	v13 =	vor.u32 s26, v0;
	v15 =	vor.u32 s20, v0;
	vm3 =	veq.f32 v6, v8  }
0x66: {  	v16 =	vor.u32 s28, v0;
	v18 =	vor.u32 s21, v0;
	v17 =	vnsel vm3, $0x100000, v13  }
0x67: {  	vm5 =	veq.f32 v12, v8;
	vm3 =	veq.f32 v10, v8;
	vm4 =	vlt.s32 v14, v17  }
0x68: {  	v21 =	vnsel vm5, $0x100000, v18;
	v19 =	vnsel vm3, $0x100000, v15;
	v20 =	vsel vm4, v14, v17  }
0x69: {  	vm3 =	veq.f32 v11, v8;
	v17 =	vsel vm4, v17, v14;
	vm4 =	vlt.s32 v20, v19;
	s25 =	spop (v2sf)  }
0x6a: {  	v25 =	vnsel vm3, $0x100000, v16;
	vm5 =	vlt.s32 v14, v17;
	v22 =	vsel vm4, v20, v19;
	s19 =	spop (v2sf)  }
0x6b: {  	s22 =	simm.s32 $0x60;
	v19 =	vsel vm4, v19, v20;
	v17 =	vsel vm5, v14, v17;
	vm4 =	vlt.s32 v22, v21;
	s17 =	smax.f32 s25, s19  }
0x6c: {  	v24 =	vld [tilespmem:s22+$0xFFFFFFE0];
	vm5 =	vlt.s32 v17, v19;
	v20 =	vsel vm4, v21, v22;
	v9 =	vmov s17  }
0x6d: {  	s23 =	simm.s32 $0x50;
	s25 =	simm.s32 $0x70;
	vm6 =	veq.f32 v6, v9;
	vm7 =	veq.f32 v10, v9;
	vm8 =	veq.f32 v12, v9  }
0x6e: {  	vm3 =	veq.f32 v11, v9;
	v6 =	vor.u32 s23, v0;
	v11 =	vor.u32 s25, v0  }
0x6f: {  	v27 =	vld [tilespmem:s22+$0xFFFFFFF0];
	v23 =	vnsel vm6, $0x100000, v13;
	v26 =	vnsel vm8, $0x100000, v18;
	v18 =	vsel vm4, v22, v21  }
0x70: {  	s26 =	simm.s32 $0x40;
	v10 =	vnsel vm3, $0x100000, v16;
	v13 =	vsel vm5, v17, v19;
	v15 =	vnsel vm7, $0x100000, v15  }
0x71: {  	v12 =	vld [tilespmem:s22+$0x10];
	v21 =	vor.u32 s26, v0;
	vm5 =	veq.f32 v24, v8;
	vm8 =	veq.f32 v24, v9  }
0x72: {  	v19 =	vld [tilespmem:s22+$0x0];
	vm3 =	vlt.s32 v18, v25;
	vm4 =	vlt.s32 v13, v20;
	vm6 =	vlt.s32 v14, v23  }
0x73: {  	s28 =	simm.s32 $0x60;
	v16 =	vsel vm3, v25, v18;
	v17 =	vsel vm4, v13, v20;
	v20 =	vnsel vm5, $0x100000, v21  }
0x74: {  	v13 =	vor.u32 s28, v0;
	vm5 =	veq.f32 v27, v8;
	vm4 =	vlt.s32 v17, v16  }
0x75: {  	v23 =	vsel vm6, v14, v23;
	v22 =	vsel vm4, v17, v16;
	v16 =	vsel vm3, v18, v25  }
0x76: {  	v17 =	vnsel vm5, $0x100000, v6;
	vm3 =	veq.f32 v12, v8;
	vm4 =	vlt.s32 v16, v20  }
0x77: {  	vm5 =	veq.f32 v19, v8;
	vm6 =	veq.f32 v19, v9;
	v25 =	vsel vm4, v16, v20  }
0x78: {  	v20 =	vsel vm4, v20, v16;
	v16 =	vnsel vm5, $0x100000, v13;
	vm5 =	vlt.s32 v23, v15  }
0x79: {  	vm4 =	vlt.s32 v25, v17;
	vm7 =	vlt.s32 v22, v20;
	v23 =	vsel vm5, v23, v15  }
0x7a: {  	vm5 =	veq.f32 v27, v9;
	v15 =	vnsel vm8, $0x100000, v21;
	v18 =	vsel vm4, v25, v17  }
0x7b: {  	v17 =	vsel vm4, v17, v25;
	vm9 =	vlt.s32 v23, v26;
	vm4 =	vlt.s32 v18, v16  }
0x7c: {  	s20 =	simm.s32 $0xB0;
	s21 =	simm.s32 $0xA0;
	s19 =	simm.s32 $0x4;
	v19 =	vsel vm7, v22, v20;
	v20 =	vsel vm9, v23, v26;
	v14 =	vsel vm4, v16, v18  }
.LBB2_6:
0x7d: {  	v21 =	vld [tilespmem:s21+$0xFFFFFFE0];
	s22 =	sadd.s32 $0xFFFFFFE0, s20;
	s19 =	sadd.s32 $0x4, s19;
	v22 =	vnsel vm3, $0x100000, v11;
	vm3 =	veq.f32 v12, v9;
	vm7 =	vlt.s32 v20, v10;
	s18 =	simm.s32 $0x3C0  }
0x7e: {  	v25 =	vnsel vm6, $0x100000, v13;
	v23 =	vld [tilespmem:s21+$0xFFFFFFF0];
	v24 =	vor.u32 s22, v0;
	p0 =	slt.u32 s19, $0x38;
	v20 =	vsel vm7, v20, v10  }
0x7f: {  	vm6 =	vlt.s32 v19, v17;
	v16 =	vsel vm4, v18, v16;
	v10 =	vnsel vm3, $0x100000, v11;
	v12 =	vld [tilespmem:s21+$0x10]  }
0x80: {  	v13 =	vsel vm6, v19, v17;
	v19 =	vnsel vm5, $0x100000, v6;
	vm3 =	vlt.s32 v16, v22;
	v6 =	vmovc v24  }
0x81: {  	s22 =	sadd.s32 $0xFFFFFFD0, s20;
	v11 =	vor.u32 s20, v0;
	vm4 =	vlt.s32 v13, v14;
	v17 =	vsel vm3, v22, v16;
	v24 =	vld [tilespmem:s21+$0x0]  }
0x82: {  	v26 =	vor.u32 s22, v0;
	s22 =	sadd.s32 $0xFFFFFFF0, s20;
	v14 =	vsel vm4, v13, v14;
	vm5 =	veq.f32 v21, v8  }
0x83: {  	v13 =	vor.u32 s22, v0;
	vm4 =	vlt.s32 v14, v17;
	v18 =	vnsel vm5, $0x100000, v26  }
0x84: {  	v27 =	vsel vm4, v14, v17;
	v14 =	vsel vm3, v16, v22;
	vm5 =	veq.f32 v23, v8  }
0x85: {  	vm4 =	vlt.s32 v14, v18;
	v17 =	vnsel vm5, $0x100000, v6;
	vm3 =	veq.f32 v12, v8  }
0x86: {  	vm6 =	vlt.s32 v20, v15;
	v22 =	vsel vm4, v14, v18;
	vm5 =	veq.f32 v24, v8  }
0x87: {  	v28 =	vsel vm4, v18, v14;
	vm4 =	vlt.s32 v22, v17;
	v16 =	vnsel vm5, $0x100000, v13  }
.Ltmp4:
0x88: {  	v15 =	vsel vm6, v20, v15;
	vm7 =	vlt.s32 v27, v28;
	v18 =	vsel vm4, v22, v17;
	(pc) =	sbr.rel @p0 .LBB2_6-.Ltmp4, $4  }
0x89: {  	v17 =	vsel vm4, v17, v22;
	vm5 =	vlt.s32 v15, v19;
	vm4 =	vlt.s32 v18, v16  }
0x8a: {  	vm8 =	veq.f32 v21, v9;
	v20 =	vsel vm5, v15, v19;
	v14 =	vsel vm4, v16, v18  }
0x8b: {  	vm6 =	veq.f32 v24, v9;
	vm5 =	veq.f32 v23, v9;
	vm9 =	vlt.s32 v20, v25  }
0x8c: {  	s20 =	sadd.s32 $0x40, s20;
	s21 =	sadd.s32 $0x40, s21;
	v19 =	vsel vm7, v27, v28;
	v15 =	vnsel vm8, $0x100000, v26;
	v20 =	vsel vm9, v20, v25  }
0x8d: {  	vm7 =	vlt.s32 v20, v10  }
0x8e: {  	v10 =	vsel vm7, v20, v10  }
0x8f: {  	v63 =	vnsel vm3, $0x100000, v11;
	vm3 =	veq.f32 v12, v9;
	vm7 =	vlt.s32 v10, v15  }
0x90: {  	v12 =	vnsel vm6, $0x100000, v13;
	v6 =	vnsel vm5, $0x100000, v6;
	v10 =	vsel vm7, v10, v15  }
0x91: {  	vm12 =	vlt.s32 v19, v17;
	v13 =	vsel vm4, v18, v16;
	vm13 =	vlt.s32 v10, v6  }
0x92: {  	v15 =	vnsel vm3, $0x100000, v11;
	v11 =	vsel vm12, v19, v17;
	v6 =	vsel vm13, v10, v6  }
0x93: {  	vm3 =	vlt.s32 v13, v63;
	vm14 =	vlt.s32 v11, v14;
	vm15 =	vlt.s32 v6, v12  }
0x94: {  	v10 =	vsel vm3, v63, v13;
	v11 =	vsel vm14, v11, v14;
	v6 =	vsel vm15, v6, v12  }
0x95: {  	vm4 =	vlt.s32 v11, v10;
	vm5 =	vlt.s32 v6, v15  }
0x96: {  	v11 =	vsel vm4, v11, v10;
	v12 =	vsel vm3, v13, v63;
	v10 =	vsel vm5, v6, v15  }
.LBB2_8:
0x97: {  	p0 =	seq.s32 s18, $0x3E0;
	s19 =	smov.u32 s18  }
0x98: {  	s19 =	simm.s32 @p0 $0x3D8  }
0x99: {  	v13 =	vld [tilespmem:s19+$0x0];
	_ =	sdelay $0x1  }
0x9a: {  	s20 =	simm.s32 $0x8  }
0x9b: {  	s20 =	simm.s32 @!p0 $0x0  }
0x9c: {  	v6 =	vadd.s32 $0x1, v0;
	v14 =	vmov s20  }
0x9d: {  	vm3 =	vlt.u32 v14, v6;
	vm4 =	veq.f32 v13, v8  }
0x9e: {  	p0 =	sne.s32 s18, $0x3E0;
	v14 =	vadd.s32 s19, v0;
	vm4 =	vmand vm3, vm4  }
.Ltmp5:
0x9f: {  	vm14 =	veq.f32 v13, v9;
	v15 =	vnsel vm4, $0x100000, v14;
	(pc) =	sbr.rel @p0 .LBB2_8-.Ltmp5, $4  }
0xa0: {  	vm3 =	vmand vm3, vm14;
	vm5 =	vlt.s32 v12, v15  }
0xa1: {  	v14 =	vnsel vm3, $0x100000, v14;
	v13 =	vsel vm5, v15, v12  }
0xa2: {  	vm15 =	vlt.s32 v10, v14;
	vm3 =	vlt.s32 v11, v13  }
0xa3: {  	s18 =	sadd.s32 $0x10, s18;
	v12 =	vsel vm5, v12, v15;
	v10 =	vsel vm15, v10, v14;
	v11 =	vsel vm3, v11, v13  }
0xa4: {  	v8 =	vxor.u32 $0x80000000, v12  }
0xa5: {  	(xrf0) =	vmin.scan.msk.u32 $0xffff, v8;
	_ =	sdelay $0x5  }
0xa6: {  	(v2sf) =	vpush v7, $0xF;
	v7, _, _ =	vpop (xrf0)  }
0xa7: {  	(v2sf) =	vpush v7, $0xF;
	_ =	sdelay $0xd  }
0xa8: {  	s18 =	spop (v2sf)  }
0xa9: {  	s19 =	spop (v2sf)  }
0xaa: {  	s19 =	sxor.u32 $0x80000000, s19  }
0xab: {  	vm3 =	veq.s32 v12, s19  }
0xac: {  	v7 =	vmctz.xlane vm3;
	_ =	sdelay $0x1  }
0xad: {  	v7 =	vxor.u32 $0x80000000, v7  }
0xae: {  	(xrf0) =	vmax.scan.msk.u32 $0xffff, v7;
	_ =	sdelay $0x5  }
0xaf: {  	v7, _, _ =	vpop (xrf0)  }
0xb0: {  	(v2sf) =	vpush v7, $0xF;
	_ =	sdelay $0xe  }
0xb1: {  	s20 =	spop (v2sf)  }
0xb2: {  	s20 =	sxor.u32 $0x80000000, s20  }
0xb3: {  	v7 =	vmov s20  }
0xb4: {  	vm3 =	veq.s32 v7, v0  }
0xb5: {  	v7 =	vsel vm3, $0x80100000, v8  }
0xb6: {  	(xrf0) =	vmin.scan.msk.u32 $0xffff, v7;
	v7 =	vxor.u32 $0x80000000, v11  }
0xb7: {  	(xrf0) =	vmin.scan.msk.u32 $0xffff, v7  }
0xb8: {  	v7 =	vxor.u32 $0x80000000, v10  }
0xb9: {  	(xrf0) =	vmin.scan.msk.u32 $0xffff, v7;
	_ =	sdelay $0x2  }
0xba: {  	v7, _, _ =	vpop (xrf0)  }
0xbb: {  	v8, _, _ =	vpop (xrf0);
	(v2sf) =	vpush v7, $0xF  }
0xbc: {  	(v2sf) =	vpush v8, $0xF  }
0xbd: {  	v7, _, _ =	vpop (xrf0)  }
0xbe: {  	(v2sf) =	vpush v7, $0xF;
	_ =	sdelay $0xb  }
0xbf: {  	s28 =	spop (v2sf)  }
0xc0: {  	s21 =	spop (v2sf)  }
0xc1: {  	s20 =	sxor.u32 $0x80000000, s28;
	s21 =	sxor.u32 $0x80000000, s21  }
0xc2: {  	p1 =	seq.f32 s17, s18;
	s18 =	spop (v2sf);
	p0 =	slt.s32 s20, s21  }
0xc3: {  	s17 =	sxor.u32 $0x80000000, s18;
	s21 =	smov.u32 @p0 s20  }
0xc4: {  	s17 =	smov.u32 @p1 s21  }
0xc5: {  	v7 =	vmov s17  }
0xc6: {  	v7 =	vsel vm2, s19, v7;
	s19 =	simm.s32 $0x9800  }
0xc7: {  	[tilespmem:v0+s19+$0x0] =	vst.idx.msk $0x3, v7  }
0xc8: {  	v7 =	vld.msk [tilespmem:$0x9800], $0x3;
	_ =	sdelay $0x4  }
0xc9: {  	v8 =	vshll.u32 v7, $0x5  }
0xca: {  	v7 =	vand.u32 $0x7, v7;
	v8 =	vand.u32 $0xFFFFFF00, v8  }
0xcb: {  	v9 =	vshrl.u32 v0, $0x1;
	v8 =	vor.u32 v7, v8;
	v7 =	vand.u32 $0x1, v0  }
0xcc: {  	v10 =	vperm.xlane v8, v7;
	v8 =	vmul.u32 $0x8, v9;
	_ =	sdelay $0x1  }
0xcd: {  	v9 =	vadd.s32 v8, v10;
	_ =	sdelay $0x3  }
0xce: {  	s20 =	simm.s32 $0x2800;
	s17 =	simm.s32 $0x0  }
0xcf: {  	[tilespmem:s20], [sflag:$0x3] =	stream.indirect_vreg.gather [hbm4b:s2+s17], $0x80, v9, vm1, $0xb8;
	[tilespmem:$0xA500] =	vst v63  }
0xd0: {  	s21 =	simm.s32 $0x3000  }
0xd1: {  	[tilespmem:s21], [sflag:$0x3] =	stream.indirect_vreg.gather [hbm4b:s9+s17], $0x80, v9, vm1, $0xb8;
	[tilespmem:$0xA500] =	vst v63  }
0xd2: {  	s22 =	simm.s32 $0x3800  }
0xd3: {  	[tilespmem:s22], [sflag:$0x3] =	stream.indirect_vreg.gather [hbm4b:s10+s17], $0x80, v9, vm1, $0xb8;
	[tilespmem:$0xA500] =	vst v63  }
0xd4: {  	s23 =	simm.s32 $0x4000  }
0xd5: {  	[tilespmem:s23], [sflag:$0x3] =	stream.indirect_vreg.gather [hbm4b:s11+s17], $0x80, v9, vm1, $0xb8;
	[tilespmem:$0xA500] =	vst v63  }
.Ltmp6:
0xd6: {  	_ = 	snop;
	(pc) =	sbr.rel .LBB2_10-.Ltmp6, $4  }
0xd7: {  	s25 =	rddreg [dreg:$0x6];
	s26 =	simm.s32 $0x800  }
0xd8: {  	[tilespmem:s26], [sflag:$0x2] =	stream.strided.gather [hbm4b:s25+s15], $0x1000, s16, s15, $0x38;
	[tilespmem:$0xA500] =	vst v63  }
0xd9: {  	s28 =	rddreg [dreg:$0x7]  }
0xda: {  	[tilespmem:s16], [sflag:$0x1] =	stream.strided.gather [hbm4b:s28+s15], $0x400, s16, s15, $0x38;
	[tilespmem:$0xA500] =	vst v63  }
.LBB2_92:
0xdb: {  	s17 =	sadd.s32 $0x1, s17  }
0xdc: {  	p0 =	sne.s32 s17, $0x40  }
.Ltmp7:
0xdd: {  	_ = 	snop;
	(pc) =	sbr.rel @!p0 .LBB2_93-.Ltmp7, $4  }
0xde: {  	_ = 	snop  }
0xdf: {  	s18 =	sadd.s32 s4, s18  }
0xe0: {  	s18 =	sadd.s32 s19, s18  }
0xe1: {  	[hbm4b:s18+s15] =	stream.strided.scatter [tilespmem:s8], [sflag:$0x4], $0x1000, s16, s15, $0x38;
	[tilespmem:$0xA500] =	vst v63  }
.LBB2_10:
0xe2: {  	_ =	swait.ge [sflag:s24], $0x400  }
0xe3: {  	[sflag:s24] =	ssyncset.done $0x0  }
0xe4: {  	s19 =	simm.s32 $0x440;
	[sflag:s24] =	ssyncadd.s32 $0xFFFFFC00  }
0xe5: {  	v10 =	vld [tilespmem:s19+$0x10]  }
0xe6: {  	v11 =	vld [tilespmem:s19+$0xFFFFFFC0]  }
0xe7: {  	v12 =	vld [tilespmem:s19+$0xFFFFFFD0]  }
0xe8: {  	v13 =	vld [tilespmem:s19+$0xFFFFFFE0]  }
0xe9: {  	v14 =	vld [tilespmem:s19+$0xFFFFFFF0]  }
0xea: {  	v15 =	vimm.f32 $-Inf;
	s18 =	simm.s32 $0x4C0;
	v16 =	vld [tilespmem:s19+$0x0]  }
0xeb: {  	v9 =	vld [tilespmem:s18+$0x10];
	v17 =	vmin.f32 v15, v11;
	v11 =	vmax.f32 v15, v11  }
0xec: {  	v18 =	vld [tilespmem:s19+$0x20];
	v15 =	vmax.f32 v15, v17;
	v17 =	vmin.f32 v11, v12;
	v11 =	vmax.f32 v11, v12  }
0xed: {  	v12 =	vmax.f32 v15, v17;
	v15 =	vmin.f32 v11, v13;
	v11 =	vmax.f32 v11, v13;
	v17 =	vld [tilespmem:s19+$0x30]  }
0xee: {  	v13 =	vld [tilespmem:s18+$0xFFFFFFC0];
	v12 =	vmax.f32 v12, v15;
	v15 =	vmin.f32 v11, v14;
	v14 =	vmax.f32 v11, v14  }
0xef: {  	v11 =	vld [tilespmem:s18+$0xFFFFFFD0];
	v15 =	vmax.f32 v12, v15;
	v19 =	vmin.f32 v14, v16;
	v14 =	vmax.f32 v14, v16  }
0xf0: {  	v12 =	vld [tilespmem:s18+$0xFFFFFFE0];
	v15 =	vmax.f32 v15, v19;
	v16 =	vmin.f32 v14, v10;
	v14 =	vmax.f32 v14, v10  }
0xf1: {  	v10 =	vld [tilespmem:s18+$0xFFFFFFF0];
	v15 =	vmax.f32 v15, v16;
	v16 =	vmin.f32 v14, v18;
	v18 =	vmax.f32 v14, v18  }
0xf2: {  	s20 =	simm.s32 $0x540;
	s19 =	simm.s32 $0x8;
	v14 =	vld [tilespmem:s18+$0x0];
	v15 =	vmax.f32 v15, v16;
	v16 =	vmin.f32 v18, v17;
	v17 =	vmax.f32 v18, v17  }
.LBB2_11:
0xf3: {  	v18 =	vld [tilespmem:s20+$0x10];
	s19 =	sadd.s32 $0x8, s19;
	v19 =	vmin.f32 v17, v13;
	v13 =	vmax.f32 v17, v13;
	v15 =	vmax.f32 v15, v16  }
0xf4: {  	p0 =	slt.u32 s19, $0x30;
	v15 =	vmax.f32 v15, v19;
	v16 =	vmin.f32 v13, v11;
	v11 =	vmax.f32 v13, v11;
	v17 =	vld [tilespmem:s18+$0x20]  }
0xf5: {  	v15 =	vmax.f32 v15, v16;
	v16 =	vmin.f32 v11, v12;
	v11 =	vmax.f32 v11, v12;
	v19 =	vld [tilespmem:s18+$0x30];
	s18 =	smov.u32 s20  }
.Ltmp8:
0xf6: {  	v13 =	vld [tilespmem:s20+$0xFFFFFFC0];
	v12 =	vmax.f32 v15, v16;
	v15 =	vmin.f32 v11, v10;
	v10 =	vmax.f32 v11, v10;
	(pc) =	sbr.rel @p0 .LBB2_11-.Ltmp8, $4  }
0xf7: {  	v11 =	vld [tilespmem:s20+$0xFFFFFFD0];
	v15 =	vmax.f32 v12, v15;
	v16 =	vmin.f32 v10, v14;
	v10 =	vmax.f32 v10, v14  }
0xf8: {  	v12 =	vld [tilespmem:s20+$0xFFFFFFE0];
	v14 =	vmax.f32 v15, v16;
	v15 =	vmin.f32 v10, v9;
	v16 =	vmax.f32 v10, v9;
	v9 =	vmovc v18  }
0xf9: {  	v10 =	vld [tilespmem:s20+$0xFFFFFFF0];
	v15 =	vmax.f32 v14, v15;
	v18 =	vmin.f32 v16, v17;
	v17 =	vmax.f32 v16, v17  }
0xfa: {  	s20 =	sadd.s32 $0x80, s20;
	v14 =	vld [tilespmem:s18+$0x0];
	v15 =	vmax.f32 v15, v18;
	v16 =	vmin.f32 v17, v19;
	v17 =	vmax.f32 v17, v19  }
0xfb: {  	v18 =	vmin.f32 v17, v13;
	v13 =	vmax.f32 v17, v13;
	v15 =	vmax.f32 v15, v16  }
0xfc: {  	v15 =	vmax.f32 v15, v18;
	v61 =	vmin.f32 v13, v11;
	v11 =	vmax.f32 v13, v11;
	v13 =	vld [tilespmem:s18+$0x20]  }
0xfd: {  	v15 =	vmax.f32 v15, v61;
	v62 =	vmin.f32 v11, v12;
	v11 =	vmax.f32 v11, v12;
	v12 =	vld [tilespmem:s18+$0x30]  }
0xfe: {  	v15 =	vmax.f32 v15, v62;
	v63 =	vmin.f32 v11, v10;
	v10 =	vmax.f32 v11, v10  }
0xff: {  	v11 =	vmax.f32 v15, v63;
	v15 =	vmin.f32 v10, v14;
	v10 =	vmax.f32 v10, v14  }
0x100: {  	v11 =	vmax.f32 v11, v15;
	v14 =	vmin.f32 v10, v9;
	v9 =	vmax.f32 v10, v9  }
0x101: {  	v10 =	vmax.f32 v11, v14;
	v11 =	vmin.f32 v9, v13;
	v9 =	vmax.f32 v9, v13  }
0x102: {  	v10 =	vmax.f32 v10, v11;
	v11 =	vmin.f32 v9, v12  }
0x103: {  	s18 =	simm.s32 $0x0;
	v12 =	vmax.f32 v9, v12;
	v11 =	vmax.f32 v10, v11  }
.LBB2_13:
0x104: {  	s19 =	sshra.s32 s18, $0x2  }
0x105: {  	v9 =	vld [tilespmem:s19+$0x780]  }
0x106: {  	p0 =	sne.s32 s18, $0x140  }
.Ltmp9:
0x107: {  	_ = 	snop;
	(pc) =	sbr.rel @p0 .LBB2_13-.Ltmp9, $3  }
0x108: {  	_ =	sdelay $0x1  }
0x109: {  	v10 =	vmin.f32 v12, v9  }
0x10a: {  	s18 =	sadd.s32 $0x40, s18;
	v12 =	vmax.f32 v12, v9;
	v11 =	vmax.f32 v11, v10  }
0x10b: {  	v9 =	vld [tilespmem:$0x7D8];
	_ =	sdelay $0x4  }
0x10c: {  	v13 =	vsel vm0, $0xFF800000, v9  }
0x10d: {  	v14 =	vmax.f32 v12, v13  }
0x10e: {  	(xrf0) =	vmax.scan.msk.f32 $0xffff, v14;
	_ =	sdelay $0x5  }
0x10f: {  	v9, _, _ =	vpop (xrf0)  }
0x110: {  	v10 =	vbroadcast v9, $0xF;
	_ =	sdelay $0x1  }
0x111: {  	vm3 =	veq.f32 v14, v10  }
0x112: {  	v15 =	vmctz.xlane vm3;
	_ =	sdelay $0x1  }
0x113: {  	v15 =	vxor.u32 $0x80000000, v15  }
0x114: {  	(xrf0) =	vmax.scan.msk.u32 $0xffff, v15;
	_ =	sdelay $0x5  }
0x115: {  	v15, _, _ =	vpop (xrf0)  }
0x116: {  	(v2sf) =	vpush v15, $0xF;
	_ =	sdelay $0xe  }
0x117: {  	s18 =	spop (v2sf)  }
0x118: {  	s18 =	sxor.u32 $0x80000000, s18  }
0x119: {  	v15 =	vmov s18  }
0x11a: {  	vm3 =	veq.s32 v15, v0  }
0x11b: {  	v12 =	vmin.f32 v12, v13;
	v13 =	vsel vm3, $0xFF800000, v14  }
0x11c: {  	v11 =	vmax.f32 v11, v12;
	(xrf0) =	vmax.scan.msk.f32 $0xffff, v13  }
0x11d: {  	(xrf0) =	vmax.scan.msk.f32 $0xffff, v11;
	_ =	sdelay $0x4  }
0x11e: {  	v11, _, _ =	vpop (xrf0)  }
0x11f: {  	(v2sf) =	vpush v11, $0xF;
	v11, _, _ =	vpop (xrf0)  }
0x120: {  	(v2sf) =	vpush v11, $0xF;
	_ =	sdelay $0x2  }
0x121: {  	s19 =	simm.s32 $0x420  }
0x122: {  	v12 =	vld [tilespmem:s19+$0xFFFFFFE0];
	_ =	sdelay $0x2  }
0x123: {  	v15 =	vld [tilespmem:s19+$0x0]  }
0x124: {  	s26 =	simm.s32 $0x0;
	v13 =	vld [tilespmem:s19+$0xFFFFFFF0]  }
0x125: {  	v16 =	vor.u32 s26, v0;
	vm3 =	veq.f32 v12, v10  }
0x126: {  	v17 =	vimm.s32 $0x100000;
	s28 =	simm.s32 $0x30;
	s21 =	simm.s32 $0x10;
	v14 =	vld [tilespmem:s19+$0x10];
	v20 =	vnsel vm3, $0x100000, v16  }
0x127: {  	v18 =	vor.u32 s21, v0;
	v19 =	vor.u32 s28, v0;
	s21 =	simm.s32 $0x20;
	s26 =	simm.s32 $0x40;
	vm4 =	vlt.s32 v17, v20  }
0x128: {  	v21 =	vor.u32 s21, v0;
	v62 =	vor.u32 s26, v0;
	v23 =	vsel vm4, v17, v20  }
0x129: {  	v20 =	vsel vm4, v20, v17;
	vm5 =	veq.f32 v15, v10;
	vm3 =	veq.f32 v13, v10  }
0x12a: {  	v24 =	vnsel vm5, $0x100000, v21;
	vm5 =	vlt.s32 v17, v20;
	v22 =	vnsel vm3, $0x100000, v18;
	s25 =	spop (v2sf)  }
0x12b: {  	v20 =	vsel vm5, v17, v20;
	vm3 =	veq.f32 v14, v10;
	vm4 =	vlt.s32 v23, v22;
	s20 =	spop (v2sf)  }
0x12c: {  	s22 =	simm.s32 $0x460;
	v28 =	vnsel vm3, $0x100000, v19;
	v25 =	vsel vm4, v23, v22;
	v22 =	vsel vm4, v22, v23;
	s18 =	smax.f32 s25, s20  }
0x12d: {  	v27 =	vld [tilespmem:s22+$0xFFFFFFE0];
	vm4 =	vlt.s32 v25, v24;
	vm5 =	vlt.s32 v20, v22;
	v11 =	vmov s18  }
0x12e: {  	s23 =	simm.s32 $0x50;
	v23 =	vsel vm4, v24, v25;
	vm6 =	veq.f32 v12, v11;
	vm7 =	veq.f32 v13, v11  }
0x12f: {  	s25 =	simm.s32 $0x70;
	vm8 =	veq.f32 v15, v11;
	vm3 =	veq.f32 v14, v11;
	v12 =	vor.u32 s23, v0  }
0x130: {  	v30 =	vld [tilespmem:s22+$0xFFFFFFF0];
	v14 =	vor.u32 s25, v0;
	v26 =	vnsel vm6, $0x100000, v16;
	v29 =	vnsel vm8, $0x100000, v21  }
0x131: {  	v21 =	vsel vm4, v25, v24;
	v13 =	vnsel vm3, $0x100000, v19;
	v16 =	vsel vm5, v20, v22  }
0x132: {  	v15 =	vld [tilespmem:s22+$0x10];
	v18 =	vnsel vm7, $0x100000, v18;
	vm5 =	veq.f32 v27, v10;
	vm8 =	veq.f32 v27, v11  }
0x133: {  	v22 =	vld [tilespmem:s22+$0x0];
	vm3 =	vlt.s32 v21, v28;
	vm4 =	vlt.s32 v16, v23;
	vm6 =	vlt.s32 v17, v26  }
0x134: {  	s28 =	simm.s32 $0x60;
	v19 =	vsel vm3, v28, v21;
	v20 =	vsel vm4, v16, v23;
	v23 =	vnsel vm5, $0x100000, v62  }
0x135: {  	v16 =	vor.u32 s28, v0;
	vm5 =	veq.f32 v30, v10;
	vm4 =	vlt.s32 v20, v19  }
0x136: {  	v26 =	vsel vm6, v17, v26;
	v63 =	vsel vm4, v20, v19;
	v19 =	vsel vm3, v21, v28  }
0x137: {  	v20 =	vnsel vm5, $0x100000, v12;
	vm3 =	veq.f32 v15, v10;
	vm4 =	vlt.s32 v19, v23  }
0x138: {  	vm5 =	veq.f32 v22, v10;
	vm6 =	veq.f32 v22, v11;
	v28 =	vsel vm4, v19, v23  }
0x139: {  	v23 =	vsel vm4, v23, v19;
	v19 =	vnsel vm5, $0x100000, v16;
	vm5 =	vlt.s32 v26, v18  }
0x13a: {  	vm4 =	vlt.s32 v28, v20;
	vm7 =	vlt.s32 v63, v23;
	v26 =	vsel vm5, v26, v18  }
0x13b: {  	vm5 =	veq.f32 v30, v11;
	v18 =	vnsel vm8, $0x100000, v62;
	v21 =	vsel vm4, v28, v20  }
0x13c: {  	v20 =	vsel vm4, v20, v28;
	vm9 =	vlt.s32 v26, v29;
	vm4 =	vlt.s32 v21, v19  }
0x13d: {  	s21 =	simm.s32 $0x4A0;
	s19 =	simm.s32 $0x4;
	s20 =	simm.s32 $0xB0;
	v22 =	vsel vm7, v63, v23;
	v23 =	vsel vm9, v26, v29;
	v17 =	vsel vm4, v19, v21  }
.LBB2_15:
0x13e: {  	v24 =	vld [tilespmem:s21+$0xFFFFFFE0];
	s22 =	sadd.s32 $0xFFFFFFE0, s20;
	s19 =	sadd.s32 $0x4, s19;
	v25 =	vnsel vm3, $0x100000, v14;
	vm3 =	veq.f32 v15, v11;
	vm7 =	vlt.s32 v23, v13  }
0x13f: {  	v28 =	vnsel vm6, $0x100000, v16;
	v26 =	vld [tilespmem:s21+$0xFFFFFFF0];
	v27 =	vor.u32 s22, v0;
	p0 =	slt.u32 s19, $0x38;
	v23 =	vsel vm7, v23, v13  }
0x140: {  	vm6 =	vlt.s32 v22, v20;
	v19 =	vsel vm4, v21, v19;
	v13 =	vnsel vm3, $0x100000, v14;
	v15 =	vld [tilespmem:s21+$0x10]  }
0x141: {  	v16 =	vsel vm6, v22, v20;
	v22 =	vnsel vm5, $0x100000, v12;
	vm3 =	vlt.s32 v19, v25;
	v12 =	vmovc v27  }
0x142: {  	s22 =	sadd.s32 $0xFFFFFFD0, s20;
	v14 =	vor.u32 s20, v0;
	vm4 =	vlt.s32 v16, v17;
	v20 =	vsel vm3, v25, v19;
	v27 =	vld [tilespmem:s21+$0x0]  }
0x143: {  	v29 =	vor.u32 s22, v0;
	s22 =	sadd.s32 $0xFFFFFFF0, s20;
	v17 =	vsel vm4, v16, v17;
	vm5 =	veq.f32 v24, v10  }
0x144: {  	v16 =	vor.u32 s22, v0;
	vm4 =	vlt.s32 v17, v20;
	v21 =	vnsel vm5, $0x100000, v29  }
0x145: {  	v30 =	vsel vm4, v17, v20;
	v17 =	vsel vm3, v19, v25;
	vm5 =	veq.f32 v26, v10  }
0x146: {  	vm4 =	vlt.s32 v17, v21;
	v20 =	vnsel vm5, $0x100000, v12;
	vm3 =	veq.f32 v15, v10  }
0x147: {  	vm6 =	vlt.s32 v23, v18;
	v25 =	vsel vm4, v17, v21;
	vm5 =	veq.f32 v27, v10  }
0x148: {  	v31 =	vsel vm4, v21, v17;
	vm4 =	vlt.s32 v25, v20;
	v19 =	vnsel vm5, $0x100000, v16  }
.Ltmp10:
0x149: {  	v18 =	vsel vm6, v23, v18;
	vm7 =	vlt.s32 v30, v31;
	v21 =	vsel vm4, v25, v20;
	(pc) =	sbr.rel @p0 .LBB2_15-.Ltmp10, $4  }
0x14a: {  	v20 =	vsel vm4, v20, v25;
	vm5 =	vlt.s32 v18, v22;
	vm4 =	vlt.s32 v21, v19  }
0x14b: {  	vm8 =	veq.f32 v24, v11;
	v23 =	vsel vm5, v18, v22;
	v17 =	vsel vm4, v19, v21  }
0x14c: {  	vm6 =	veq.f32 v27, v11;
	vm5 =	veq.f32 v26, v11;
	vm9 =	vlt.s32 v23, v28  }
0x14d: {  	s20 =	sadd.s32 $0x40, s20;
	s21 =	sadd.s32 $0x40, s21;
	v22 =	vsel vm7, v30, v31;
	v18 =	vnsel vm8, $0x100000, v29;
	v23 =	vsel vm9, v23, v28  }
0x14e: {  	vm7 =	vlt.s32 v23, v13  }
0x14f: {  	v13 =	vsel vm7, v23, v13  }
0x150: {  	v61 =	vnsel vm3, $0x100000, v14;
	vm3 =	veq.f32 v15, v11;
	vm7 =	vlt.s32 v13, v18  }
0x151: {  	v15 =	vnsel vm6, $0x100000, v16;
	v12 =	vnsel vm5, $0x100000, v12;
	v13 =	vsel vm7, v13, v18  }
0x152: {  	vm12 =	vlt.s32 v22, v20;
	v62 =	vsel vm4, v21, v19;
	vm13 =	vlt.s32 v13, v12  }
0x153: {  	v63 =	vnsel vm3, $0x100000, v14;
	v14 =	vsel vm12, v22, v20;
	v12 =	vsel vm13, v13, v12  }
0x154: {  	vm3 =	vlt.s32 v62, v61;
	vm14 =	vlt.s32 v14, v17;
	vm15 =	vlt.s32 v12, v15  }
0x155: {  	v14 =	vsel vm14, v14, v17;
	v13 =	vsel vm3, v61, v62;
	v15 =	vsel vm15, v12, v15  }
0x156: {  	vm4 =	vlt.s32 v14, v13;
	vm5 =	vlt.s32 v15, v63  }
0x157: {  	s19 =	simm.s32 $0x3C0;
	v12 =	vsel vm4, v14, v13;
	v14 =	vsel vm3, v62, v61;
	v13 =	vsel vm5, v15, v63  }
.LBB2_17:
0x158: {  	p0 =	seq.s32 s19, $0x3E0;
	s20 =	smov.u32 s19  }
0x159: {  	s20 =	simm.s32 @p0 $0x3D8  }
0x15a: {  	v15 =	vld [tilespmem:s20+$0x400];
	_ =	sdelay $0x1  }
0x15b: {  	s21 =	simm.s32 $0x8  }
0x15c: {  	s21 =	simm.s32 @!p0 $0x0  }
0x15d: {  	v16 =	vmov s21  }
0x15e: {  	vm3 =	vlt.u32 v16, v6;
	vm4 =	veq.f32 v15, v10  }
0x15f: {  	p0 =	sne.s32 s19, $0x3E0;
	v63 =	vadd.s32 s20, v0;
	vm4 =	vmand vm3, vm4  }
.Ltmp11:
0x160: {  	vm14 =	veq.f32 v15, v11;
	v17 =	vnsel vm4, $0x100000, v63;
	(pc) =	sbr.rel @p0 .LBB2_17-.Ltmp11, $4  }
0x161: {  	vm3 =	vmand vm3, vm14;
	vm5 =	vlt.s32 v14, v17  }
0x162: {  	v16 =	vnsel vm3, $0x100000, v63;
	v15 =	vsel vm5, v17, v14  }
0x163: {  	vm15 =	vlt.s32 v13, v16;
	vm3 =	vlt.s32 v12, v15  }
0x164: {  	s19 =	sadd.s32 $0x10, s19;
	v14 =	vsel vm5, v14, v17;
	v13 =	vsel vm15, v13, v16;
	v12 =	vsel vm3, v12, v15  }
0x165: {  	v10 =	vxor.u32 $0x80000000, v14  }
0x166: {  	(xrf0) =	vmin.scan.msk.u32 $0xffff, v10;
	_ =	sdelay $0x5  }
0x167: {  	(v2sf) =	vpush v9, $0xF;
	v9, _, _ =	vpop (xrf0)  }
0x168: {  	(v2sf) =	vpush v9, $0xF;
	_ =	sdelay $0xd  }
0x169: {  	s19 =	spop (v2sf)  }
0x16a: {  	s20 =	spop (v2sf)  }
0x16b: {  	s20 =	sxor.u32 $0x80000000, s20  }
0x16c: {  	vm3 =	veq.s32 v14, s20  }
0x16d: {  	v9 =	vmctz.xlane vm3;
	_ =	sdelay $0x1  }
0x16e: {  	v9 =	vxor.u32 $0x80000000, v9  }
0x16f: {  	(xrf0) =	vmax.scan.msk.u32 $0xffff, v9;
	_ =	sdelay $0x5  }
0x170: {  	v9, _, _ =	vpop (xrf0)  }
0x171: {  	(v2sf) =	vpush v9, $0xF;
	_ =	sdelay $0xe  }
0x172: {  	s21 =	spop (v2sf)  }
0x173: {  	s21 =	sxor.u32 $0x80000000, s21  }
0x174: {  	v9 =	vmov s21  }
0x175: {  	vm3 =	veq.s32 v9, v0  }
0x176: {  	v9 =	vsel vm3, $0x80100000, v10  }
0x177: {  	(xrf0) =	vmin.scan.msk.u32 $0xffff, v9;
	v9 =	vxor.u32 $0x80000000, v12  }
0x178: {  	(xrf0) =	vmin.scan.msk.u32 $0xffff, v9  }
0x179: {  	v9 =	vxor.u32 $0x80000000, v13  }
0x17a: {  	(xrf0) =	vmin.scan.msk.u32 $0xffff, v9;
	_ =	sdelay $0x2  }
0x17b: {  	v9, _, _ =	vpop (xrf0)  }
0x17c: {  	v10, _, _ =	vpop (xrf0);
	(v2sf) =	vpush v9, $0xF  }
0x17d: {  	(v2sf) =	vpush v10, $0xF  }
0x17e: {  	v9, _, _ =	vpop (xrf0)  }
0x17f: {  	(v2sf) =	vpush v9, $0xF;
	_ =	sdelay $0xb  }
0x180: {  	s28 =	spop (v2sf)  }
0x181: {  	s22 =	spop (v2sf)  }
0x182: {  	s21 =	sxor.u32 $0x80000000, s28;
	s22 =	sxor.u32 $0x80000000, s22  }
0x183: {  	p1 =	seq.f32 s18, s19;
	s19 =	spop (v2sf);
	p0 =	slt.s32 s21, s22  }
0x184: {  	s18 =	sxor.u32 $0x80000000, s19;
	s22 =	smov.u32 @p0 s21  }
0x185: {  	s18 =	smov.u32 @p1 s22  }
0x186: {  	v9 =	vmov s18  }
0x187: {  	v9 =	vsel vm2, s20, v9;
	s20 =	simm.s32 $0x9880  }
0x188: {  	[tilespmem:v0+s20+$0x0] =	vst.idx.msk $0x3, v9  }
0x189: {  	v9 =	vld.msk [tilespmem:$0x9880], $0x3;
	_ =	sdelay $0x4  }
0x18a: {  	v10 =	vshll.u32 v9, $0x5  }
0x18b: {  	v9 =	vand.u32 $0x7, v9;
	v10 =	vand.u32 $0xFFFFFF00, v10  }
0x18c: {  	v9 =	vor.u32 v9, v10  }
0x18d: {  	v9 =	vperm.xlane v9, v7;
	_ =	sdelay $0x1  }
0x18e: {  	v9 =	vadd.s32 v8, v9;
	_ =	sdelay $0x2  }
0x18f: {  	s23 =	sshll.u32 s17, $0x1  }
0x190: {  	s25 =	sshll.u32 s17, $0x5;
	s19 =	sadd.s32 s6, s23;
	s21 =	simm.s32 $0x4800  }
0x191: {  	[tilespmem:s21], [sflag:$0x3] =	stream.indirect_vreg.gather [hbm4b:s2+s5], $0x80, v9, vm1, $0xb8;
	[tilespmem:$0xA500] =	vst v63  }
0x192: {  	s26 =	sshll.u32 s19, $0x9;
	s22 =	simm.s32 $0x5000;
	s20 =	sand.u32 $0x60, s25  }
0x193: {  	[tilespmem:s22], [sflag:$0x3] =	stream.indirect_vreg.gather [hbm4b:s9+s5], $0x80, v9, vm1, $0xb8;
	[tilespmem:$0xA500] =	vst v63  }
0x194: {  	s18 =	sand.u32 $0x1FF000, s26;
	s28 =	sadd.s32 s20, s1  }
0x195: {  	[tilespmem:s29], [sflag:$0x3] =	stream.indirect_vreg.gather [hbm4b:s10+s5], $0x80, v9, vm1, $0xb8;
	[tilespmem:$0xA500] =	vst v63  }
0x196: {  	s21 =	sadd.s32 s18, s28  }
0x197: {  	[tilespmem:s30], [sflag:$0x3] =	stream.indirect_vreg.gather [hbm4b:s11+s5], $0x80, v9, vm1, $0xb8;
	[tilespmem:$0xA500] =	vst v63  }
0x198: {  	p0 =	seq.s32 s17, $0x3F;
	s21 =	sadd.s32 $0x10, s21  }
0x199: {  	[tilespmem:s31], [sflag:$0x2] =	stream.strided.gather [hbm4b:s21+s15], $0x1000, s16, s15, $0x38;
	[tilespmem:$0xA500] =	vst v63  }
0x19a: {  	s21 =	sadd.s32 @!p0 $0x2, s19  }
0x19b: {  	s22 =	sshll.u32 @!p0 s21, $0x4  }
0x19c: {  	s21 =	sshll.u32 @!p0 s21, $0x7;
	s22 =	sand.u32 @!p0 $0x60, s22  }
0x19d: {  	s23 =	simm.s32 @!p0 $0x400;
	s21 =	sand.u32 @!p0 $0xFFFFC00, s21;
	s22 =	sadd.s32 @!p0 s7, s22  }
0x19e: {  	s25 =	simm.s32 @!p0 $0x0;
	s21 =	sadd.s32 @!p0 s21, s22;
	s22 =	simm.s32 @!p0 $0x80  }
0x19f: {  	[tilespmem:s25], [sflag:$0x1] =	stream.strided.gather @!p0 [hbm4b:s21+s22], $0x400, s23, s22, $0x38;
	[tilespmem:$0xA500] =	vst v63  }
0x1a0: {  	s22 =	simm.s32 $0x9940  }
0x1a1: {  	[tilespmem:s22+$0xFFFFFFC0] =	vst v1  }
0x1a2: {  	[tilespmem:s22+$0x30] =	vst v1  }
0x1a3: {  	[tilespmem:s22+$0x20] =	vst v1  }
0x1a4: {  	[tilespmem:s22+$0x10] =	vst v1  }
0x1a5: {  	[tilespmem:s22+$0x0] =	vst v1  }
0x1a6: {  	[tilespmem:s22+$0xFFFFFFF0] =	vst v1  }
0x1a7: {  	s23 =	simm.s32 $0x0;
	[tilespmem:s22+$0xFFFFFFE0] =	vst v1  }
.LBB2_19:
0x1a8: {  	s23 =	sadd.s32 $0x8, s23;
	[tilespmem:s22+$0xFFFFFFD0] =	vst v1;
	s22 =	sadd.s32 $0x80, s22;
	s21 =	simm.s32 $0xA140  }
0x1a9: {  	[tilespmem:s22+$0xFFFFFFC0] =	vst v1;
	p0 =	slt.u32 s23, $0x78  }
0x1aa: {  	[tilespmem:s22+$0x30] =	vst v1  }
.Ltmp12:
0x1ab: {  	[tilespmem:s22+$0x20] =	vst v1;
	(pc) =	sbr.rel @p0 .LBB2_19-.Ltmp12, $4  }
0x1ac: {  	[tilespmem:s22+$0x10] =	vst v1  }
0x1ad: {  	[tilespmem:s22+$0x0] =	vst v1  }
0x1ae: {  	[tilespmem:s22+$0xFFFFFFF0] =	vst v1  }
0x1af: {  	[tilespmem:s22+$0xFFFFFFE0] =	vst v1  }
0x1b0: {  	[tilespmem:s22+$0xFFFFFFD0] =	vst v1  }
0x1b1: {  	[tilespmem:s21+$0xFFFFFFC0] =	vst v1  }
0x1b2: {  	[tilespmem:s21+$0x30] =	vst v1  }
0x1b3: {  	[tilespmem:s21+$0x20] =	vst v1  }
0x1b4: {  	[tilespmem:s21+$0x10] =	vst v1  }
0x1b5: {  	[tilespmem:s21+$0x0] =	vst v1  }
0x1b6: {  	[tilespmem:s21+$0xFFFFFFF0] =	vst v1  }
0x1b7: {  	s22 =	simm.s32 $0x0;
	[tilespmem:s21+$0xFFFFFFE0] =	vst v1  }
.LBB2_21:
0x1b8: {  	s22 =	sadd.s32 $0x8, s22;
	[tilespmem:s21+$0xFFFFFFD0] =	vst v1;
	s21 =	sadd.s32 $0x80, s21  }
0x1b9: {  	[tilespmem:s21+$0xFFFFFFC0] =	vst v1;
	p0 =	slt.u32 s22, $0x38  }
0x1ba: {  	[tilespmem:s21+$0x30] =	vst v1  }
.Ltmp13:
0x1bb: {  	[tilespmem:s21+$0x20] =	vst v1;
	(pc) =	sbr.rel @p0 .LBB2_21-.Ltmp13, $4  }
0x1bc: {  	[tilespmem:s21+$0x10] =	vst v1  }
0x1bd: {  	[tilespmem:s21+$0x0] =	vst v1  }
0x1be: {  	[tilespmem:s21+$0xFFFFFFF0] =	vst v1  }
0x1bf: {  	[tilespmem:s21+$0xFFFFFFE0] =	vst v1  }
0x1c0: {  	[tilespmem:s21+$0xFFFFFFD0] =	vst v1  }
0x1c1: {  	_ =	swait.ge [sflag:s0], $0x1000  }
0x1c2: {  	[sflag:s0] =	ssyncset.done $0x0  }
0x1c3: {  	[sflag:s0] =	ssyncadd.s32 $0xFFFFF000  }
0x1c4: {  	_ =	swait.ge [sflag:s3], $0x2000  }
0x1c5: {  	[sflag:s3] =	ssyncset.done $0x0  }
0x1c6: {  	s22 =	simm.s32 $0x2880;
	[sflag:s3] =	ssyncadd.s32 $0xFFFFE000  }
0x1c7: {  	v14 =	vld [tilespmem:s22+$0xFFFFFFD0]  }
0x1c8: {  	s23 =	simm.s32 $0x840;
	v11 =	vld [tilespmem:s22+$0xFFFFFFC0]  }
0x1c9: {  	v9 =	vld [tilespmem:s23+$0xFFFFFFE0]  }
0x1ca: {  	v10 =	vld [tilespmem:s23+$0x30]  }
0x1cb: {  	v12 =	vld [tilespmem:s22+$0x70]  }
0x1cc: {  	v13 =	vld [tilespmem:s22+$0xFFFFFFF0]  }
0x1cd: {  	v15 =	vld [tilespmem:s23+$0xFFFFFFD0]  }
0x1ce: {  	v16 =	vld [tilespmem:s22+$0xFFFFFFA0]  }
0x1cf: {  	v17 =	vld [tilespmem:s22+$0xFFFFFF90]  }
0x1d0: {  	v18 =	vld [tilespmem:s23+$0xFFFFFFC0]  }
0x1d1: {  	v19 =	vld [tilespmem:s22+$0x10]  }
0x1d2: {  	v12 =	vsub.f32 v13, v12;
	v13 =	vld [tilespmem:s22+$0x20]  }
0x1d3: {  	v20 =	vld [tilespmem:s22+$0x0]  }
0x1d4: {  	v10 =	vmul.f32 v12, v10;
	v12 =	vld [tilespmem:s22+$0xFFFFFF80]  }
0x1d5: {  	v22 =	vld [tilespmem:s22+$0xFFFFFFB0]  }
0x1d6: {  	v23 =	vld [tilespmem:s22+$0x40];
	v21 =	vand.u32 $0x7FFFFFFF, v10  }
0x1d7: {  	v17 =	vsub.f32 v17, v19;
	v19 =	vld [tilespmem:s22+$0x30];
	v10 =	vshrl.u32 v21, $0x14;
	v13 =	vsub.f32 v16, v13  }
0x1d8: {  	s21 =	simm.s32 $0x6840;
	v16 =	vld [tilespmem:s22+$0x50]  }
0x1d9: {  	[tilespmem:s21+$0x30] =	vst v21;
	v21 =	vld [tilespmem:s23+$0xFFFFFFF0];
	v9 =	vmul.f32 v13, v9;
	v12 =	vsub.f32 v12, v20;
	v13 =	vmul.f32 v17, v15  }
0x1da: {  	v20 =	vld [tilespmem:s23+$0x0]  }
0x1db: {  	v15 =	vmul.f32 v12, v18;
	v18 =	vand.u32 $0x7FFFFFFF, v13;
	v13 =	vld [tilespmem:s23+$0x20]  }
0x1dc: {  	v23 =	vsub.f32 v11, v23;
	v22 =	vsub.f32 v22, v19;
	v17 =	vand.u32 $0x7FFFFFFF, v9;
	[tilespmem:v10+s12+$0x0] =	vst.idx.add.s32.msk $0xffff, v2  }
0x1dd: {  	v12 =	vimm.s32 $0x0;
	v9 =	vshrl.u32 v17, $0x14;
	[tilespmem:s21+$0xFFFFFFD0] =	vst v18;
	v24 =	vand.u32 $0x7FFFFFFF, v15;
	v15 =	vld [tilespmem:s23+$0x10]  }
0x1de: {  	s25 =	simm.s32 $0x2980;
	v11 =	vshrl.u32 v18, $0x14;
	[tilespmem:s21+$0xFFFFFFE0] =	vst v17;
	v16 =	vsub.f32 v14, v16;
	v17 =	vld [tilespmem:s22+$0x60];
	v14 =	vshrl.u32 v24, $0x14  }
0x1df: {  	s26 =	simm.s32 $0x8C0;
	v18 =	vld [tilespmem:s22+$0xFFFFFFE0];
	s22 =	simm.s32 $0x6840;
	s23 =	simm.s32 $0x0;
	[tilespmem:s21+$0xFFFFFFC0] =	vst v24;
	v19 =	vmul.f32 v23, v20;
	v20 =	vmul.f32 v22, v21;
	vm3 =	vgt.s32 v12, v14  }
.LBB2_23:
0x1e0: {  	v21 =	vld [tilespmem:s25+$0xFFFFFFD0];
	s23 =	sadd.s32 $0x8, s23;
	s21 =	sadd.s32 $0x80, s21  }
0x1e1: {  	v19 =	vand.u32 $0x7FFFFFFF, v19;
	v22 =	vld [tilespmem:s25+$0xFFFFFFC0];
	p0 =	slt.u32 s23, $0xF8;
	v20 =	vand.u32 $0x7FFFFFFF, v20  }
0x1e2: {  	v23 =	vld [tilespmem:s26+$0xFFFFFFE0];
	v24 =	vshrl.u32 v20, $0x14;
	[tilespmem:s22+$0x0] =	vst v19;
	v15 =	vmul.f32 v16, v15  }
0x1e3: {  	v19 =	vshrl.u32 v19, $0x14;
	v16 =	vld [tilespmem:s26+$0x30];
	[tilespmem:s22+$0xFFFFFFF0] =	vst v20  }
0x1e4: {  	v12 =	vsel vm3, v12, v14;
	[tilespmem:v14+s12+$0x0] =	vst.idx.add.s32.msk $0xffff, v2;
	v14 =	vand.u32 $0x7FFFFFFF, v15;
	v15 =	vsub.f32 v18, v17  }
0x1e5: {  	v12 =	vmax.u32 v12, v11;
	v17 =	vld [tilespmem:s25+$0x70];
	[tilespmem:s22+$0x10] =	vst v14;
	v14 =	vshrl.u32 v14, $0x14  }
0x1e6: {  	v12 =	vmax.u32 v12, v9;
	v18 =	vld [tilespmem:s25+$0xFFFFFFF0];
	v13 =	vmul.f32 v15, v13  }
0x1e7: {  	v12 =	vmax.u32 v12, v24;
	[tilespmem:v24+s12+$0x0] =	vst.idx.add.s32.msk $0xffff, v2  }
0x1e8: {  	v12 =	vmax.u32 v12, v19;
	v15 =	vld [tilespmem:s26+$0xFFFFFFD0];
	v13 =	vand.u32 $0x7FFFFFFF, v13  }
0x1e9: {  	v12 =	vmax.u32 v12, v14;
	[tilespmem:v19+s12+$0x0] =	vst.idx.add.s32.msk $0xffff, v2;
	v19 =	vshrl.u32 v13, $0x14  }
0x1ea: {  	v20 =	vld [tilespmem:s25+$0xFFFFFFA0];
	[tilespmem:s22+$0x20] =	vst v13;
	v12 =	vmax.u32 v12, v19;
	s22 =	smov.u32 s21  }
0x1eb: {  	v13 =	vsub.f32 v18, v17;
	[tilespmem:v14+s12+$0x0] =	vst.idx.add.s32.msk $0xffff, v2;
	v12 =	vmax.u32 v12, v10  }
0x1ec: {  	[tilespmem:v11+s12+$0x0] =	vst.idx.add.s32.msk $0xffff, v2  }
0x1ed: {  	v10 =	vld [tilespmem:s25+$0xFFFFFF90];
	v11 =	vmul.f32 v13, v16  }
0x1ee: {  	v13 =	vld [tilespmem:s26+$0xFFFFFFC0]  }
0x1ef: {  	v14 =	vld [tilespmem:s25+$0x20];
	v11 =	vand.u32 $0x7FFFFFFF, v11  }
0x1f0: {  	[tilespmem:v9+s12+$0x0] =	vst.idx.add.s32.msk $0xffff, v2  }
0x1f1: {  	v9 =	vld [tilespmem:s25+$0x10];
	[tilespmem:s21+$0x30] =	vst v11  }
0x1f2: {  	[tilespmem:v19+s12+$0x0] =	vst.idx.add.s32.msk $0xffff, v2  }
0x1f3: {  	v16 =	vld [tilespmem:s25+$0xFFFFFF80]  }
0x1f4: {  	v17 =	vld [tilespmem:s25+$0x0]  }
0x1f5: {  	v14 =	vsub.f32 v20, v14;
	v18 =	vld [tilespmem:s25+$0xFFFFFFB0]  }
0x1f6: {  	v9 =	vsub.f32 v10, v9;
	v19 =	vld [tilespmem:s25+$0x40];
	v10 =	vshrl.u32 v11, $0x14  }
0x1f7: {  	v11 =	vmul.f32 v14, v23;
	v14 =	vld [tilespmem:s25+$0x50]  }
0x1f8: {  	v15 =	vmul.f32 v9, v15;
	v20 =	vld [tilespmem:s25+$0x30]  }
0x1f9: {  	v16 =	vsub.f32 v16, v17;
	v17 =	vand.u32 $0x7FFFFFFF, v11;
	v23 =	vld [tilespmem:s26+$0x0]  }
0x1fa: {  	v9 =	vshrl.u32 v17, $0x14;
	v24 =	vld [tilespmem:s26+$0xFFFFFFF0]  }
.Ltmp14:
0x1fb: {  	v11 =	vand.u32 $0x7FFFFFFF, v15;
	v16 =	vmul.f32 v16, v13;
	[tilespmem:v10+s12+$0x0] =	vst.idx.add.s32.msk $0xffff, v2;
	(pc) =	sbr.rel @p0 .LBB2_23-.Ltmp14, $4  }
0x1fc: {  	v19 =	vsub.f32 v22, v19;
	[tilespmem:s21+$0xFFFFFFD0] =	vst v11;
	v11 =	vshrl.u32 v11, $0x14;
	v13 =	vld [tilespmem:s26+$0x20]  }
0x1fd: {  	v22 =	vand.u32 $0x7FFFFFFF, v16;
	[tilespmem:s21+$0xFFFFFFE0] =	vst v17;
	v18 =	vsub.f32 v18, v20;
	v15 =	vld [tilespmem:s26+$0x10];
	v16 =	vsub.f32 v21, v14  }
0x1fe: {  	[tilespmem:s21+$0xFFFFFFC0] =	vst v22;
	v14 =	vshrl.u32 v22, $0x14;
	v19 =	vmul.f32 v19, v23;
	v17 =	vld [tilespmem:s25+$0x60]  }
0x1ff: {  	s26 =	sadd.s32 $0x80, s26;
	vm3 =	vgt.s32 v12, v14;
	v20 =	vmul.f32 v18, v24;
	v18 =	vld [tilespmem:s25+$0xFFFFFFE0];
	s25 =	sadd.s32 $0x100, s25  }
0x200: {  	_ =	sdelay $0x3  }
0x201: {  	v12 =	vsel vm3, v12, v14;
	v60 =	vand.u32 $0x7FFFFFFF, v19;
	v17 =	vsub.f32 v18, v17  }
0x202: {  	v20 =	vand.u32 $0x7FFFFFFF, v20;
	v12 =	vmax.u32 v12, v11;
	v15 =	vmul.f32 v16, v15  }
0x203: {  	v61 =	vshrl.u32 v20, $0x14;
	v12 =	vmax.u32 v12, v9;
	v13 =	vmul.f32 v17, v13  }
0x204: {  	v62 =	vshrl.u32 v60, $0x14;
	v12 =	vmax.u32 v12, v61;
	v15 =	vand.u32 $0x7FFFFFFF, v15  }
0x205: {  	v12 =	vmax.u32 v12, v62;
	v63 =	vshrl.u32 v15, $0x14;
	v13 =	vand.u32 $0x7FFFFFFF, v13  }
0x206: {  	v12 =	vmax.u32 v12, v63;
	v21 =	vshrl.u32 v13, $0x14  }
0x207: {  	v12 =	vmax.u32 v12, v21  }
0x208: {  	v10 =	vmax.u32 v12, v10  }
0x209: {  	v10 =	vxor.u32 $0x80000000, v10  }
0x20a: {  	(xrf0) =	vmax.scan.msk.u32 $0xffff, v10;
	_ =	sdelay $0x5  }
0x20b: {  	v10, _, _ =	vpop (xrf0)  }
0x20c: {  	(v2sf) =	vpush v10, $0xF;
	_ =	sdelay $0xb  }
0x20d: {  	[tilespmem:v14+s12+$0x0] =	vst.idx.add.s32.msk $0xffff, v2  }
0x20e: {  	[tilespmem:v11+s12+$0x0] =	vst.idx.add.s32.msk $0xffff, v2  }
0x20f: {  	[tilespmem:v9+s12+$0x0] =	vst.idx.add.s32.msk $0xffff, v2  }
0x210: {  	[tilespmem:s22+$0x0] =	vst v60;
	s21 =	spop (v2sf)  }
0x211: {  	[tilespmem:s22+$0xFFFFFFF0] =	vst v20;
	s21 =	sshra.s32 s21, $0x4  }
0x212: {  	[tilespmem:s22+$0x10] =	vst v15;
	p0 =	sgt.s32 s21, $0xFFFFFFFF  }
.Ltmp15:
0x213: {  	[tilespmem:v62+s12+$0x0] =	vst.idx.add.s32.msk $0xffff, v2;
	(pc) =	sbr.rel @p0 .LBB2_28-.Ltmp15, $4  }
0x214: {  	[tilespmem:v61+s12+$0x0] =	vst.idx.add.s32.msk $0xffff, v2  }
0x215: {  	[tilespmem:s22+$0x20] =	vst v13  }
0x216: {  	[tilespmem:v63+s12+$0x0] =	vst.idx.add.s32.msk $0xffff, v2  }
0x217: {  	v11 =	vimm.s32 $0x0;
	v9 =	vimm.s32 $0x333;
	[tilespmem:v21+s12+$0x0] =	vst.idx.add.s32.msk $0xffff, v2;
	v10 =	vimm.s32 $0x0  }
0x218: {  	s22 =	sshll.u32 s21, $0x6  }
0x219: {  	s23 =	sxor.u32 $0xF8000000, s21;
	s22 =	sshra.s32 s22, $0x2  }
0x21a: {  	v10 =	vimm.s32 $0x0;
	v9 =	vimm.s32 $0x333;
	v12 =	vimm.s32 $0x0;
	s21 =	ssub.s32 $0x0, s23;
	s23 =	sshll.u32 s23, $0x4;
	s22 =	sadd.s32 $0x9900, s22  }
.LBB2_26:
0x21b: {  	v13 =	vld [tilespmem:s22+$0x0];
	_ =	sdelay $0x4  }
0x21c: {  	(xrf0) =	vadd.scan.msk.s32 $0xffff, v13;
	_ =	sdelay $0x5  }
0x21d: {  	v14, _, _ =	vpop (xrf0)  }
0x21e: {  	v15 =	vperm.xlane v14, v4;
	_ =	sdelay $0x1  }
0x21f: {  	v12 =	vadd.s32 v12, v15  }
0x220: {  	vm3 =	vlt.s32 v12, v9  }
0x221: {  	v15 =	vsel vm3, $0x0, v5  }
0x222: {  	(xrf0) =	vmax.scan.msk.f32 $0xffff, v15;
	_ =	sdelay $0x5  }
0x223: {  	v15, _, _ =	vpop (xrf0)  }
0x224: {  	(v2sf) =	vpush v15, $0xF;
	_ =	sdelay $0xa  }
0x225: {  	v14 =	vsub.s32 v12, v14  }
0x226: {  	v14 =	vadd.s32 v13, v14  }
0x227: {  	vm3 =	vge.s32 v14, v9  }
0x228: {  	v15 =	vmpcnt.ones.xlane vm3  }
0x229: {  	p0 =	seq.s32 s21, $0x0;
	s25 =	spop (v2sf)  }
0x22a: {  	v15 =	vadd.s32 $0xFFFFFFFF, v15;
	p2 =	sgt.f32 @!p0 s25, $0.0e+00  }
0x22b: {  	vm3 =	vgt.s32 v15, $0x0  }
0x22c: {  	v15 =	vnsel vm3, $0x0, v15;
	p2 =	por p0, p2  }
.Ltmp16:
0x22d: {  	v14 =	vperm.xlane v14, v15;
	v13 =	vperm.xlane v13, v15;
	(pc) =	sbr.rel @!p2 .LBB2_26-.Ltmp16, $4  }
0x22e: {  	p1 =	sgt.f32 s25, $0.0e+00  }
0x22f: {  	v13 =	vsub.s32 v13, v14  }
0x230: {  	v14 =	vadd.s32 s23, v15;
	v13 =	vpsel !p1, $0x0, v13  }
0x231: {  	s21 =	sadd.s32 $0x1, s21;
	s22 =	sadd.s32 $0xFFFFFFF0, s22;
	s23 =	sadd.s32 $0xFFFFFFF0, s23;
	v10 =	vpsel p1, v14, v10;
	v9 =	vadd.s32 v9, v13  }
0x232: {  	v10 =	vpsel p0, v10, v10;
	v9 =	vpsel p0, v9, v9  }
.LBB2_28:
0x233: {  	s21 =	simm.s32 $0x6840  }
0x234: {  	v12 =	vld [tilespmem:s21+$0xFFFFFFC0];
	_ =	sdelay $0x2  }
0x235: {  	v13 =	vld [tilespmem:s21+$0xFFFFFFD0];
	_ =	sdelay $0x1  }
0x236: {  	v15 =	vld [tilespmem:s21+$0xFFFFFFE0];
	v14 =	vshrl.u32 v12, $0xA  }
0x237: {  	v14 =	vand.u32 $0x3FF, v14  }
0x238: {  	v12 =	vshrl.u32 v12, $0x14;
	vm3 =	vgt.s32 v11, v14  }
0x239: {  	v16 =	vld [tilespmem:s21+$0xFFFFFFF0];
	v17 =	vshrl.u32 v13, $0xA;
	vm5 =	veq.s32 v12, v10;
	v12 =	vsel vm3, v11, v14  }
0x23a: {  	v18 =	vand.u32 $0x3FF, v17;
	v11 =	vsel vm5, v12, v11  }
0x23b: {  	v12 =	vshrl.u32 v13, $0x14;
	v13 =	vshrl.u32 v15, $0x14;
	vm3 =	vgt.s32 v11, v18  }
0x23c: {  	v19 =	vld [tilespmem:s21+$0x0];
	v15 =	vshrl.u32 v15, $0xA;
	vm6 =	veq.s32 v12, v10;
	v12 =	vsel vm3, v11, v18  }
0x23d: {  	vm3 =	veq.s32 v13, v10;
	v12 =	vsel vm6, v12, v11;
	v11 =	vand.u32 $0x3FF, v15  }
0x23e: {  	v13 =	vshrl.u32 v16, $0xA;
	v15 =	vshrl.u32 v16, $0x14;
	v16 =	vld [tilespmem:s21+$0x10];
	vm4 =	vgt.s32 v12, v11  }
0x23f: {  	v13 =	vand.u32 $0x3FF, v13;
	[tilespmem:v14+s13+$0x0] =	vst.idx.add.s32.msk vm5, v2;
	v17 =	vsel vm4, v12, v11;
	vm4 =	veq.s32 v15, v10  }
0x240: {  	v15 =	vld [tilespmem:s21+$0x20];
	v12 =	vsel vm3, v17, v12;
	v14 =	vnsel vm4, $0x0, v13  }
0x241: {  	v20 =	vshrl.u32 v19, $0xA;
	vm5 =	vgt.s32 v12, v14  }
0x242: {  	v19 =	vshrl.u32 v19, $0x14;
	v17 =	vsel vm5, v12, v14;
	v12 =	vand.u32 $0x3FF, v20;
	v14 =	vld [tilespmem:s21+$0x30]  }
0x243: {  	s22 =	simm.s32 $0x68C0;
	[tilespmem:v18+s13+$0x0] =	vst.idx.add.s32.msk vm6, v2;
	s21 =	simm.s32 $0x0;
	vm5 =	veq.s32 v19, v10;
	v18 =	vshrl.u32 v16, $0xA;
	v19 =	vmax.u32 v17, v12  }
.LBB2_29:
0x244: {  	v20 =	vld [tilespmem:s22+$0xFFFFFFC0];
	s21 =	sadd.s32 $0x8, s21;
	v17 =	vsel vm5, v19, v17;
	v16 =	vshrl.u32 v16, $0x14;
	v18 =	vand.u32 $0x3FF, v18  }
0x245: {  	p0 =	slt.u32 s21, $0xF8;
	[tilespmem:v11+s13+$0x0] =	vst.idx.add.s32.msk vm3, v2;
	vm3 =	veq.s32 v16, v10;
	v11 =	vmax.u32 v17, v18;
	v16 =	vshrl.u32 v15, $0xA  }
0x246: {  	[tilespmem:v13+s13+$0x0] =	vst.idx.add.s32.msk vm4, v2;
	v11 =	vsel vm3, v11, v17;
	v13 =	vshrl.u32 v15, $0x14;
	v15 =	vand.u32 $0x3FF, v16  }
0x247: {  	v16 =	vld [tilespmem:s22+$0xFFFFFFD0];
	vm4 =	veq.s32 v13, v10;
	v13 =	vmax.u32 v11, v15;
	v17 =	vshrl.u32 v14, $0xA  }
0x248: {  	v11 =	vsel vm4, v13, v11;
	v13 =	vshrl.u32 v14, $0x14;
	v14 =	vand.u32 $0x3FF, v17  }
0x249: {  	v17 =	vshrl.u32 v20, $0xA;
	v19 =	vld [tilespmem:s22+$0xFFFFFFE0];
	vm6 =	veq.s32 v13, v10;
	v13 =	vmax.u32 v11, v14  }
0x24a: {  	v17 =	vand.u32 $0x3FF, v17;
	[tilespmem:v12+s13+$0x0] =	vst.idx.add.s32.msk vm5, v2;
	v11 =	vsel vm6, v13, v11  }
0x24b: {  	v12 =	vshrl.u32 v20, $0x14;
	vm5 =	vgt.s32 v11, v17;
	v13 =	vld [tilespmem:s22+$0xFFFFFFF0]  }
0x24c: {  	vm7 =	veq.s32 v12, v10;
	v12 =	vsel vm5, v11, v17;
	v20 =	vshrl.u32 v16, $0xA;
	[tilespmem:v18+s13+$0x0] =	vst.idx.add.s32.msk vm3, v2  }
0x24d: {  	v11 =	vsel vm7, v12, v11;
	v18 =	vand.u32 $0x3FF, v20;
	[tilespmem:v15+s13+$0x0] =	vst.idx.add.s32.msk vm4, v2  }
0x24e: {  	v12 =	vshrl.u32 v16, $0x14;
	vm3 =	vgt.s32 v11, v18;
	v15 =	vshrl.u32 v19, $0x14  }
0x24f: {  	vm5 =	veq.s32 v12, v10;
	v16 =	vshrl.u32 v19, $0xA;
	v12 =	vsel vm3, v11, v18;
	v19 =	vld [tilespmem:s22+$0x0]  }
0x250: {  	v12 =	vsel vm5, v12, v11;
	v11 =	vand.u32 $0x3FF, v16;
	v20 =	vshrl.u32 v13, $0x14;
	[tilespmem:v14+s13+$0x0] =	vst.idx.add.s32.msk vm6, v2  }
0x251: {  	vm3 =	veq.s32 v15, v10;
	v13 =	vshrl.u32 v13, $0xA;
	vm4 =	vgt.s32 v12, v11;
	v16 =	vld [tilespmem:s22+$0x10]  }
.Ltmp17:
0x252: {  	v13 =	vand.u32 $0x3FF, v13;
	[tilespmem:v17+s13+$0x0] =	vst.idx.add.s32.msk vm7, v2;
	v14 =	vsel vm4, v12, v11;
	vm4 =	veq.s32 v20, v10;
	(pc) =	sbr.rel @p0 .LBB2_29-.Ltmp17, $4  }
0x253: {  	v12 =	vsel vm3, v14, v12;
	v14 =	vnsel vm4, $0x0, v13;
	v15 =	vld [tilespmem:s22+$0x20]  }
0x254: {  	vm6 =	vgt.s32 v12, v14;
	v20 =	vshrl.u32 v19, $0xA  }
0x255: {  	v19 =	vshrl.u32 v19, $0x14;
	v17 =	vsel vm6, v12, v14;
	v12 =	vand.u32 $0x3FF, v20;
	v14 =	vld [tilespmem:s22+$0x30]  }
0x256: {  	s22 =	sadd.s32 $0x80, s22;
	[tilespmem:v18+s13+$0x0] =	vst.idx.add.s32.msk vm5, v2;
	vm5 =	veq.s32 v19, v10;
	v19 =	vmax.u32 v17, v12;
	v18 =	vshrl.u32 v16, $0xA  }
0x257: {  	v17 =	vsel vm5, v19, v17;
	v16 =	vshrl.u32 v16, $0x14;
	v18 =	vand.u32 $0x3FF, v18  }
0x258: {  	vm6 =	veq.s32 v16, v10;
	v55 =	vmax.u32 v17, v18;
	v56 =	vshrl.u32 v15, $0xA  }
0x259: {  	v57 =	vshrl.u32 v15, $0x14;
	v16 =	vsel vm6, v55, v17;
	v58 =	vand.u32 $0x3FF, v56  }
0x25a: {  	vm7 =	veq.s32 v57, v10;
	v59 =	vmax.u32 v16, v58;
	v60 =	vshrl.u32 v14, $0xA  }
0x25b: {  	v61 =	vshrl.u32 v14, $0x14;
	v15 =	vsel vm7, v59, v16;
	v62 =	vand.u32 $0x3FF, v60  }
0x25c: {  	vm8 =	veq.s32 v61, v10;
	v63 =	vmax.u32 v15, v62  }
0x25d: {  	v14 =	vsel vm8, v63, v15  }
0x25e: {  	v14 =	vxor.u32 $0x80000000, v14  }
0x25f: {  	(xrf0) =	vmax.scan.msk.u32 $0xffff, v14;
	_ =	sdelay $0x5  }
0x260: {  	v14, _, _ =	vpop (xrf0)  }
0x261: {  	(v2sf) =	vpush v14, $0xF;
	_ =	sdelay $0xe  }
0x262: {  	s21 =	spop (v2sf)  }
0x263: {  	s21 =	sshra.s32 s21, $0x4  }
0x264: {  	[tilespmem:v11+s13+$0x0] =	vst.idx.add.s32.msk vm3, v2;
	p0 =	sgt.s32 s21, $0xFFFFFFFF  }
.Ltmp18:
0x265: {  	[tilespmem:v13+s13+$0x0] =	vst.idx.add.s32.msk vm4, v2;
	(pc) =	sbr.rel @p0 .LBB2_34-.Ltmp18, $4  }
0x266: {  	[tilespmem:v12+s13+$0x0] =	vst.idx.add.s32.msk vm5, v2  }
0x267: {  	[tilespmem:v18+s13+$0x0] =	vst.idx.add.s32.msk vm6, v2  }
0x268: {  	[tilespmem:v58+s13+$0x0] =	vst.idx.add.s32.msk vm7, v2  }
0x269: {  	v11 =	vimm.s32 $0x0;
	[tilespmem:v62+s13+$0x0] =	vst.idx.add.s32.msk vm8, v2  }
0x26a: {  	s22 =	sshll.u32 s21, $0x6  }
0x26b: {  	s23 =	sxor.u32 $0xF8000000, s21;
	s22 =	sshra.s32 s22, $0x2  }
0x26c: {  	v11 =	vimm.s32 $0x0;
	v12 =	vimm.s32 $0x0;
	s21 =	ssub.s32 $0x0, s23;
	s23 =	sshll.u32 s23, $0x4;
	s22 =	sadd.s32 $0xA100, s22  }
.LBB2_32:
0x26d: {  	v13 =	vld [tilespmem:s22+$0x0];
	_ =	sdelay $0x4  }
0x26e: {  	(xrf0) =	vadd.scan.msk.s32 $0xffff, v13;
	_ =	sdelay $0x5  }
0x26f: {  	v14, _, _ =	vpop (xrf0)  }
0x270: {  	v15 =	vperm.xlane v14, v4;
	_ =	sdelay $0x1  }
0x271: {  	v12 =	vadd.s32 v12, v15  }
0x272: {  	vm3 =	vlt.s32 v12, v9  }
0x273: {  	v15 =	vsel vm3, $0x0, v5  }
0x274: {  	(xrf0) =	vmax.scan.msk.f32 $0xffff, v15;
	_ =	sdelay $0x5  }
0x275: {  	v15, _, _ =	vpop (xrf0)  }
0x276: {  	(v2sf) =	vpush v15, $0xF;
	_ =	sdelay $0xa  }
0x277: {  	v14 =	vsub.s32 v12, v14  }
0x278: {  	v14 =	vadd.s32 v13, v14  }
0x279: {  	vm3 =	vge.s32 v14, v9  }
0x27a: {  	v15 =	vmpcnt.ones.xlane vm3  }
0x27b: {  	p0 =	seq.s32 s21, $0x0;
	s25 =	spop (v2sf)  }
0x27c: {  	v15 =	vadd.s32 $0xFFFFFFFF, v15;
	p2 =	sgt.f32 @!p0 s25, $0.0e+00  }
0x27d: {  	vm3 =	vgt.s32 v15, $0x0  }
0x27e: {  	v15 =	vnsel vm3, $0x0, v15;
	p2 =	por p0, p2  }
.Ltmp19:
0x27f: {  	v14 =	vperm.xlane v14, v15;
	v13 =	vperm.xlane v13, v15;
	(pc) =	sbr.rel @!p2 .LBB2_32-.Ltmp19, $4  }
0x280: {  	p1 =	sgt.f32 s25, $0.0e+00  }
0x281: {  	v13 =	vsub.s32 v13, v14  }
0x282: {  	v14 =	vadd.s32 s23, v15;
	v13 =	vpsel !p1, $0x0, v13  }
0x283: {  	s21 =	sadd.s32 $0x1, s21;
	s22 =	sadd.s32 $0xFFFFFFF0, s22;
	s23 =	sadd.s32 $0xFFFFFFF0, s23;
	v11 =	vpsel p1, v14, v11;
	v9 =	vadd.s32 v9, v13  }
0x284: {  	v11 =	vpsel p0, v11, v11;
	v9 =	vpsel p0, v9, v9  }
.LBB2_34:
0x285: {  	s21 =	simm.s32 $0xA140  }
0x286: {  	[tilespmem:s21+$0xFFFFFFC0] =	vst v1  }
0x287: {  	[tilespmem:s21+$0x30] =	vst v1  }
0x288: {  	[tilespmem:s21+$0x20] =	vst v1  }
0x289: {  	[tilespmem:s21+$0x10] =	vst v1  }
0x28a: {  	[tilespmem:s21+$0x0] =	vst v1  }
0x28b: {  	[tilespmem:s21+$0xFFFFFFF0] =	vst v1  }
0x28c: {  	s22 =	simm.s32 $0x0;
	[tilespmem:s21+$0xFFFFFFE0] =	vst v1  }
.LBB2_35:
0x28d: {  	s22 =	sadd.s32 $0x8, s22;
	[tilespmem:s21+$0xFFFFFFD0] =	vst v1;
	s21 =	sadd.s32 $0x80, s21  }
0x28e: {  	[tilespmem:s21+$0xFFFFFFC0] =	vst v1;
	p0 =	slt.u32 s22, $0x38  }
0x28f: {  	[tilespmem:s21+$0x30] =	vst v1  }
.Ltmp20:
0x290: {  	[tilespmem:s21+$0x20] =	vst v1;
	(pc) =	sbr.rel @p0 .LBB2_35-.Ltmp20, $4  }
0x291: {  	[tilespmem:s21+$0x10] =	vst v1  }
0x292: {  	[tilespmem:s21+$0x0] =	vst v1  }
0x293: {  	[tilespmem:s21+$0xFFFFFFF0] =	vst v1  }
0x294: {  	[tilespmem:s21+$0xFFFFFFE0] =	vst v1  }
0x295: {  	[tilespmem:s21+$0xFFFFFFD0] =	vst v1;
	s22 =	simm.s32 $0x6840  }
0x296: {  	v12 =	vld [tilespmem:s22+$0xFFFFFFC0];
	_ =	sdelay $0x2  }
0x297: {  	v13 =	vld [tilespmem:s22+$0xFFFFFFD0];
	_ =	sdelay $0x1  }
0x298: {  	v10 =	vshll.u32 v10, $0xA;
	v14 =	vimm.s32 $0x0;
	v16 =	vld [tilespmem:s22+$0xFFFFFFF0];
	v15 =	vand.u32 $0x3FF, v12  }
0x299: {  	v10 =	vor.u32 v10, v11;
	v17 =	vld [tilespmem:s22+$0xFFFFFFE0];
	v11 =	vshrl.u32 v12, $0xA;
	vm3 =	vgt.s32 v14, v15  }
0x29a: {  	vm5 =	veq.s32 v11, v10;
	v11 =	vsel vm3, v14, v15  }
0x29b: {  	v18 =	vand.u32 $0x3FF, v13;
	v11 =	vsel vm5, v11, v14  }
0x29c: {  	v12 =	vshrl.u32 v13, $0xA;
	vm3 =	vgt.s32 v11, v18  }
0x29d: {  	vm6 =	veq.s32 v12, v10;
	v12 =	vsel vm3, v11, v18  }
0x29e: {  	v14 =	vld [tilespmem:s22+$0x0];
	v13 =	vsel vm6, v12, v11;
	v12 =	vand.u32 $0x3FF, v17;
	v11 =	vand.u32 $0x3FF, v16  }
0x29f: {  	v17 =	vshrl.u32 v17, $0xA;
	v16 =	vshrl.u32 v16, $0xA;
	vm3 =	vgt.s32 v13, v12  }
0x2a0: {  	v19 =	vld [tilespmem:s22+$0x10];
	vm4 =	veq.s32 v17, v10;
	v17 =	vsel vm3, v13, v12;
	vm3 =	veq.s32 v16, v10  }
0x2a1: {  	[tilespmem:v15+s13+$0x0] =	vst.idx.add.s32.msk vm5, v2;
	v13 =	vsel vm4, v17, v13;
	v16 =	vnsel vm3, $0x0, v11  }
0x2a2: {  	v15 =	vld [tilespmem:s22+$0x20];
	vm5 =	vgt.s32 v13, v16  }
0x2a3: {  	v13 =	vsel vm5, v13, v16;
	v16 =	vshrl.u32 v14, $0xA;
	v14 =	vand.u32 $0x3FF, v14  }
0x2a4: {  	vm5 =	veq.s32 v16, v10;
	v17 =	vmax.u32 v13, v14;
	v16 =	vld [tilespmem:s22+$0x30]  }
0x2a5: {  	s21 =	simm.s32 $0x0;
	[tilespmem:v18+s13+$0x0] =	vst.idx.add.s32.msk vm6, v2;
	v18 =	vshrl.u32 v19, $0xA;
	s22 =	simm.s32 $0x68C0;
	v17 =	vsel vm5, v17, v13;
	v13 =	vand.u32 $0x3FF, v19  }
.LBB2_37:
0x2a6: {  	v19 =	vld [tilespmem:s22+$0xFFFFFFC0];
	s21 =	sadd.s32 $0x8, s21;
	vm6 =	veq.s32 v18, v10;
	v18 =	vmax.u32 v17, v13  }
0x2a7: {  	p0 =	slt.u32 s21, $0xF8;
	[tilespmem:v12+s13+$0x0] =	vst.idx.add.s32.msk vm4, v2;
	v12 =	vsel vm6, v18, v17;
	v17 =	vshrl.u32 v15, $0xA;
	v15 =	vand.u32 $0x3FF, v15  }
0x2a8: {  	[tilespmem:v11+s13+$0x0] =	vst.idx.add.s32.msk vm3, v2;
	vm3 =	veq.s32 v17, v10;
	v11 =	vmax.u32 v12, v15  }
0x2a9: {  	v17 =	vld [tilespmem:s22+$0xFFFFFFD0];
	v11 =	vsel vm3, v11, v12;
	v12 =	vshrl.u32 v16, $0xA;
	v16 =	vand.u32 $0x3FF, v16  }
0x2aa: {  	[tilespmem:v14+s13+$0x0] =	vst.idx.add.s32.msk vm5, v2;
	vm4 =	veq.s32 v12, v10;
	v12 =	vmax.u32 v11, v16  }
0x2ab: {  	v14 =	vand.u32 $0x3FF, v19;
	v18 =	vld [tilespmem:s22+$0xFFFFFFF0];
	v11 =	vsel vm4, v12, v11  }
0x2ac: {  	v12 =	vshrl.u32 v19, $0xA;
	vm5 =	vgt.s32 v11, v14;
	v19 =	vld [tilespmem:s22+$0xFFFFFFE0]  }
0x2ad: {  	vm7 =	veq.s32 v12, v10;
	v12 =	vsel vm5, v11, v14;
	[tilespmem:v13+s13+$0x0] =	vst.idx.add.s32.msk vm6, v2  }
0x2ae: {  	v11 =	vsel vm7, v12, v11;
	v13 =	vand.u32 $0x3FF, v17;
	[tilespmem:v15+s13+$0x0] =	vst.idx.add.s32.msk vm3, v2  }
0x2af: {  	v12 =	vshrl.u32 v17, $0xA;
	vm3 =	vgt.s32 v11, v13  }
0x2b0: {  	vm5 =	veq.s32 v12, v10;
	v12 =	vsel vm3, v11, v13;
	[tilespmem:v16+s13+$0x0] =	vst.idx.add.s32.msk vm4, v2  }
0x2b1: {  	v15 =	vsel vm5, v12, v11;
	v12 =	vand.u32 $0x3FF, v19;
	v11 =	vand.u32 $0x3FF, v18;
	v16 =	vld [tilespmem:s22+$0x0]  }
0x2b2: {  	v17 =	vshrl.u32 v19, $0xA;
	v18 =	vshrl.u32 v18, $0xA;
	vm3 =	vgt.s32 v15, v12  }
0x2b3: {  	vm4 =	veq.s32 v17, v10;
	v17 =	vsel vm3, v15, v12;
	vm3 =	veq.s32 v18, v10;
	v19 =	vld [tilespmem:s22+$0x10]  }
.Ltmp21:
0x2b4: {  	[tilespmem:v14+s13+$0x0] =	vst.idx.add.s32.msk vm7, v2;
	v14 =	vsel vm4, v17, v15;
	v17 =	vnsel vm3, $0x0, v11;
	(pc) =	sbr.rel @p0 .LBB2_37-.Ltmp21, $4  }
0x2b5: {  	vm6 =	vgt.s32 v14, v17;
	v15 =	vld [tilespmem:s22+$0x20]  }
0x2b6: {  	[tilespmem:v13+s13+$0x0] =	vst.idx.add.s32.msk vm5, v2;
	v13 =	vsel vm6, v14, v17;
	v17 =	vshrl.u32 v16, $0xA;
	v14 =	vand.u32 $0x3FF, v16  }
0x2b7: {  	vm5 =	veq.s32 v17, v10;
	v17 =	vmax.u32 v13, v14;
	v16 =	vld [tilespmem:s22+$0x30]  }
0x2b8: {  	s22 =	sadd.s32 $0x80, s22;
	v17 =	vsel vm5, v17, v13;
	v18 =	vshrl.u32 v19, $0xA;
	v13 =	vand.u32 $0x3FF, v19  }
0x2b9: {  	vm6 =	veq.s32 v18, v10;
	v57 =	vmax.u32 v17, v13  }
0x2ba: {  	v17 =	vsel vm6, v57, v17;
	v58 =	vshrl.u32 v15, $0xA;
	v59 =	vand.u32 $0x3FF, v15  }
0x2bb: {  	vm7 =	veq.s32 v58, v10;
	v60 =	vmax.u32 v17, v59  }
0x2bc: {  	v17 =	vsel vm7, v60, v17;
	v61 =	vshrl.u32 v16, $0xA;
	v62 =	vand.u32 $0x3FF, v16  }
0x2bd: {  	vm8 =	veq.s32 v61, v10;
	v63 =	vmax.u32 v17, v62  }
0x2be: {  	v17 =	vsel vm8, v63, v17  }
0x2bf: {  	v17 =	vxor.u32 $0x80000000, v17  }
0x2c0: {  	(xrf0) =	vmax.scan.msk.u32 $0xffff, v17;
	_ =	sdelay $0x5  }
0x2c1: {  	v17, _, _ =	vpop (xrf0)  }
0x2c2: {  	(v2sf) =	vpush v17, $0xF;
	_ =	sdelay $0xe  }
0x2c3: {  	s21 =	spop (v2sf)  }
0x2c4: {  	s21 =	sshra.s32 s21, $0x4  }
0x2c5: {  	[tilespmem:v12+s13+$0x0] =	vst.idx.add.s32.msk vm4, v2;
	p0 =	sgt.s32 s21, $0xFFFFFFFF  }
.Ltmp22:
0x2c6: {  	[tilespmem:v11+s13+$0x0] =	vst.idx.add.s32.msk vm3, v2;
	(pc) =	sbr.rel @!p0 .LBB2_40-.Ltmp22, $4  }
0x2c7: {  	[tilespmem:v14+s13+$0x0] =	vst.idx.add.s32.msk vm5, v2  }
0x2c8: {  	[tilespmem:v13+s13+$0x0] =	vst.idx.add.s32.msk vm6, v2  }
0x2c9: {  	[tilespmem:v59+s13+$0x0] =	vst.idx.add.s32.msk vm7, v2  }
0x2ca: {  	v11 =	vimm.s32 $0x0;
	[tilespmem:v62+s13+$0x0] =	vst.idx.add.s32.msk vm8, v2  }
.Ltmp23:
0x2cb: {  	(pc) =	sbr.rel .LBB2_43-.Ltmp23, $2  }
0x2cc: {  	_ =	sdelay $0x2  }
0x2cd: {  	v13 =	vimm.s32 $0x0;
	v12 =	vimm.s32 $0x0  }
.LBB2_40:
0x2ce: {  	s22 =	sshll.u32 s21, $0x6  }
0x2cf: {  	s23 =	sxor.u32 $0xF8000000, s21;
	s22 =	sshra.s32 s22, $0x2  }
0x2d0: {  	v12 =	vimm.s32 $0x0;
	v13 =	vimm.s32 $0x0;
	v14 =	vimm.s32 $0x0;
	s21 =	ssub.s32 $0x0, s23;
	s23 =	sshll.u32 s23, $0x4;
	s22 =	sadd.s32 $0xA100, s22  }
.LBB2_41:
0x2d1: {  	v15 =	vld [tilespmem:s22+$0x0];
	_ =	sdelay $0x4  }
0x2d2: {  	(xrf0) =	vadd.scan.msk.s32 $0xffff, v15;
	_ =	sdelay $0x5  }
0x2d3: {  	v16, _, _ =	vpop (xrf0)  }
0x2d4: {  	v17 =	vperm.xlane v16, v4;
	_ =	sdelay $0x1  }
0x2d5: {  	v14 =	vadd.s32 v14, v17  }
0x2d6: {  	vm3 =	vlt.s32 v14, v9  }
0x2d7: {  	v62 =	vsel vm3, $0x0, v5  }
0x2d8: {  	(xrf0) =	vmax.scan.msk.f32 $0xffff, v62;
	_ =	sdelay $0x5  }
0x2d9: {  	v17, _, _ =	vpop (xrf0)  }
0x2da: {  	(v2sf) =	vpush v17, $0xF;
	_ =	sdelay $0xa  }
0x2db: {  	v16 =	vsub.s32 v14, v16  }
0x2dc: {  	v16 =	vadd.s32 v15, v16  }
0x2dd: {  	vm3 =	vge.s32 v16, v9  }
0x2de: {  	v63 =	vmpcnt.ones.xlane vm3  }
0x2df: {  	p0 =	seq.s32 s21, $0x0;
	s25 =	spop (v2sf)  }
0x2e0: {  	v17 =	vadd.s32 $0xFFFFFFFF, v63;
	p2 =	sgt.f32 @!p0 s25, $0.0e+00  }
0x2e1: {  	vm3 =	vgt.s32 v17, $0x0  }
0x2e2: {  	v17 =	vnsel vm3, $0x0, v17;
	p2 =	por p0, p2  }
.Ltmp24:
0x2e3: {  	v16 =	vperm.xlane v16, v17;
	v15 =	vperm.xlane v15, v17;
	(pc) =	sbr.rel @!p2 .LBB2_41-.Ltmp24, $4  }
0x2e4: {  	p1 =	sgt.f32 s25, $0.0e+00  }
0x2e5: {  	v16 =	vsub.s32 v15, v16  }
0x2e6: {  	v17 =	vadd.s32 s23, v17;
	v16 =	vpsel !p1, $0x0, v16  }
0x2e7: {  	s21 =	sadd.s32 $0x1, s21;
	s22 =	sadd.s32 $0xFFFFFFF0, s22;
	s23 =	sadd.s32 $0xFFFFFFF0, s23;
	v13 =	vpsel p1, v17, v13;
	v12 =	vpsel p1, v15, v12;
	v9 =	vadd.s32 v9, v16  }
0x2e8: {  	v13 =	vpsel p0, v13, v13;
	v9 =	vpsel p0, v9, v9;
	v12 =	vpsel p0, v12, v12  }
.LBB2_43:
0x2e9: {  	p0 =	seq.s32 s17, $0x0  }
0x2ea: {  	vm3 =	veq.s32 v12, v9;
	s21 =	simm.s32 @!p0 $0x4  }
0x2eb: {  	v12 =	vsel vm3, $0x3F800000, v3;
	_ =	swait.ge @!p0 [sflag:s21], $0x1000  }
0x2ec: {  	(xrf0) =	vmax.scan.msk.f32 $0xffff, v12;
	_ =	sdelay $0x5  }
0x2ed: {  	v12, _, _ =	vpop (xrf0)  }
0x2ee: {  	(v2sf) =	vpush v12, $0xF;
	_ =	sdelay $0xe  }
0x2ef: {  	s22 =	spop (v2sf)  }
0x2f0: {  	p1 =	sgt.f32 s22, $0.0e+00  }
.Ltmp25:
0x2f1: {  	_ = 	snop;
	(pc) =	sbr.rel @p1 .LBB2_44-.Ltmp25, $3  }
0x2f2: {  	_ =	sdelay $0x1  }
0x2f3: {  	v10 =	vshll.u32 v10, $0xA;
	[sflag:s21] =	ssyncset.done @!p0 $0x0  }
0x2f4: {  	v10 =	vor.u32 v10, v13;
	[sflag:s21] =	ssyncadd.s32 @!p0 $0xFFFFF000  }
0x2f5: {  	s23 =	simm.s32 $0x0  }
0x2f6: {  	v12 =	vld [tilespmem:s23+$0x6800];
	_ =	sdelay $0x4  }
0x2f7: {  	vm3 =	veq.s32 v12, v10  }
0x2f8: {  	s21 =	simm.s32 $0x10;
	v13 =	vsel vm3, $0x1, v1  }
0x2f9: {  	(xrf0) =	vadd.scan.msk.s32 $0xffff, v13;
	v13 =	vld [tilespmem:s21+$0x6800];
	_ =	sdelay $0x3  }
0x2fa: {  	s22 =	simm.s32 $0x20  }
0x2fb: {  	v15 =	vld [tilespmem:s22+$0x6800];
	vm5 =	veq.s32 v13, v10  }
0x2fc: {  	vm6 =	vgt.u32 v13, v10;
	v13 =	vsel vm5, $0x1, v1  }
0x2fd: {  	v17 =	vld [tilespmem:s23+$0x800];
	vm4 =	vgt.u32 v12, v10;
	v12, _, _ =	vpop (xrf0);
	(xrf0) =	vadd.scan.msk.s32 $0xffff, v13  }
0x2fe: {  	vm4 =	vmmov vm4;
	vm3 =	vmmov vm3;
	v11 =	vadd.s32 v11, v12  }
0x2ff: {  	vm7 =	vmmov vm4;
	vm8 =	vmmov vm6;
	vm4 =	vle.s32 v11, v9  }
0x300: {  	s25 =	simm.s32 $0x30;
	vm6 =	vgt.u32 v15, v10;
	v12 =	vld [tilespmem:s21+$0x800];
	v14 =	vperm.xlane v11, v4;
	vm9 =	vmand vm3, vm4  }
0x301: {  	v13 =	vld [tilespmem:s25+$0x6800];
	vm3 =	vmmov vm5;
	vm4 =	veq.s32 v15, v10;
	vm5 =	vmor vm7, vm9  }
0x302: {  	s26 =	simm.s32 $0x100;
	v11 =	vld [tilespmem:s22+$0x800];
	v16 =	vsel vm4, $0x1, v1;
	v15 =	vsel vm5, $0x0, v17;
	vm5 =	vmmov vm8  }
.LBB2_48:
0x303: {  	p0 =	sne.s32 s26, $0x3FC0;
	v17 =	vld [tilespmem:s25+$0x800];
	(xrf0) =	vadd.scan.msk.s32 $0xffff, v16;
	v16, _, _ =	vpop (xrf0);
	[tilespmem:s23+$0x7800] =	vst v15;
	vm7 =	vmmov vm6;
	s28 =	smov.u32 s26;
	s26 =	sadd.s32 $0x40, s26  }
.Ltmp26:
0x304: {  	s23 =	smov.u32 s21;
	s21 =	smov.u32 s22;
	v14 =	vadd.s32 v14, v16;
	(pc) =	sbr.rel @p0 .LBB2_48-.Ltmp26, $4  }
0x305: {  	s22 =	smov.u32 s25;
	vm6 =	vle.s32 v14, v9;
	v14 =	vperm.xlane v14, v4  }
0x306: {  	vm8 =	vmand vm3, vm6;
	vm3 =	vmmov vm4  }
0x307: {  	s25 =	sshra.s32 s28, $0x2;
	vm4 =	veq.s32 v13, v10;
	vm6 =	vgt.u32 v13, v10;
	vm5 =	vmor vm5, vm8  }
0x308: {  	v13 =	vld [tilespmem:s25+$0x6800];
	v16 =	vsel vm4, $0x1, v1;
	v15 =	vsel vm5, $0x0, v12;
	v12 =	vmovc v11;
	v11 =	vmovc v17;
	vm5 =	vmmov vm7  }
0x309: {  	_ =	sdelay $0x2  }
0x30a: {  	(xrf0) =	vadd.scan.msk.s32 $0xffff, v16  }
0x30b: {  	vm7 =	veq.s32 v13, v10  }
0x30c: {  	v59 =	vsel vm7, $0x1, v1  }
0x30d: {  	v17, _, _ =	vpop (xrf0);
	(xrf0) =	vadd.scan.msk.s32 $0xffff, v59  }
0x30e: {  	v14 =	vadd.s32 v14, v17  }
0x30f: {  	v60 =	vperm.xlane v14, v4  }
0x310: {  	vm8 =	vle.s32 v14, v9;
	v61, _, _ =	vpop (xrf0)  }
0x311: {  	vm6 =	vmmov vm6;
	vm3 =	vmand vm3, vm8;
	v14 =	vadd.s32 v60, v61  }
0x312: {  	vm4 =	vmmov vm4;
	vm3 =	vmor vm5, vm3;
	v16 =	vperm.xlane v14, v4  }
0x313: {  	v62 =	vld [tilespmem:s25+$0x800];
	vm10 =	vgt.u32 v13, v10;
	v10 =	vsel vm3, $0x0, v12;
	vm3 =	vmmov vm6;
	v63, _, _ =	vpop (xrf0)  }
0x314: {  	vm5 =	vmmov vm10;
	vm11 =	vle.s32 v14, v9;
	v12 =	vadd.s32 v16, v63  }
.Ltmp27:
0x315: {  	vm12 =	vmmov vm7;
	vm4 =	vmand vm4, vm11;
	vm13 =	vle.s32 v12, v9;
	(pc) =	sbr.rel .LBB2_50-.Ltmp27, $4  }
0x316: {  	[tilespmem:s23+$0x7800] =	vst v15;
	vm14 =	vmmov vm5;
	vm3 =	vmor vm3, vm4;
	vm15 =	vmand vm12, vm13  }
0x317: {  	[tilespmem:s21+$0x7800] =	vst v10;
	v9 =	vsel vm3, $0x0, v11;
	vm3 =	vmor vm14, vm15  }
0x318: {  	[tilespmem:s22+$0x7800] =	vst v9;
	v9 =	vsel vm3, $0x0, v62  }
0x319: {  	[tilespmem:s25+$0x7800] =	vst v9  }
.LBB2_44:
0x31a: {  	s22 =	simm.s32 $0x6840  }
0x31b: {  	s21 =	simm.s32 $0x840;
	v9 =	vld [tilespmem:s22+$0x30]  }
0x31c: {  	v12 =	vld [tilespmem:s21+$0x30]  }
0x31d: {  	v13 =	vld [tilespmem:s22+$0xFFFFFFD0]  }
0x31e: {  	v14 =	vld [tilespmem:s22+$0xFFFFFFE0]  }
0x31f: {  	v15 =	vld [tilespmem:s22+$0xFFFFFFF0]  }
0x320: {  	v16 =	vld [tilespmem:s22+$0x0]  }
0x321: {  	v17 =	vld [tilespmem:s22+$0x10]  }
0x322: {  	v18 =	vld [tilespmem:s22+$0x20]  }
0x323: {  	v19 =	vld [tilespmem:s22+$0xFFFFFFC0]  }
0x324: {  	v20 =	vld [tilespmem:s21+$0xFFFFFFC0]  }
0x325: {  	v21 =	vld [tilespmem:s21+$0xFFFFFFD0]  }
0x326: {  	v11 =	vld [tilespmem:s21+$0xFFFFFFE0]  }
0x327: {  	vm3 =	vlt.u32 v9, v10;
	vm8 =	vlt.u32 v13, v10;
	v9 =	vld [tilespmem:s21+$0xFFFFFFF0]  }
0x328: {  	s22 =	simm.s32 $0x7840;
	vm6 =	vlt.u32 v14, v10;
	v13 =	vnsel vm3, $0x0, v12;
	vm3 =	vlt.u32 v19, v10;
	v12 =	vld [tilespmem:s21+$0x0]  }
0x329: {  	vm7 =	vlt.u32 v15, v10;
	vm4 =	vlt.u32 v16, v10;
	[tilespmem:s22+$0x30] =	vst v13;
	v14 =	vnsel vm3, $0x0, v20;
	v13 =	vld [tilespmem:s21+$0x10]  }
0x32a: {  	s23 =	simm.s32 $0x0;
	s25 =	simm.s32 $0x68C0;
	vm5 =	vlt.u32 v17, v10;
	v15 =	vnsel vm8, $0x0, v21;
	vm3 =	vlt.u32 v18, v10;
	[tilespmem:s22+$0xFFFFFFC0] =	vst v14;
	v14 =	vld [tilespmem:s21+$0x20]  }
.LBB2_45:
0x32b: {  	v16 =	vld [tilespmem:s25+$0x30];
	s23 =	sadd.s32 $0x8, s23;
	[tilespmem:s22+$0xFFFFFFD0] =	vst v15;
	v11 =	vnsel vm6, $0x0, v11;
	s21 =	sadd.s32 $0x80, s21  }
0x32c: {  	v15 =	vld [tilespmem:s21+$0x30];
	p0 =	slt.u32 s23, $0xF8;
	[tilespmem:s22+$0xFFFFFFE0] =	vst v11;
	v9 =	vnsel vm7, $0x0, v9  }
0x32d: {  	v11 =	vld [tilespmem:s25+$0xFFFFFFD0];
	[tilespmem:s22+$0xFFFFFFF0] =	vst v9;
	v9 =	vnsel vm4, $0x0, v12  }
0x32e: {  	v12 =	vld [tilespmem:s25+$0xFFFFFFE0];
	[tilespmem:s22+$0x0] =	vst v9;
	v9 =	vnsel vm5, $0x0, v13  }
0x32f: {  	v13 =	vld [tilespmem:s25+$0xFFFFFFF0];
	[tilespmem:s22+$0x10] =	vst v9;
	v9 =	vnsel vm3, $0x0, v14  }
0x330: {  	v14 =	vld [tilespmem:s25+$0x0];
	vm3 =	vlt.u32 v16, v10;
	[tilespmem:s22+$0x20] =	vst v9  }
0x331: {  	s22 =	sadd.s32 $0x80, s22;
	v9 =	vld [tilespmem:s25+$0x10];
	v15 =	vnsel vm3, $0x0, v15  }
0x332: {  	vm8 =	vlt.u32 v11, v10;
	v16 =	vld [tilespmem:s25+$0x20];
	[tilespmem:s22+$0x30] =	vst v15  }
0x333: {  	v15 =	vld [tilespmem:s25+$0xFFFFFFC0];
	vm6 =	vlt.u32 v12, v10  }
0x334: {  	v17 =	vld [tilespmem:s21+$0xFFFFFFC0];
	vm7 =	vlt.u32 v13, v10  }
0x335: {  	v18 =	vld [tilespmem:s21+$0xFFFFFFD0];
	vm4 =	vlt.u32 v14, v10  }
.Ltmp28:
0x336: {  	v11 =	vld [tilespmem:s21+$0xFFFFFFE0];
	vm5 =	vlt.u32 v9, v10;
	(pc) =	sbr.rel @p0 .LBB2_45-.Ltmp28, $4  }
0x337: {  	v9 =	vld [tilespmem:s21+$0xFFFFFFF0];
	vm3 =	vlt.u32 v16, v10  }
0x338: {  	vm9 =	vlt.u32 v15, v10;
	v12 =	vld [tilespmem:s21+$0x0]  }
0x339: {  	v14 =	vnsel vm9, $0x0, v17;
	v13 =	vld [tilespmem:s21+$0x10]  }
0x33a: {  	s25 =	sadd.s32 $0x80, s25;
	[tilespmem:s22+$0xFFFFFFC0] =	vst v14;
	v15 =	vnsel vm8, $0x0, v18;
	v14 =	vld [tilespmem:s21+$0x20]  }
0x33b: {  	[tilespmem:s22+$0xFFFFFFD0] =	vst v15;
	v10 =	vnsel vm6, $0x0, v11  }
0x33c: {  	[tilespmem:s22+$0xFFFFFFE0] =	vst v10;
	v9 =	vnsel vm7, $0x0, v9  }
0x33d: {  	[tilespmem:s22+$0xFFFFFFF0] =	vst v9;
	v9 =	vnsel vm4, $0x0, v12  }
0x33e: {  	[tilespmem:s22+$0x0] =	vst v9;
	v9 =	vnsel vm5, $0x0, v13  }
0x33f: {  	[tilespmem:s22+$0x10] =	vst v9;
	v9 =	vnsel vm3, $0x0, v14  }
0x340: {  	[tilespmem:s22+$0x20] =	vst v9  }
.LBB2_50:
0x341: {  	s20 =	sadd.s32 s4, s20  }
0x342: {  	s21 =	sor.u32 $0x1, s19;
	s20 =	sadd.s32 s18, s20  }
0x343: {  	[hbm4b:s20+s15] =	stream.strided.scatter [tilespmem:s14], [sflag:$0x4], $0x1000, s16, s15, $0x38;
	[tilespmem:$0xA500] =	vst v63  }
0x344: {  	s20 =	ssub.s32 s21, s6  }
0x345: {  	p0 =	sgt.u32 s20, $0x7E  }
.Ltmp29:
0x346: {  	_ = 	snop;
	(pc) =	sbr.rel @p0 .LBB2_60-.Ltmp29, $1  }
0x347: {  	_ =	sdelay $0x3  }
0x348: {  	_ =	swait.ge [sflag:s24], $0x400  }
0x349: {  	[sflag:s24] =	ssyncset.done $0x0  }
0x34a: {  	s23 =	simm.s32 $0x40;
	[sflag:s24] =	ssyncadd.s32 $0xFFFFFC00  }
0x34b: {  	v10 =	vld [tilespmem:s23+$0x10]  }
0x34c: {  	v11 =	vld [tilespmem:s23+$0xFFFFFFC0]  }
0x34d: {  	v12 =	vld [tilespmem:s23+$0xFFFFFFD0]  }
0x34e: {  	v13 =	vld [tilespmem:s23+$0xFFFFFFE0]  }
0x34f: {  	v14 =	vld [tilespmem:s23+$0xFFFFFFF0]  }
0x350: {  	v15 =	vimm.f32 $-Inf;
	s22 =	simm.s32 $0xC0;
	v16 =	vld [tilespmem:s23+$0x0]  }
0x351: {  	v9 =	vld [tilespmem:s22+$0x10];
	v17 =	vmin.f32 v15, v11;
	v11 =	vmax.f32 v15, v11  }
0x352: {  	v18 =	vld [tilespmem:s23+$0x20];
	v15 =	vmax.f32 v15, v17;
	v17 =	vmin.f32 v11, v12;
	v11 =	vmax.f32 v11, v12  }
0x353: {  	v12 =	vmax.f32 v15, v17;
	v15 =	vmin.f32 v11, v13;
	v11 =	vmax.f32 v11, v13;
	v17 =	vld [tilespmem:s23+$0x30]  }
0x354: {  	v13 =	vld [tilespmem:s22+$0xFFFFFFC0];
	v12 =	vmax.f32 v12, v15;
	v15 =	vmin.f32 v11, v14;
	v14 =	vmax.f32 v11, v14  }
0x355: {  	v11 =	vld [tilespmem:s22+$0xFFFFFFD0];
	v15 =	vmax.f32 v12, v15;
	v19 =	vmin.f32 v14, v16;
	v14 =	vmax.f32 v14, v16  }
0x356: {  	v12 =	vld [tilespmem:s22+$0xFFFFFFE0];
	v15 =	vmax.f32 v15, v19;
	v16 =	vmin.f32 v14, v10;
	v14 =	vmax.f32 v14, v10  }
0x357: {  	v10 =	vld [tilespmem:s22+$0xFFFFFFF0];
	v15 =	vmax.f32 v15, v16;
	v16 =	vmin.f32 v14, v18;
	v18 =	vmax.f32 v14, v18  }
0x358: {  	s25 =	simm.s32 $0x140;
	s23 =	simm.s32 $0x8;
	v14 =	vld [tilespmem:s22+$0x0];
	v15 =	vmax.f32 v15, v16;
	v16 =	vmin.f32 v18, v17;
	v17 =	vmax.f32 v18, v17  }
.LBB2_52:
0x359: {  	v18 =	vld [tilespmem:s25+$0x10];
	s23 =	sadd.s32 $0x8, s23;
	v19 =	vmin.f32 v17, v13;
	v13 =	vmax.f32 v17, v13;
	v15 =	vmax.f32 v15, v16  }
0x35a: {  	p0 =	slt.u32 s23, $0x30;
	v15 =	vmax.f32 v15, v19;
	v16 =	vmin.f32 v13, v11;
	v11 =	vmax.f32 v13, v11;
	v17 =	vld [tilespmem:s22+$0x20]  }
0x35b: {  	v15 =	vmax.f32 v15, v16;
	v16 =	vmin.f32 v11, v12;
	v11 =	vmax.f32 v11, v12;
	v19 =	vld [tilespmem:s22+$0x30];
	s22 =	smov.u32 s25  }
.Ltmp30:
0x35c: {  	v13 =	vld [tilespmem:s25+$0xFFFFFFC0];
	v12 =	vmax.f32 v15, v16;
	v15 =	vmin.f32 v11, v10;
	v10 =	vmax.f32 v11, v10;
	(pc) =	sbr.rel @p0 .LBB2_52-.Ltmp30, $4  }
0x35d: {  	v11 =	vld [tilespmem:s25+$0xFFFFFFD0];
	v15 =	vmax.f32 v12, v15;
	v16 =	vmin.f32 v10, v14;
	v10 =	vmax.f32 v10, v14  }
0x35e: {  	v12 =	vld [tilespmem:s25+$0xFFFFFFE0];
	v14 =	vmax.f32 v15, v16;
	v15 =	vmin.f32 v10, v9;
	v16 =	vmax.f32 v10, v9;
	v9 =	vmovc v18  }
0x35f: {  	v10 =	vld [tilespmem:s25+$0xFFFFFFF0];
	v15 =	vmax.f32 v14, v15;
	v18 =	vmin.f32 v16, v17;
	v17 =	vmax.f32 v16, v17  }
0x360: {  	s25 =	sadd.s32 $0x80, s25;
	v14 =	vld [tilespmem:s22+$0x0];
	v15 =	vmax.f32 v15, v18;
	v16 =	vmin.f32 v17, v19;
	v17 =	vmax.f32 v17, v19  }
0x361: {  	v18 =	vmin.f32 v17, v13;
	v13 =	vmax.f32 v17, v13;
	v15 =	vmax.f32 v15, v16  }
0x362: {  	v15 =	vmax.f32 v15, v18;
	v61 =	vmin.f32 v13, v11;
	v11 =	vmax.f32 v13, v11;
	v13 =	vld [tilespmem:s22+$0x20]  }
0x363: {  	v15 =	vmax.f32 v15, v61;
	v62 =	vmin.f32 v11, v12;
	v11 =	vmax.f32 v11, v12;
	v12 =	vld [tilespmem:s22+$0x30]  }
0x364: {  	v15 =	vmax.f32 v15, v62;
	v63 =	vmin.f32 v11, v10;
	v10 =	vmax.f32 v11, v10  }
0x365: {  	v11 =	vmax.f32 v15, v63;
	v15 =	vmin.f32 v10, v14;
	v10 =	vmax.f32 v10, v14  }
0x366: {  	v11 =	vmax.f32 v11, v15;
	v14 =	vmin.f32 v10, v9;
	v9 =	vmax.f32 v10, v9  }
0x367: {  	v10 =	vmax.f32 v11, v14;
	v11 =	vmin.f32 v9, v13;
	v9 =	vmax.f32 v9, v13  }
0x368: {  	v10 =	vmax.f32 v10, v11;
	v11 =	vmin.f32 v9, v12  }
0x369: {  	s22 =	simm.s32 $0x0;
	v12 =	vmax.f32 v9, v12;
	v11 =	vmax.f32 v10, v11  }
.LBB2_54:
0x36a: {  	s23 =	sshra.s32 s22, $0x2  }
0x36b: {  	v9 =	vld [tilespmem:s23+$0x380]  }
0x36c: {  	p0 =	sne.s32 s22, $0x140  }
.Ltmp31:
0x36d: {  	_ = 	snop;
	(pc) =	sbr.rel @p0 .LBB2_54-.Ltmp31, $3  }
0x36e: {  	_ =	sdelay $0x1  }
0x36f: {  	v10 =	vmin.f32 v12, v9  }
0x370: {  	s22 =	sadd.s32 $0x40, s22;
	v12 =	vmax.f32 v12, v9;
	v11 =	vmax.f32 v11, v10  }
0x371: {  	v9 =	vld [tilespmem:$0x3D8];
	_ =	sdelay $0x4  }
0x372: {  	v13 =	vsel vm0, $0xFF800000, v9  }
0x373: {  	v14 =	vmax.f32 v12, v13  }
0x374: {  	(xrf0) =	vmax.scan.msk.f32 $0xffff, v14;
	_ =	sdelay $0x5  }
0x375: {  	v9, _, _ =	vpop (xrf0)  }
0x376: {  	v10 =	vbroadcast v9, $0xF;
	_ =	sdelay $0x1  }
0x377: {  	vm3 =	veq.f32 v14, v10  }
0x378: {  	v15 =	vmctz.xlane vm3;
	_ =	sdelay $0x1  }
0x379: {  	v15 =	vxor.u32 $0x80000000, v15  }
0x37a: {  	(xrf0) =	vmax.scan.msk.u32 $0xffff, v15;
	_ =	sdelay $0x5  }
0x37b: {  	v15, _, _ =	vpop (xrf0)  }
0x37c: {  	(v2sf) =	vpush v15, $0xF;
	_ =	sdelay $0xe  }
0x37d: {  	s22 =	spop (v2sf)  }
0x37e: {  	s22 =	sxor.u32 $0x80000000, s22  }
0x37f: {  	v15 =	vmov s22  }
0x380: {  	vm3 =	veq.s32 v15, v0  }
0x381: {  	v12 =	vmin.f32 v12, v13;
	v13 =	vsel vm3, $0xFF800000, v14  }
0x382: {  	v11 =	vmax.f32 v11, v12;
	(xrf0) =	vmax.scan.msk.f32 $0xffff, v13  }
0x383: {  	(xrf0) =	vmax.scan.msk.f32 $0xffff, v11;
	_ =	sdelay $0x4  }
0x384: {  	v11, _, _ =	vpop (xrf0)  }
0x385: {  	(v2sf) =	vpush v11, $0xF;
	v11, _, _ =	vpop (xrf0)  }
0x386: {  	(v2sf) =	vpush v11, $0xF;
	_ =	sdelay $0x8  }
0x387: {  	s23 =	simm.s32 $0x20  }
0x388: {  	v12 =	vld [tilespmem:s23+$0xFFFFFFE0]  }
0x389: {  	v15 =	vld [tilespmem:s23+$0x0];
	_ =	sdelay $0x1  }
0x38a: {  	v13 =	vld [tilespmem:s23+$0xFFFFFFF0]  }
0x38b: {  	s26 =	spop (v2sf)  }
0x38c: {  	v17 =	vimm.s32 $0x100000;
	s28 =	simm.s32 $0x30;
	s25 =	spop (v2sf)  }
0x38d: {  	v19 =	vor.u32 s28, v0;
	v14 =	vld [tilespmem:s23+$0x10];
	vm3 =	veq.f32 v12, v10;
	vm5 =	veq.f32 v15, v10;
	s22 =	smax.f32 s26, s25;
	s25 =	simm.s32 $0x0;
	s26 =	simm.s32 $0x10  }
0x38e: {  	s23 =	simm.s32 $0x60;
	v11 =	vmov s22;
	v16 =	vor.u32 s25, v0;
	v18 =	vor.u32 s26, v0;
	s26 =	simm.s32 $0x20  }
0x38f: {  	v27 =	vld [tilespmem:s23+$0xFFFFFFE0];
	v20 =	vnsel vm3, $0x100000, v16;
	v21 =	vor.u32 s26, v0;
	vm3 =	veq.f32 v13, v10  }
0x390: {  	s28 =	simm.s32 $0x50;
	vm6 =	veq.f32 v12, v11;
	vm7 =	veq.f32 v13, v11;
	vm8 =	veq.f32 v15, v11  }
0x391: {  	v12 =	vor.u32 s28, v0;
	vm4 =	vlt.s32 v17, v20;
	v22 =	vnsel vm3, $0x100000, v18  }
0x392: {  	s28 =	simm.s32 $0x40;
	vm3 =	veq.f32 v14, v10;
	v24 =	vnsel vm5, $0x100000, v21;
	v26 =	vnsel vm6, $0x100000, v16  }
0x393: {  	v29 =	vnsel vm8, $0x100000, v21;
	v18 =	vnsel vm7, $0x100000, v18;
	v62 =	vor.u32 s28, v0  }
0x394: {  	s26 =	simm.s32 $0x70;
	vm8 =	veq.f32 v27, v11;
	v23 =	vsel vm4, v17, v20;
	v20 =	vsel vm4, v20, v17  }
0x395: {  	v28 =	vnsel vm3, $0x100000, v19;
	vm3 =	veq.f32 v14, v11;
	v14 =	vor.u32 s26, v0  }
0x396: {  	vm6 =	vlt.s32 v17, v26;
	vm4 =	vlt.s32 v23, v22;
	vm5 =	vlt.s32 v17, v20  }
0x397: {  	v25 =	vsel vm4, v23, v22;
	v22 =	vsel vm4, v22, v23;
	v20 =	vsel vm5, v17, v20  }
0x398: {  	v30 =	vld [tilespmem:s23+$0xFFFFFFF0];
	v13 =	vnsel vm3, $0x100000, v19;
	vm4 =	vlt.s32 v25, v24;
	vm5 =	vlt.s32 v20, v22  }
0x399: {  	v15 =	vld [tilespmem:s23+$0x10];
	v23 =	vsel vm4, v24, v25;
	v21 =	vsel vm4, v25, v24;
	v16 =	vsel vm5, v20, v22  }
0x39a: {  	v26 =	vsel vm6, v17, v26;
	v22 =	vld [tilespmem:s23+$0x0];
	vm3 =	vlt.s32 v21, v28;
	vm4 =	vlt.s32 v16, v23  }
0x39b: {  	s28 =	simm.s32 $0x60;
	vm5 =	veq.f32 v27, v10;
	v19 =	vsel vm3, v28, v21;
	v20 =	vsel vm4, v16, v23  }
0x39c: {  	v23 =	vnsel vm5, $0x100000, v62;
	v16 =	vor.u32 s28, v0;
	vm4 =	vlt.s32 v20, v19  }
0x39d: {  	vm5 =	veq.f32 v30, v10;
	v63 =	vsel vm4, v20, v19;
	v19 =	vsel vm3, v21, v28  }
0x39e: {  	v20 =	vnsel vm5, $0x100000, v12;
	vm3 =	veq.f32 v15, v10;
	vm4 =	vlt.s32 v19, v23  }
0x39f: {  	vm5 =	veq.f32 v22, v10;
	vm6 =	veq.f32 v22, v11;
	v28 =	vsel vm4, v19, v23  }
0x3a0: {  	v23 =	vsel vm4, v23, v19;
	v19 =	vnsel vm5, $0x100000, v16;
	vm5 =	vlt.s32 v26, v18  }
0x3a1: {  	vm4 =	vlt.s32 v28, v20;
	vm7 =	vlt.s32 v63, v23;
	v26 =	vsel vm5, v26, v18  }
0x3a2: {  	vm5 =	veq.f32 v30, v11;
	v18 =	vnsel vm8, $0x100000, v62;
	v21 =	vsel vm4, v28, v20  }
0x3a3: {  	v20 =	vsel vm4, v20, v28;
	vm9 =	vlt.s32 v26, v29;
	vm4 =	vlt.s32 v21, v19  }
0x3a4: {  	s25 =	simm.s32 $0xB0;
	s26 =	simm.s32 $0xA0;
	s23 =	simm.s32 $0x4;
	v22 =	vsel vm7, v63, v23;
	v23 =	vsel vm9, v26, v29;
	v17 =	vsel vm4, v19, v21  }
.LBB2_56:
0x3a5: {  	v24 =	vld [tilespmem:s26+$0xFFFFFFE0];
	s28 =	sadd.s32 $0xFFFFFFE0, s25;
	s23 =	sadd.s32 $0x4, s23;
	v25 =	vnsel vm3, $0x100000, v14;
	vm3 =	veq.f32 v15, v11;
	vm7 =	vlt.s32 v23, v13  }
0x3a6: {  	v28 =	vnsel vm6, $0x100000, v16;
	v26 =	vld [tilespmem:s26+$0xFFFFFFF0];
	v27 =	vor.u32 s28, v0;
	p0 =	slt.u32 s23, $0x38;
	v23 =	vsel vm7, v23, v13  }
0x3a7: {  	vm6 =	vlt.s32 v22, v20;
	v19 =	vsel vm4, v21, v19;
	v13 =	vnsel vm3, $0x100000, v14;
	v15 =	vld [tilespmem:s26+$0x10]  }
0x3a8: {  	v16 =	vsel vm6, v22, v20;
	v22 =	vnsel vm5, $0x100000, v12;
	vm3 =	vlt.s32 v19, v25;
	v12 =	vmovc v27  }
0x3a9: {  	s28 =	sadd.s32 $0xFFFFFFD0, s25;
	v14 =	vor.u32 s25, v0;
	vm4 =	vlt.s32 v16, v17;
	v20 =	vsel vm3, v25, v19;
	v27 =	vld [tilespmem:s26+$0x0]  }
0x3aa: {  	v29 =	vor.u32 s28, v0;
	s28 =	sadd.s32 $0xFFFFFFF0, s25;
	v17 =	vsel vm4, v16, v17;
	vm5 =	veq.f32 v24, v10  }
0x3ab: {  	v16 =	vor.u32 s28, v0;
	vm4 =	vlt.s32 v17, v20;
	v21 =	vnsel vm5, $0x100000, v29  }
0x3ac: {  	v30 =	vsel vm4, v17, v20;
	v17 =	vsel vm3, v19, v25;
	vm5 =	veq.f32 v26, v10  }
0x3ad: {  	vm4 =	vlt.s32 v17, v21;
	v20 =	vnsel vm5, $0x100000, v12;
	vm3 =	veq.f32 v15, v10  }
0x3ae: {  	vm6 =	vlt.s32 v23, v18;
	v25 =	vsel vm4, v17, v21;
	vm5 =	veq.f32 v27, v10  }
0x3af: {  	v31 =	vsel vm4, v21, v17;
	vm4 =	vlt.s32 v25, v20;
	v19 =	vnsel vm5, $0x100000, v16  }
.Ltmp32:
0x3b0: {  	v18 =	vsel vm6, v23, v18;
	vm7 =	vlt.s32 v30, v31;
	v21 =	vsel vm4, v25, v20;
	(pc) =	sbr.rel @p0 .LBB2_56-.Ltmp32, $4  }
0x3b1: {  	v20 =	vsel vm4, v20, v25;
	vm5 =	vlt.s32 v18, v22;
	vm4 =	vlt.s32 v21, v19  }
0x3b2: {  	vm8 =	veq.f32 v24, v11;
	v23 =	vsel vm5, v18, v22;
	v17 =	vsel vm4, v19, v21  }
0x3b3: {  	vm6 =	veq.f32 v27, v11;
	vm5 =	veq.f32 v26, v11;
	vm9 =	vlt.s32 v23, v28  }
0x3b4: {  	s25 =	sadd.s32 $0x40, s25;
	s26 =	sadd.s32 $0x40, s26;
	v22 =	vsel vm7, v30, v31;
	v18 =	vnsel vm8, $0x100000, v29;
	v23 =	vsel vm9, v23, v28  }
0x3b5: {  	vm7 =	vlt.s32 v23, v13  }
0x3b6: {  	v13 =	vsel vm7, v23, v13  }
0x3b7: {  	v61 =	vnsel vm3, $0x100000, v14;
	vm3 =	veq.f32 v15, v11;
	vm7 =	vlt.s32 v13, v18  }
0x3b8: {  	v15 =	vnsel vm6, $0x100000, v16;
	v12 =	vnsel vm5, $0x100000, v12;
	v13 =	vsel vm7, v13, v18  }
0x3b9: {  	vm12 =	vlt.s32 v22, v20;
	v62 =	vsel vm4, v21, v19;
	vm13 =	vlt.s32 v13, v12  }
0x3ba: {  	v63 =	vnsel vm3, $0x100000, v14;
	v14 =	vsel vm12, v22, v20;
	v12 =	vsel vm13, v13, v12  }
0x3bb: {  	vm3 =	vlt.s32 v62, v61;
	vm14 =	vlt.s32 v14, v17;
	vm15 =	vlt.s32 v12, v15  }
0x3bc: {  	v14 =	vsel vm14, v14, v17;
	v13 =	vsel vm3, v61, v62;
	v15 =	vsel vm15, v12, v15  }
0x3bd: {  	vm4 =	vlt.s32 v14, v13;
	vm5 =	vlt.s32 v15, v63  }
0x3be: {  	s23 =	simm.s32 $0x3C0;
	v12 =	vsel vm4, v14, v13;
	v14 =	vsel vm3, v62, v61;
	v13 =	vsel vm5, v15, v63  }
.LBB2_58:
0x3bf: {  	p0 =	seq.s32 s23, $0x3E0;
	s25 =	smov.u32 s23  }
0x3c0: {  	s25 =	simm.s32 @p0 $0x3D8  }
0x3c1: {  	v15 =	vld [tilespmem:s25+$0x0];
	_ =	sdelay $0x1  }
0x3c2: {  	s26 =	simm.s32 $0x8  }
0x3c3: {  	s26 =	simm.s32 @!p0 $0x0  }
0x3c4: {  	v16 =	vmov s26  }
0x3c5: {  	vm3 =	vlt.u32 v16, v6;
	vm4 =	veq.f32 v15, v10  }
0x3c6: {  	p0 =	sne.s32 s23, $0x3E0;
	v63 =	vadd.s32 s25, v0;
	vm4 =	vmand vm3, vm4  }
.Ltmp33:
0x3c7: {  	vm14 =	veq.f32 v15, v11;
	v17 =	vnsel vm4, $0x100000, v63;
	(pc) =	sbr.rel @p0 .LBB2_58-.Ltmp33, $4  }
0x3c8: {  	vm3 =	vmand vm3, vm14;
	vm5 =	vlt.s32 v14, v17  }
0x3c9: {  	v16 =	vnsel vm3, $0x100000, v63;
	v15 =	vsel vm5, v17, v14  }
0x3ca: {  	vm15 =	vlt.s32 v13, v16;
	vm3 =	vlt.s32 v12, v15  }
0x3cb: {  	s23 =	sadd.s32 $0x10, s23;
	v14 =	vsel vm5, v14, v17;
	v13 =	vsel vm15, v13, v16;
	v12 =	vsel vm3, v12, v15  }
0x3cc: {  	v10 =	vxor.u32 $0x80000000, v14  }
0x3cd: {  	(xrf0) =	vmin.scan.msk.u32 $0xffff, v10;
	_ =	sdelay $0x5  }
0x3ce: {  	(v2sf) =	vpush v9, $0xF;
	v9, _, _ =	vpop (xrf0)  }
0x3cf: {  	(v2sf) =	vpush v9, $0xF;
	_ =	sdelay $0xd  }
0x3d0: {  	s23 =	spop (v2sf)  }
0x3d1: {  	s25 =	spop (v2sf)  }
0x3d2: {  	s25 =	sxor.u32 $0x80000000, s25  }
0x3d3: {  	vm3 =	veq.s32 v14, s25  }
0x3d4: {  	v9 =	vmctz.xlane vm3;
	_ =	sdelay $0x1  }
0x3d5: {  	v9 =	vxor.u32 $0x80000000, v9  }
0x3d6: {  	(xrf0) =	vmax.scan.msk.u32 $0xffff, v9;
	_ =	sdelay $0x5  }
0x3d7: {  	v9, _, _ =	vpop (xrf0)  }
0x3d8: {  	(v2sf) =	vpush v9, $0xF;
	_ =	sdelay $0xe  }
0x3d9: {  	s26 =	spop (v2sf)  }
0x3da: {  	s26 =	sxor.u32 $0x80000000, s26  }
0x3db: {  	v9 =	vmov s26  }
0x3dc: {  	vm3 =	veq.s32 v9, v0  }
0x3dd: {  	v9 =	vsel vm3, $0x80100000, v10  }
0x3de: {  	(xrf0) =	vmin.scan.msk.u32 $0xffff, v9;
	v9 =	vxor.u32 $0x80000000, v12  }
0x3df: {  	(xrf0) =	vmin.scan.msk.u32 $0xffff, v9  }
0x3e0: {  	v9 =	vxor.u32 $0x80000000, v13  }
0x3e1: {  	(xrf0) =	vmin.scan.msk.u32 $0xffff, v9;
	_ =	sdelay $0x2  }
0x3e2: {  	v9, _, _ =	vpop (xrf0)  }
0x3e3: {  	v10, _, _ =	vpop (xrf0);
	(v2sf) =	vpush v9, $0xF  }
0x3e4: {  	(v2sf) =	vpush v10, $0xF  }
0x3e5: {  	v9, _, _ =	vpop (xrf0)  }
0x3e6: {  	(v2sf) =	vpush v9, $0xF;
	_ =	sdelay $0xb  }
0x3e7: {  	s26 =	spop (v2sf)  }
0x3e8: {  	s28 =	spop (v2sf)  }
0x3e9: {  	s26 =	sxor.u32 $0x80000000, s26;
	s28 =	sxor.u32 $0x80000000, s28  }
0x3ea: {  	p1 =	seq.f32 s22, s23;
	s23 =	spop (v2sf);
	p0 =	slt.s32 s26, s28  }
0x3eb: {  	s22 =	sxor.u32 $0x80000000, s23;
	s28 =	smov.u32 @p0 s26  }
0x3ec: {  	s22 =	smov.u32 @p1 s28  }
0x3ed: {  	v9 =	vmov s22  }
0x3ee: {  	s26 =	simm.s32 $0x9800;
	v9 =	vsel vm2, s25, v9  }
0x3ef: {  	[tilespmem:v0+s26+$0x0] =	vst.idx.msk $0x3, v9  }
0x3f0: {  	v9 =	vld.msk [tilespmem:$0x9800], $0x3;
	_ =	sdelay $0x4  }
0x3f1: {  	v10 =	vshll.u32 v9, $0x5  }
0x3f2: {  	v9 =	vand.u32 $0x7, v9;
	v10 =	vand.u32 $0xFFFFFF00, v10  }
0x3f3: {  	v9 =	vor.u32 v9, v10  }
0x3f4: {  	v9 =	vperm.xlane v9, v7;
	_ =	sdelay $0x1  }
0x3f5: {  	v9 =	vadd.s32 v8, v9;
	_ =	sdelay $0x3  }
0x3f6: {  	s28 =	simm.s32 $0x2800;
	s22 =	sadd.s32 $0x2, s19  }
0x3f7: {  	[tilespmem:s28], [sflag:$0x3] =	stream.indirect_vreg.gather [hbm4b:s2+s5], $0x80, v9, vm1, $0xb8;
	[tilespmem:$0xA500] =	vst v63  }
0x3f8: {  	s23 =	simm.s32 $0x3000;
	s26 =	sshll.u32 s22, $0x4;
	s22 =	sshll.u32 s22, $0x9  }
0x3f9: {  	[tilespmem:s23], [sflag:$0x3] =	stream.indirect_vreg.gather [hbm4b:s9+s5], $0x80, v9, vm1, $0xb8;
	[tilespmem:$0xA500] =	vst v63  }
0x3fa: {  	s25 =	simm.s32 $0x3800;
	s22 =	sand.u32 $0xFFFF000, s22;
	s23 =	sand.u32 $0x60, s26  }
0x3fb: {  	[tilespmem:s25], [sflag:$0x3] =	stream.indirect_vreg.gather [hbm4b:s10+s5], $0x80, v9, vm1, $0xb8;
	[tilespmem:$0xA500] =	vst v63  }
0x3fc: {  	s28 =	simm.s32 $0x4000;
	s26 =	sadd.s32 $0x3, s19;
	s23 =	sadd.s32 s1, s23  }
0x3fd: {  	[tilespmem:s28], [sflag:$0x3] =	stream.indirect_vreg.gather [hbm4b:s11+s5], $0x80, v9, vm1, $0xb8;
	[tilespmem:$0xA500] =	vst v63  }
0x3fe: {  	s22 =	sadd.s32 s22, s23;
	s25 =	simm.s32 $0x800;
	s28 =	sshll.u32 s26, $0x4  }
0x3ff: {  	[tilespmem:s25], [sflag:$0x2] =	stream.strided.gather [hbm4b:s22+s15], $0x1000, s16, s15, $0x38;
	[tilespmem:$0xA500] =	vst v63  }
0x400: {  	s19 =	sshll.u32 s26, $0x7;
	s22 =	sand.u32 $0x70, s28  }
0x401: {  	s19 =	sand.u32 $0xFFFFC00, s19;
	s22 =	sadd.s32 s7, s22  }
0x402: {  	s19 =	sadd.s32 s19, s22  }
0x403: {  	[tilespmem:s16], [sflag:$0x1] =	stream.strided.gather [hbm4b:s19+s15], $0x400, s16, s15, $0x38;
	[tilespmem:$0xA500] =	vst v63  }
.LBB2_60:
0x404: {  	s19 =	simm.s32 $0x9940  }
0x405: {  	[tilespmem:s19+$0xFFFFFFC0] =	vst v1  }
0x406: {  	[tilespmem:s19+$0x30] =	vst v1  }
0x407: {  	[tilespmem:s19+$0x20] =	vst v1  }
0x408: {  	[tilespmem:s19+$0x10] =	vst v1  }
0x409: {  	[tilespmem:s19+$0x0] =	vst v1  }
0x40a: {  	[tilespmem:s19+$0xFFFFFFF0] =	vst v1  }
0x40b: {  	s22 =	simm.s32 $0x0;
	[tilespmem:s19+$0xFFFFFFE0] =	vst v1  }
.LBB2_61:
0x40c: {  	s22 =	sadd.s32 $0x8, s22;
	[tilespmem:s19+$0xFFFFFFD0] =	vst v1;
	s19 =	sadd.s32 $0x80, s19  }
0x40d: {  	[tilespmem:s19+$0xFFFFFFC0] =	vst v1;
	p0 =	slt.u32 s22, $0x78  }
0x40e: {  	[tilespmem:s19+$0x30] =	vst v1  }
.Ltmp34:
0x40f: {  	[tilespmem:s19+$0x20] =	vst v1;
	(pc) =	sbr.rel @p0 .LBB2_61-.Ltmp34, $4  }
0x410: {  	[tilespmem:s19+$0x10] =	vst v1  }
0x411: {  	[tilespmem:s19+$0x0] =	vst v1  }
0x412: {  	[tilespmem:s19+$0xFFFFFFF0] =	vst v1  }
0x413: {  	[tilespmem:s19+$0xFFFFFFE0] =	vst v1  }
0x414: {  	[tilespmem:s19+$0xFFFFFFD0] =	vst v1;
	s19 =	simm.s32 $0xA140  }
0x415: {  	[tilespmem:s19+$0xFFFFFFC0] =	vst v1  }
0x416: {  	[tilespmem:s19+$0x30] =	vst v1  }
0x417: {  	[tilespmem:s19+$0x20] =	vst v1  }
0x418: {  	[tilespmem:s19+$0x10] =	vst v1  }
0x419: {  	[tilespmem:s19+$0x0] =	vst v1  }
0x41a: {  	[tilespmem:s19+$0xFFFFFFF0] =	vst v1  }
0x41b: {  	s22 =	simm.s32 $0x0;
	[tilespmem:s19+$0xFFFFFFE0] =	vst v1  }
.LBB2_63:
0x41c: {  	s22 =	sadd.s32 $0x8, s22;
	[tilespmem:s19+$0xFFFFFFD0] =	vst v1;
	s19 =	sadd.s32 $0x80, s19  }
0x41d: {  	[tilespmem:s19+$0xFFFFFFC0] =	vst v1;
	p0 =	slt.u32 s22, $0x38  }
0x41e: {  	[tilespmem:s19+$0x30] =	vst v1  }
.Ltmp35:
0x41f: {  	[tilespmem:s19+$0x20] =	vst v1;
	(pc) =	sbr.rel @p0 .LBB2_63-.Ltmp35, $4  }
0x420: {  	[tilespmem:s19+$0x10] =	vst v1  }
0x421: {  	[tilespmem:s19+$0x0] =	vst v1  }
0x422: {  	[tilespmem:s19+$0xFFFFFFF0] =	vst v1  }
0x423: {  	[tilespmem:s19+$0xFFFFFFE0] =	vst v1  }
0x424: {  	[tilespmem:s19+$0xFFFFFFD0] =	vst v1  }
0x425: {  	_ =	swait.ge [sflag:s0], $0x1000  }
0x426: {  	[sflag:s0] =	ssyncset.done $0x0  }
0x427: {  	[sflag:s0] =	ssyncadd.s32 $0xFFFFF000  }
0x428: {  	_ =	swait.ge [sflag:s3], $0x2000  }
0x429: {  	[sflag:s3] =	ssyncset.done $0x0  }
0x42a: {  	s22 =	simm.s32 $0x4880;
	[sflag:s3] =	ssyncadd.s32 $0xFFFFE000  }
0x42b: {  	v14 =	vld [tilespmem:s22+$0xFFFFFFD0]  }
0x42c: {  	s23 =	simm.s32 $0x1840;
	v11 =	vld [tilespmem:s22+$0xFFFFFFC0]  }
0x42d: {  	v9 =	vld [tilespmem:s23+$0xFFFFFFE0]  }
0x42e: {  	v10 =	vld [tilespmem:s23+$0x30]  }
0x42f: {  	v12 =	vld [tilespmem:s22+$0x70]  }
0x430: {  	v13 =	vld [tilespmem:s22+$0xFFFFFFF0]  }
0x431: {  	v15 =	vld [tilespmem:s23+$0xFFFFFFD0]  }
0x432: {  	v16 =	vld [tilespmem:s22+$0xFFFFFFA0]  }
0x433: {  	v17 =	vld [tilespmem:s22+$0xFFFFFF90]  }
0x434: {  	v18 =	vld [tilespmem:s23+$0xFFFFFFC0]  }
0x435: {  	v19 =	vld [tilespmem:s22+$0x10]  }
0x436: {  	v12 =	vsub.f32 v13, v12;
	v13 =	vld [tilespmem:s22+$0x20]  }
0x437: {  	v20 =	vld [tilespmem:s22+$0x0]  }
0x438: {  	v10 =	vmul.f32 v12, v10;
	v12 =	vld [tilespmem:s22+$0xFFFFFF80]  }
0x439: {  	v22 =	vld [tilespmem:s22+$0xFFFFFFB0]  }
0x43a: {  	v23 =	vld [tilespmem:s22+$0x40];
	v21 =	vand.u32 $0x7FFFFFFF, v10  }
0x43b: {  	v17 =	vsub.f32 v17, v19;
	v19 =	vld [tilespmem:s22+$0x30];
	v10 =	vshrl.u32 v21, $0x14;
	v13 =	vsub.f32 v16, v13  }
0x43c: {  	s19 =	simm.s32 $0x6840;
	v16 =	vld [tilespmem:s22+$0x50]  }
0x43d: {  	[tilespmem:s19+$0x30] =	vst v21;
	v21 =	vld [tilespmem:s23+$0xFFFFFFF0];
	v9 =	vmul.f32 v13, v9;
	v12 =	vsub.f32 v12, v20;
	v13 =	vmul.f32 v17, v15  }
0x43e: {  	v20 =	vld [tilespmem:s23+$0x0]  }
0x43f: {  	v15 =	vmul.f32 v12, v18;
	v18 =	vand.u32 $0x7FFFFFFF, v13;
	v13 =	vld [tilespmem:s23+$0x20]  }
0x440: {  	v23 =	vsub.f32 v11, v23;
	v22 =	vsub.f32 v22, v19;
	v17 =	vand.u32 $0x7FFFFFFF, v9;
	[tilespmem:v10+s12+$0x0] =	vst.idx.add.s32.msk $0xffff, v2  }
0x441: {  	v12 =	vimm.s32 $0x0;
	v9 =	vshrl.u32 v17, $0x14;
	[tilespmem:s19+$0xFFFFFFD0] =	vst v18;
	v24 =	vand.u32 $0x7FFFFFFF, v15;
	v15 =	vld [tilespmem:s23+$0x10]  }
0x442: {  	s25 =	simm.s32 $0x4980;
	v11 =	vshrl.u32 v18, $0x14;
	[tilespmem:s19+$0xFFFFFFE0] =	vst v17;
	v16 =	vsub.f32 v14, v16;
	v17 =	vld [tilespmem:s22+$0x60];
	v14 =	vshrl.u32 v24, $0x14  }
0x443: {  	s26 =	simm.s32 $0x18C0;
	v18 =	vld [tilespmem:s22+$0xFFFFFFE0];
	s22 =	simm.s32 $0x6840;
	s23 =	simm.s32 $0x0;
	[tilespmem:s19+$0xFFFFFFC0] =	vst v24;
	v19 =	vmul.f32 v23, v20;
	v20 =	vmul.f32 v22, v21;
	vm3 =	vgt.s32 v12, v14  }
.LBB2_65:
0x444: {  	v21 =	vld [tilespmem:s25+$0xFFFFFFD0];
	s23 =	sadd.s32 $0x8, s23;
	s19 =	sadd.s32 $0x80, s19  }
0x445: {  	v19 =	vand.u32 $0x7FFFFFFF, v19;
	v22 =	vld [tilespmem:s25+$0xFFFFFFC0];
	p0 =	slt.u32 s23, $0xF8;
	v20 =	vand.u32 $0x7FFFFFFF, v20  }
0x446: {  	v23 =	vld [tilespmem:s26+$0xFFFFFFE0];
	v24 =	vshrl.u32 v20, $0x14;
	[tilespmem:s22+$0x0] =	vst v19;
	v15 =	vmul.f32 v16, v15  }
0x447: {  	v19 =	vshrl.u32 v19, $0x14;
	v16 =	vld [tilespmem:s26+$0x30];
	[tilespmem:s22+$0xFFFFFFF0] =	vst v20  }
0x448: {  	v12 =	vsel vm3, v12, v14;
	[tilespmem:v14+s12+$0x0] =	vst.idx.add.s32.msk $0xffff, v2;
	v14 =	vand.u32 $0x7FFFFFFF, v15;
	v15 =	vsub.f32 v18, v17  }
0x449: {  	v12 =	vmax.u32 v12, v11;
	v17 =	vld [tilespmem:s25+$0x70];
	[tilespmem:s22+$0x10] =	vst v14;
	v14 =	vshrl.u32 v14, $0x14  }
0x44a: {  	v12 =	vmax.u32 v12, v9;
	v18 =	vld [tilespmem:s25+$0xFFFFFFF0];
	v13 =	vmul.f32 v15, v13  }
0x44b: {  	v12 =	vmax.u32 v12, v24;
	[tilespmem:v24+s12+$0x0] =	vst.idx.add.s32.msk $0xffff, v2  }
0x44c: {  	v12 =	vmax.u32 v12, v19;
	v15 =	vld [tilespmem:s26+$0xFFFFFFD0];
	v13 =	vand.u32 $0x7FFFFFFF, v13  }
0x44d: {  	v12 =	vmax.u32 v12, v14;
	[tilespmem:v19+s12+$0x0] =	vst.idx.add.s32.msk $0xffff, v2;
	v19 =	vshrl.u32 v13, $0x14  }
0x44e: {  	v20 =	vld [tilespmem:s25+$0xFFFFFFA0];
	[tilespmem:s22+$0x20] =	vst v13;
	v12 =	vmax.u32 v12, v19;
	s22 =	smov.u32 s19  }
0x44f: {  	v13 =	vsub.f32 v18, v17;
	[tilespmem:v14+s12+$0x0] =	vst.idx.add.s32.msk $0xffff, v2;
	v12 =	vmax.u32 v12, v10  }
0x450: {  	[tilespmem:v11+s12+$0x0] =	vst.idx.add.s32.msk $0xffff, v2  }
0x451: {  	v10 =	vld [tilespmem:s25+$0xFFFFFF90];
	v11 =	vmul.f32 v13, v16  }
0x452: {  	v13 =	vld [tilespmem:s26+$0xFFFFFFC0]  }
0x453: {  	v14 =	vld [tilespmem:s25+$0x20];
	v11 =	vand.u32 $0x7FFFFFFF, v11  }
0x454: {  	[tilespmem:v9+s12+$0x0] =	vst.idx.add.s32.msk $0xffff, v2  }
0x455: {  	v9 =	vld [tilespmem:s25+$0x10];
	[tilespmem:s19+$0x30] =	vst v11  }
0x456: {  	[tilespmem:v19+s12+$0x0] =	vst.idx.add.s32.msk $0xffff, v2  }
0x457: {  	v16 =	vld [tilespmem:s25+$0xFFFFFF80]  }
0x458: {  	v17 =	vld [tilespmem:s25+$0x0]  }
0x459: {  	v14 =	vsub.f32 v20, v14;
	v18 =	vld [tilespmem:s25+$0xFFFFFFB0]  }
0x45a: {  	v9 =	vsub.f32 v10, v9;
	v19 =	vld [tilespmem:s25+$0x40];
	v10 =	vshrl.u32 v11, $0x14  }
0x45b: {  	v11 =	vmul.f32 v14, v23;
	v14 =	vld [tilespmem:s25+$0x50]  }
0x45c: {  	v15 =	vmul.f32 v9, v15;
	v20 =	vld [tilespmem:s25+$0x30]  }
0x45d: {  	v16 =	vsub.f32 v16, v17;
	v17 =	vand.u32 $0x7FFFFFFF, v11;
	v23 =	vld [tilespmem:s26+$0x0]  }
0x45e: {  	v9 =	vshrl.u32 v17, $0x14;
	v24 =	vld [tilespmem:s26+$0xFFFFFFF0]  }
.Ltmp36:
0x45f: {  	v11 =	vand.u32 $0x7FFFFFFF, v15;
	v16 =	vmul.f32 v16, v13;
	[tilespmem:v10+s12+$0x0] =	vst.idx.add.s32.msk $0xffff, v2;
	(pc) =	sbr.rel @p0 .LBB2_65-.Ltmp36, $4  }
0x460: {  	v19 =	vsub.f32 v22, v19;
	[tilespmem:s19+$0xFFFFFFD0] =	vst v11;
	v11 =	vshrl.u32 v11, $0x14;
	v13 =	vld [tilespmem:s26+$0x20]  }
0x461: {  	v22 =	vand.u32 $0x7FFFFFFF, v16;
	[tilespmem:s19+$0xFFFFFFE0] =	vst v17;
	v18 =	vsub.f32 v18, v20;
	v15 =	vld [tilespmem:s26+$0x10];
	v16 =	vsub.f32 v21, v14  }
0x462: {  	[tilespmem:s19+$0xFFFFFFC0] =	vst v22;
	v14 =	vshrl.u32 v22, $0x14;
	v19 =	vmul.f32 v19, v23;
	v17 =	vld [tilespmem:s25+$0x60]  }
0x463: {  	s26 =	sadd.s32 $0x80, s26;
	vm3 =	vgt.s32 v12, v14;
	v20 =	vmul.f32 v18, v24;
	v18 =	vld [tilespmem:s25+$0xFFFFFFE0];
	s25 =	sadd.s32 $0x100, s25  }
0x464: {  	_ =	sdelay $0x3  }
0x465: {  	v12 =	vsel vm3, v12, v14;
	v60 =	vand.u32 $0x7FFFFFFF, v19;
	v17 =	vsub.f32 v18, v17  }
0x466: {  	v20 =	vand.u32 $0x7FFFFFFF, v20;
	v12 =	vmax.u32 v12, v11;
	v15 =	vmul.f32 v16, v15  }
0x467: {  	v61 =	vshrl.u32 v20, $0x14;
	v12 =	vmax.u32 v12, v9;
	v13 =	vmul.f32 v17, v13  }
0x468: {  	v62 =	vshrl.u32 v60, $0x14;
	v12 =	vmax.u32 v12, v61;
	v15 =	vand.u32 $0x7FFFFFFF, v15  }
0x469: {  	v12 =	vmax.u32 v12, v62;
	v63 =	vshrl.u32 v15, $0x14;
	v13 =	vand.u32 $0x7FFFFFFF, v13  }
0x46a: {  	v12 =	vmax.u32 v12, v63;
	v21 =	vshrl.u32 v13, $0x14  }
0x46b: {  	v12 =	vmax.u32 v12, v21  }
0x46c: {  	v10 =	vmax.u32 v12, v10  }
0x46d: {  	v10 =	vxor.u32 $0x80000000, v10  }
0x46e: {  	(xrf0) =	vmax.scan.msk.u32 $0xffff, v10;
	_ =	sdelay $0x5  }
0x46f: {  	v10, _, _ =	vpop (xrf0)  }
0x470: {  	(v2sf) =	vpush v10, $0xF;
	_ =	sdelay $0xb  }
0x471: {  	[tilespmem:v14+s12+$0x0] =	vst.idx.add.s32.msk $0xffff, v2  }
0x472: {  	[tilespmem:v11+s12+$0x0] =	vst.idx.add.s32.msk $0xffff, v2  }
0x473: {  	[tilespmem:v9+s12+$0x0] =	vst.idx.add.s32.msk $0xffff, v2  }
0x474: {  	[tilespmem:s22+$0x0] =	vst v60;
	s19 =	spop (v2sf)  }
0x475: {  	[tilespmem:s22+$0xFFFFFFF0] =	vst v20;
	s19 =	sshra.s32 s19, $0x4  }
0x476: {  	[tilespmem:s22+$0x10] =	vst v15;
	p0 =	sgt.s32 s19, $0xFFFFFFFF  }
.Ltmp37:
0x477: {  	[tilespmem:v62+s12+$0x0] =	vst.idx.add.s32.msk $0xffff, v2;
	(pc) =	sbr.rel @p0 .LBB2_70-.Ltmp37, $4  }
0x478: {  	[tilespmem:v61+s12+$0x0] =	vst.idx.add.s32.msk $0xffff, v2  }
0x479: {  	[tilespmem:s22+$0x20] =	vst v13  }
0x47a: {  	[tilespmem:v63+s12+$0x0] =	vst.idx.add.s32.msk $0xffff, v2  }
0x47b: {  	v11 =	vimm.s32 $0x0;
	v9 =	vimm.s32 $0x333;
	[tilespmem:v21+s12+$0x0] =	vst.idx.add.s32.msk $0xffff, v2;
	v10 =	vimm.s32 $0x0  }
0x47c: {  	s22 =	sshll.u32 s19, $0x6  }
0x47d: {  	s23 =	sxor.u32 $0xF8000000, s19;
	s22 =	sshra.s32 s22, $0x2  }
0x47e: {  	v10 =	vimm.s32 $0x0;
	v9 =	vimm.s32 $0x333;
	v12 =	vimm.s32 $0x0;
	s19 =	ssub.s32 $0x0, s23;
	s23 =	sshll.u32 s23, $0x4;
	s22 =	sadd.s32 $0x9900, s22  }
.LBB2_68:
0x47f: {  	v13 =	vld [tilespmem:s22+$0x0];
	_ =	sdelay $0x4  }
0x480: {  	(xrf0) =	vadd.scan.msk.s32 $0xffff, v13;
	_ =	sdelay $0x5  }
0x481: {  	v14, _, _ =	vpop (xrf0)  }
0x482: {  	v15 =	vperm.xlane v14, v4;
	_ =	sdelay $0x1  }
0x483: {  	v12 =	vadd.s32 v12, v15  }
0x484: {  	vm3 =	vlt.s32 v12, v9  }
0x485: {  	v15 =	vsel vm3, $0x0, v5  }
0x486: {  	(xrf0) =	vmax.scan.msk.f32 $0xffff, v15;
	_ =	sdelay $0x5  }
0x487: {  	v15, _, _ =	vpop (xrf0)  }
0x488: {  	(v2sf) =	vpush v15, $0xF;
	_ =	sdelay $0xa  }
0x489: {  	v14 =	vsub.s32 v12, v14  }
0x48a: {  	v14 =	vadd.s32 v13, v14  }
0x48b: {  	vm3 =	vge.s32 v14, v9  }
0x48c: {  	v15 =	vmpcnt.ones.xlane vm3  }
0x48d: {  	p0 =	seq.s32 s19, $0x0;
	s25 =	spop (v2sf)  }
0x48e: {  	v15 =	vadd.s32 $0xFFFFFFFF, v15;
	p2 =	sgt.f32 @!p0 s25, $0.0e+00  }
0x48f: {  	vm3 =	vgt.s32 v15, $0x0  }
0x490: {  	v15 =	vnsel vm3, $0x0, v15;
	p2 =	por p0, p2  }
.Ltmp38:
0x491: {  	v14 =	vperm.xlane v14, v15;
	v13 =	vperm.xlane v13, v15;
	(pc) =	sbr.rel @!p2 .LBB2_68-.Ltmp38, $4  }
0x492: {  	p1 =	sgt.f32 s25, $0.0e+00  }
0x493: {  	v13 =	vsub.s32 v13, v14  }
0x494: {  	v14 =	vadd.s32 s23, v15;
	v13 =	vpsel !p1, $0x0, v13  }
0x495: {  	s19 =	sadd.s32 $0x1, s19;
	s22 =	sadd.s32 $0xFFFFFFF0, s22;
	s23 =	sadd.s32 $0xFFFFFFF0, s23;
	v10 =	vpsel p1, v14, v10;
	v9 =	vadd.s32 v9, v13  }
0x496: {  	v10 =	vpsel p0, v10, v10;
	v9 =	vpsel p0, v9, v9  }
.LBB2_70:
0x497: {  	s28 =	simm.s32 $0x6840  }
0x498: {  	v12 =	vld [tilespmem:s28+$0xFFFFFFC0];
	_ =	sdelay $0x2  }
0x499: {  	v13 =	vld [tilespmem:s28+$0xFFFFFFD0];
	_ =	sdelay $0x1  }
0x49a: {  	v15 =	vld [tilespmem:s28+$0xFFFFFFE0];
	v14 =	vshrl.u32 v12, $0xA  }
0x49b: {  	v14 =	vand.u32 $0x3FF, v14  }
0x49c: {  	v12 =	vshrl.u32 v12, $0x14;
	vm3 =	vgt.s32 v11, v14  }
0x49d: {  	v16 =	vld [tilespmem:s28+$0xFFFFFFF0];
	v17 =	vshrl.u32 v13, $0xA;
	vm5 =	veq.s32 v12, v10;
	v12 =	vsel vm3, v11, v14  }
0x49e: {  	v18 =	vand.u32 $0x3FF, v17;
	v11 =	vsel vm5, v12, v11  }
0x49f: {  	v12 =	vshrl.u32 v13, $0x14;
	v13 =	vshrl.u32 v15, $0x14;
	vm3 =	vgt.s32 v11, v18  }
0x4a0: {  	v19 =	vld [tilespmem:s28+$0x0];
	v15 =	vshrl.u32 v15, $0xA;
	vm6 =	veq.s32 v12, v10;
	v12 =	vsel vm3, v11, v18  }
0x4a1: {  	vm3 =	veq.s32 v13, v10;
	v12 =	vsel vm6, v12, v11;
	v11 =	vand.u32 $0x3FF, v15  }
0x4a2: {  	v13 =	vshrl.u32 v16, $0xA;
	v15 =	vshrl.u32 v16, $0x14;
	v16 =	vld [tilespmem:s28+$0x10];
	vm4 =	vgt.s32 v12, v11  }
0x4a3: {  	v13 =	vand.u32 $0x3FF, v13;
	[tilespmem:v14+s13+$0x0] =	vst.idx.add.s32.msk vm5, v2;
	v17 =	vsel vm4, v12, v11;
	vm4 =	veq.s32 v15, v10  }
0x4a4: {  	v15 =	vld [tilespmem:s28+$0x20];
	v12 =	vsel vm3, v17, v12;
	v14 =	vnsel vm4, $0x0, v13  }
0x4a5: {  	v20 =	vshrl.u32 v19, $0xA;
	vm5 =	vgt.s32 v12, v14  }
0x4a6: {  	s19 =	sshll.u32 s21, $0x4;
	v19 =	vshrl.u32 v19, $0x14;
	v17 =	vsel vm5, v12, v14;
	v12 =	vand.u32 $0x3FF, v20;
	v14 =	vld [tilespmem:s28+$0x30]  }
0x4a7: {  	s21 =	simm.s32 $0x0;
	s22 =	simm.s32 $0x68C0;
	s19 =	sand.u32 $0x70, s19;
	[tilespmem:v18+s13+$0x0] =	vst.idx.add.s32.msk vm6, v2;
	vm5 =	veq.s32 v19, v10;
	v18 =	vshrl.u32 v16, $0xA;
	v19 =	vmax.u32 v17, v12  }
.LBB2_71:
0x4a8: {  	v20 =	vld [tilespmem:s22+$0xFFFFFFC0];
	s21 =	sadd.s32 $0x8, s21;
	v17 =	vsel vm5, v19, v17;
	v16 =	vshrl.u32 v16, $0x14;
	v18 =	vand.u32 $0x3FF, v18  }
0x4a9: {  	p0 =	slt.u32 s21, $0xF8;
	[tilespmem:v11+s13+$0x0] =	vst.idx.add.s32.msk vm3, v2;
	vm3 =	veq.s32 v16, v10;
	v11 =	vmax.u32 v17, v18;
	v16 =	vshrl.u32 v15, $0xA  }
0x4aa: {  	[tilespmem:v13+s13+$0x0] =	vst.idx.add.s32.msk vm4, v2;
	v11 =	vsel vm3, v11, v17;
	v13 =	vshrl.u32 v15, $0x14;
	v15 =	vand.u32 $0x3FF, v16  }
0x4ab: {  	v16 =	vld [tilespmem:s22+$0xFFFFFFD0];
	vm4 =	veq.s32 v13, v10;
	v13 =	vmax.u32 v11, v15;
	v17 =	vshrl.u32 v14, $0xA  }
0x4ac: {  	v11 =	vsel vm4, v13, v11;
	v13 =	vshrl.u32 v14, $0x14;
	v14 =	vand.u32 $0x3FF, v17  }
0x4ad: {  	v17 =	vshrl.u32 v20, $0xA;
	v19 =	vld [tilespmem:s22+$0xFFFFFFE0];
	vm6 =	veq.s32 v13, v10;
	v13 =	vmax.u32 v11, v14  }
0x4ae: {  	v17 =	vand.u32 $0x3FF, v17;
	[tilespmem:v12+s13+$0x0] =	vst.idx.add.s32.msk vm5, v2;
	v11 =	vsel vm6, v13, v11  }
0x4af: {  	v12 =	vshrl.u32 v20, $0x14;
	vm5 =	vgt.s32 v11, v17;
	v13 =	vld [tilespmem:s22+$0xFFFFFFF0]  }
0x4b0: {  	vm7 =	veq.s32 v12, v10;
	v12 =	vsel vm5, v11, v17;
	v20 =	vshrl.u32 v16, $0xA;
	[tilespmem:v18+s13+$0x0] =	vst.idx.add.s32.msk vm3, v2  }
0x4b1: {  	v11 =	vsel vm7, v12, v11;
	v18 =	vand.u32 $0x3FF, v20;
	[tilespmem:v15+s13+$0x0] =	vst.idx.add.s32.msk vm4, v2  }
0x4b2: {  	v12 =	vshrl.u32 v16, $0x14;
	vm3 =	vgt.s32 v11, v18;
	v15 =	vshrl.u32 v19, $0x14  }
0x4b3: {  	vm5 =	veq.s32 v12, v10;
	v16 =	vshrl.u32 v19, $0xA;
	v12 =	vsel vm3, v11, v18;
	v19 =	vld [tilespmem:s22+$0x0]  }
0x4b4: {  	v12 =	vsel vm5, v12, v11;
	v11 =	vand.u32 $0x3FF, v16;
	v20 =	vshrl.u32 v13, $0x14;
	[tilespmem:v14+s13+$0x0] =	vst.idx.add.s32.msk vm6, v2  }
0x4b5: {  	vm3 =	veq.s32 v15, v10;
	v13 =	vshrl.u32 v13, $0xA;
	vm4 =	vgt.s32 v12, v11;
	v16 =	vld [tilespmem:s22+$0x10]  }
.Ltmp39:
0x4b6: {  	v13 =	vand.u32 $0x3FF, v13;
	[tilespmem:v17+s13+$0x0] =	vst.idx.add.s32.msk vm7, v2;
	v14 =	vsel vm4, v12, v11;
	vm4 =	veq.s32 v20, v10;
	(pc) =	sbr.rel @p0 .LBB2_71-.Ltmp39, $4  }
0x4b7: {  	v12 =	vsel vm3, v14, v12;
	v14 =	vnsel vm4, $0x0, v13;
	v15 =	vld [tilespmem:s22+$0x20]  }
0x4b8: {  	vm6 =	vgt.s32 v12, v14;
	v20 =	vshrl.u32 v19, $0xA  }
0x4b9: {  	v19 =	vshrl.u32 v19, $0x14;
	v17 =	vsel vm6, v12, v14;
	v12 =	vand.u32 $0x3FF, v20;
	v14 =	vld [tilespmem:s22+$0x30]  }
0x4ba: {  	s22 =	sadd.s32 $0x80, s22;
	[tilespmem:v18+s13+$0x0] =	vst.idx.add.s32.msk vm5, v2;
	vm5 =	veq.s32 v19, v10;
	v19 =	vmax.u32 v17, v12;
	v18 =	vshrl.u32 v16, $0xA  }
0x4bb: {  	v17 =	vsel vm5, v19, v17;
	v16 =	vshrl.u32 v16, $0x14;
	v18 =	vand.u32 $0x3FF, v18  }
0x4bc: {  	vm6 =	veq.s32 v16, v10;
	v55 =	vmax.u32 v17, v18;
	v56 =	vshrl.u32 v15, $0xA  }
0x4bd: {  	v57 =	vshrl.u32 v15, $0x14;
	v16 =	vsel vm6, v55, v17;
	v58 =	vand.u32 $0x3FF, v56  }
0x4be: {  	vm7 =	veq.s32 v57, v10;
	v59 =	vmax.u32 v16, v58;
	v60 =	vshrl.u32 v14, $0xA  }
0x4bf: {  	v61 =	vshrl.u32 v14, $0x14;
	v15 =	vsel vm7, v59, v16;
	v62 =	vand.u32 $0x3FF, v60  }
0x4c0: {  	vm8 =	veq.s32 v61, v10;
	v63 =	vmax.u32 v15, v62  }
0x4c1: {  	v14 =	vsel vm8, v63, v15  }
0x4c2: {  	v14 =	vxor.u32 $0x80000000, v14  }
0x4c3: {  	(xrf0) =	vmax.scan.msk.u32 $0xffff, v14;
	_ =	sdelay $0x5  }
0x4c4: {  	v14, _, _ =	vpop (xrf0)  }
0x4c5: {  	(v2sf) =	vpush v14, $0xF;
	_ =	sdelay $0xe  }
0x4c6: {  	s21 =	spop (v2sf)  }
0x4c7: {  	s21 =	sshra.s32 s21, $0x4  }
0x4c8: {  	[tilespmem:v11+s13+$0x0] =	vst.idx.add.s32.msk vm3, v2;
	p0 =	sgt.s32 s21, $0xFFFFFFFF  }
.Ltmp40:
0x4c9: {  	[tilespmem:v13+s13+$0x0] =	vst.idx.add.s32.msk vm4, v2;
	(pc) =	sbr.rel @p0 .LBB2_76-.Ltmp40, $4  }
0x4ca: {  	[tilespmem:v12+s13+$0x0] =	vst.idx.add.s32.msk vm5, v2  }
0x4cb: {  	[tilespmem:v18+s13+$0x0] =	vst.idx.add.s32.msk vm6, v2  }
0x4cc: {  	[tilespmem:v58+s13+$0x0] =	vst.idx.add.s32.msk vm7, v2  }
0x4cd: {  	v11 =	vimm.s32 $0x0;
	[tilespmem:v62+s13+$0x0] =	vst.idx.add.s32.msk vm8, v2  }
0x4ce: {  	s22 =	sshll.u32 s21, $0x6  }
0x4cf: {  	s23 =	sxor.u32 $0xF8000000, s21;
	s22 =	sshra.s32 s22, $0x2  }
0x4d0: {  	v11 =	vimm.s32 $0x0;
	v12 =	vimm.s32 $0x0;
	s21 =	ssub.s32 $0x0, s23;
	s23 =	sshll.u32 s23, $0x4;
	s22 =	sadd.s32 $0xA100, s22  }
.LBB2_74:
0x4d1: {  	v13 =	vld [tilespmem:s22+$0x0];
	_ =	sdelay $0x4  }
0x4d2: {  	(xrf0) =	vadd.scan.msk.s32 $0xffff, v13;
	_ =	sdelay $0x5  }
0x4d3: {  	v14, _, _ =	vpop (xrf0)  }
0x4d4: {  	v15 =	vperm.xlane v14, v4;
	_ =	sdelay $0x1  }
0x4d5: {  	v12 =	vadd.s32 v12, v15  }
0x4d6: {  	vm3 =	vlt.s32 v12, v9  }
0x4d7: {  	v15 =	vsel vm3, $0x0, v5  }
0x4d8: {  	(xrf0) =	vmax.scan.msk.f32 $0xffff, v15;
	_ =	sdelay $0x5  }
0x4d9: {  	v15, _, _ =	vpop (xrf0)  }
0x4da: {  	(v2sf) =	vpush v15, $0xF;
	_ =	sdelay $0xa  }
0x4db: {  	v14 =	vsub.s32 v12, v14  }
0x4dc: {  	v14 =	vadd.s32 v13, v14  }
0x4dd: {  	vm3 =	vge.s32 v14, v9  }
0x4de: {  	v15 =	vmpcnt.ones.xlane vm3  }
0x4df: {  	p0 =	seq.s32 s21, $0x0;
	s25 =	spop (v2sf)  }
0x4e0: {  	v15 =	vadd.s32 $0xFFFFFFFF, v15;
	p2 =	sgt.f32 @!p0 s25, $0.0e+00  }
0x4e1: {  	vm3 =	vgt.s32 v15, $0x0  }
0x4e2: {  	v15 =	vnsel vm3, $0x0, v15;
	p2 =	por p0, p2  }
.Ltmp41:
0x4e3: {  	v14 =	vperm.xlane v14, v15;
	v13 =	vperm.xlane v13, v15;
	(pc) =	sbr.rel @!p2 .LBB2_74-.Ltmp41, $4  }
0x4e4: {  	p1 =	sgt.f32 s25, $0.0e+00  }
0x4e5: {  	v13 =	vsub.s32 v13, v14  }
0x4e6: {  	v14 =	vadd.s32 s23, v15;
	v13 =	vpsel !p1, $0x0, v13  }
0x4e7: {  	s21 =	sadd.s32 $0x1, s21;
	s22 =	sadd.s32 $0xFFFFFFF0, s22;
	s23 =	sadd.s32 $0xFFFFFFF0, s23;
	v11 =	vpsel p1, v14, v11;
	v9 =	vadd.s32 v9, v13  }
0x4e8: {  	v11 =	vpsel p0, v11, v11;
	v9 =	vpsel p0, v9, v9  }
.LBB2_76:
0x4e9: {  	s21 =	simm.s32 $0xA140  }
0x4ea: {  	[tilespmem:s21+$0xFFFFFFC0] =	vst v1  }
0x4eb: {  	[tilespmem:s21+$0x30] =	vst v1  }
0x4ec: {  	[tilespmem:s21+$0x20] =	vst v1  }
0x4ed: {  	[tilespmem:s21+$0x10] =	vst v1  }
0x4ee: {  	[tilespmem:s21+$0x0] =	vst v1  }
0x4ef: {  	[tilespmem:s21+$0xFFFFFFF0] =	vst v1  }
0x4f0: {  	s22 =	simm.s32 $0x0;
	[tilespmem:s21+$0xFFFFFFE0] =	vst v1  }
.LBB2_77:
0x4f1: {  	s22 =	sadd.s32 $0x8, s22;
	[tilespmem:s21+$0xFFFFFFD0] =	vst v1;
	s21 =	sadd.s32 $0x80, s21  }
0x4f2: {  	[tilespmem:s21+$0xFFFFFFC0] =	vst v1;
	p0 =	slt.u32 s22, $0x38  }
0x4f3: {  	[tilespmem:s21+$0x30] =	vst v1  }
.Ltmp42:
0x4f4: {  	[tilespmem:s21+$0x20] =	vst v1;
	(pc) =	sbr.rel @p0 .LBB2_77-.Ltmp42, $4  }
0x4f5: {  	[tilespmem:s21+$0x10] =	vst v1  }
0x4f6: {  	[tilespmem:s21+$0x0] =	vst v1  }
0x4f7: {  	[tilespmem:s21+$0xFFFFFFF0] =	vst v1  }
0x4f8: {  	[tilespmem:s21+$0xFFFFFFE0] =	vst v1  }
0x4f9: {  	[tilespmem:s21+$0xFFFFFFD0] =	vst v1;
	s22 =	simm.s32 $0x6840  }
0x4fa: {  	v12 =	vld [tilespmem:s22+$0xFFFFFFC0];
	_ =	sdelay $0x2  }
0x4fb: {  	v13 =	vld [tilespmem:s22+$0xFFFFFFD0];
	_ =	sdelay $0x1  }
0x4fc: {  	v10 =	vshll.u32 v10, $0xA;
	v14 =	vimm.s32 $0x0;
	v16 =	vld [tilespmem:s22+$0xFFFFFFF0];
	v15 =	vand.u32 $0x3FF, v12  }
0x4fd: {  	v10 =	vor.u32 v10, v11;
	v17 =	vld [tilespmem:s22+$0xFFFFFFE0];
	v11 =	vshrl.u32 v12, $0xA;
	vm3 =	vgt.s32 v14, v15  }
0x4fe: {  	vm5 =	veq.s32 v11, v10;
	v11 =	vsel vm3, v14, v15  }
0x4ff: {  	v18 =	vand.u32 $0x3FF, v13;
	v11 =	vsel vm5, v11, v14  }
0x500: {  	v12 =	vshrl.u32 v13, $0xA;
	vm3 =	vgt.s32 v11, v18  }
0x501: {  	vm6 =	veq.s32 v12, v10;
	v12 =	vsel vm3, v11, v18  }
0x502: {  	v14 =	vld [tilespmem:s22+$0x0];
	v13 =	vsel vm6, v12, v11;
	v12 =	vand.u32 $0x3FF, v17;
	v11 =	vand.u32 $0x3FF, v16  }
0x503: {  	v17 =	vshrl.u32 v17, $0xA;
	v16 =	vshrl.u32 v16, $0xA;
	vm3 =	vgt.s32 v13, v12  }
0x504: {  	v19 =	vld [tilespmem:s22+$0x10];
	vm4 =	veq.s32 v17, v10;
	v17 =	vsel vm3, v13, v12;
	vm3 =	veq.s32 v16, v10  }
0x505: {  	[tilespmem:v15+s13+$0x0] =	vst.idx.add.s32.msk vm5, v2;
	v13 =	vsel vm4, v17, v13;
	v16 =	vnsel vm3, $0x0, v11  }
0x506: {  	v15 =	vld [tilespmem:s22+$0x20];
	vm5 =	vgt.s32 v13, v16  }
0x507: {  	v13 =	vsel vm5, v13, v16;
	v16 =	vshrl.u32 v14, $0xA;
	v14 =	vand.u32 $0x3FF, v14  }
0x508: {  	vm5 =	veq.s32 v16, v10;
	v17 =	vmax.u32 v13, v14;
	v16 =	vld [tilespmem:s22+$0x30]  }
0x509: {  	s21 =	simm.s32 $0x0;
	[tilespmem:v18+s13+$0x0] =	vst.idx.add.s32.msk vm6, v2;
	v18 =	vshrl.u32 v19, $0xA;
	s22 =	simm.s32 $0x68C0;
	v17 =	vsel vm5, v17, v13;
	v13 =	vand.u32 $0x3FF, v19  }
.LBB2_79:
0x50a: {  	v19 =	vld [tilespmem:s22+$0xFFFFFFC0];
	s21 =	sadd.s32 $0x8, s21;
	vm6 =	veq.s32 v18, v10;
	v18 =	vmax.u32 v17, v13  }
0x50b: {  	p0 =	slt.u32 s21, $0xF8;
	[tilespmem:v12+s13+$0x0] =	vst.idx.add.s32.msk vm4, v2;
	v12 =	vsel vm6, v18, v17;
	v17 =	vshrl.u32 v15, $0xA;
	v15 =	vand.u32 $0x3FF, v15  }
0x50c: {  	[tilespmem:v11+s13+$0x0] =	vst.idx.add.s32.msk vm3, v2;
	vm3 =	veq.s32 v17, v10;
	v11 =	vmax.u32 v12, v15  }
0x50d: {  	v17 =	vld [tilespmem:s22+$0xFFFFFFD0];
	v11 =	vsel vm3, v11, v12;
	v12 =	vshrl.u32 v16, $0xA;
	v16 =	vand.u32 $0x3FF, v16  }
0x50e: {  	[tilespmem:v14+s13+$0x0] =	vst.idx.add.s32.msk vm5, v2;
	vm4 =	veq.s32 v12, v10;
	v12 =	vmax.u32 v11, v16  }
0x50f: {  	v14 =	vand.u32 $0x3FF, v19;
	v18 =	vld [tilespmem:s22+$0xFFFFFFF0];
	v11 =	vsel vm4, v12, v11  }
0x510: {  	v12 =	vshrl.u32 v19, $0xA;
	vm5 =	vgt.s32 v11, v14;
	v19 =	vld [tilespmem:s22+$0xFFFFFFE0]  }
0x511: {  	vm7 =	veq.s32 v12, v10;
	v12 =	vsel vm5, v11, v14;
	[tilespmem:v13+s13+$0x0] =	vst.idx.add.s32.msk vm6, v2  }
0x512: {  	v11 =	vsel vm7, v12, v11;
	v13 =	vand.u32 $0x3FF, v17;
	[tilespmem:v15+s13+$0x0] =	vst.idx.add.s32.msk vm3, v2  }
0x513: {  	v12 =	vshrl.u32 v17, $0xA;
	vm3 =	vgt.s32 v11, v13  }
0x514: {  	vm5 =	veq.s32 v12, v10;
	v12 =	vsel vm3, v11, v13;
	[tilespmem:v16+s13+$0x0] =	vst.idx.add.s32.msk vm4, v2  }
0x515: {  	v15 =	vsel vm5, v12, v11;
	v12 =	vand.u32 $0x3FF, v19;
	v11 =	vand.u32 $0x3FF, v18;
	v16 =	vld [tilespmem:s22+$0x0]  }
0x516: {  	v17 =	vshrl.u32 v19, $0xA;
	v18 =	vshrl.u32 v18, $0xA;
	vm3 =	vgt.s32 v15, v12  }
0x517: {  	vm4 =	veq.s32 v17, v10;
	v17 =	vsel vm3, v15, v12;
	vm3 =	veq.s32 v18, v10;
	v19 =	vld [tilespmem:s22+$0x10]  }
.Ltmp43:
0x518: {  	[tilespmem:v14+s13+$0x0] =	vst.idx.add.s32.msk vm7, v2;
	v14 =	vsel vm4, v17, v15;
	v17 =	vnsel vm3, $0x0, v11;
	(pc) =	sbr.rel @p0 .LBB2_79-.Ltmp43, $4  }
0x519: {  	vm6 =	vgt.s32 v14, v17;
	v15 =	vld [tilespmem:s22+$0x20]  }
0x51a: {  	[tilespmem:v13+s13+$0x0] =	vst.idx.add.s32.msk vm5, v2;
	v13 =	vsel vm6, v14, v17;
	v17 =	vshrl.u32 v16, $0xA;
	v14 =	vand.u32 $0x3FF, v16  }
0x51b: {  	vm5 =	veq.s32 v17, v10;
	v17 =	vmax.u32 v13, v14;
	v16 =	vld [tilespmem:s22+$0x30]  }
0x51c: {  	s22 =	sadd.s32 $0x80, s22;
	v17 =	vsel vm5, v17, v13;
	v18 =	vshrl.u32 v19, $0xA;
	v13 =	vand.u32 $0x3FF, v19  }
0x51d: {  	vm6 =	veq.s32 v18, v10;
	v57 =	vmax.u32 v17, v13  }
0x51e: {  	v17 =	vsel vm6, v57, v17;
	v58 =	vshrl.u32 v15, $0xA;
	v59 =	vand.u32 $0x3FF, v15  }
0x51f: {  	vm7 =	veq.s32 v58, v10;
	v60 =	vmax.u32 v17, v59  }
0x520: {  	v17 =	vsel vm7, v60, v17;
	v61 =	vshrl.u32 v16, $0xA;
	v62 =	vand.u32 $0x3FF, v16  }
0x521: {  	vm8 =	veq.s32 v61, v10;
	v63 =	vmax.u32 v17, v62  }
0x522: {  	v17 =	vsel vm8, v63, v17  }
0x523: {  	v17 =	vxor.u32 $0x80000000, v17  }
0x524: {  	(xrf0) =	vmax.scan.msk.u32 $0xffff, v17;
	_ =	sdelay $0x5  }
0x525: {  	v17, _, _ =	vpop (xrf0)  }
0x526: {  	(v2sf) =	vpush v17, $0xF;
	_ =	sdelay $0xe  }
0x527: {  	s21 =	spop (v2sf)  }
0x528: {  	s21 =	sshra.s32 s21, $0x4  }
0x529: {  	[tilespmem:v12+s13+$0x0] =	vst.idx.add.s32.msk vm4, v2;
	p0 =	sgt.s32 s21, $0xFFFFFFFF  }
.Ltmp44:
0x52a: {  	[tilespmem:v11+s13+$0x0] =	vst.idx.add.s32.msk vm3, v2;
	(pc) =	sbr.rel @!p0 .LBB2_82-.Ltmp44, $4  }
0x52b: {  	[tilespmem:v14+s13+$0x0] =	vst.idx.add.s32.msk vm5, v2  }
0x52c: {  	[tilespmem:v13+s13+$0x0] =	vst.idx.add.s32.msk vm6, v2  }
0x52d: {  	[tilespmem:v59+s13+$0x0] =	vst.idx.add.s32.msk vm7, v2  }
0x52e: {  	v11 =	vimm.s32 $0x0;
	[tilespmem:v62+s13+$0x0] =	vst.idx.add.s32.msk vm8, v2  }
.Ltmp45:
0x52f: {  	(pc) =	sbr.rel .LBB2_85-.Ltmp45, $2  }
0x530: {  	_ =	sdelay $0x2  }
0x531: {  	v13 =	vimm.s32 $0x0;
	v12 =	vimm.s32 $0x0  }
.LBB2_82:
0x532: {  	s22 =	sshll.u32 s21, $0x6  }
0x533: {  	s23 =	sxor.u32 $0xF8000000, s21;
	s22 =	sshra.s32 s22, $0x2  }
0x534: {  	v12 =	vimm.s32 $0x0;
	v13 =	vimm.s32 $0x0;
	v14 =	vimm.s32 $0x0;
	s21 =	ssub.s32 $0x0, s23;
	s23 =	sshll.u32 s23, $0x4;
	s22 =	sadd.s32 $0xA100, s22  }
.LBB2_83:
0x535: {  	v15 =	vld [tilespmem:s22+$0x0];
	_ =	sdelay $0x4  }
0x536: {  	(xrf0) =	vadd.scan.msk.s32 $0xffff, v15;
	_ =	sdelay $0x5  }
0x537: {  	v16, _, _ =	vpop (xrf0)  }
0x538: {  	v17 =	vperm.xlane v16, v4;
	_ =	sdelay $0x1  }
0x539: {  	v14 =	vadd.s32 v14, v17  }
0x53a: {  	vm3 =	vlt.s32 v14, v9  }
0x53b: {  	v62 =	vsel vm3, $0x0, v5  }
0x53c: {  	(xrf0) =	vmax.scan.msk.f32 $0xffff, v62;
	_ =	sdelay $0x5  }
0x53d: {  	v17, _, _ =	vpop (xrf0)  }
0x53e: {  	(v2sf) =	vpush v17, $0xF;
	_ =	sdelay $0xa  }
0x53f: {  	v16 =	vsub.s32 v14, v16  }
0x540: {  	v16 =	vadd.s32 v15, v16  }
0x541: {  	vm3 =	vge.s32 v16, v9  }
0x542: {  	v63 =	vmpcnt.ones.xlane vm3  }
0x543: {  	p0 =	seq.s32 s21, $0x0;
	s25 =	spop (v2sf)  }
0x544: {  	v17 =	vadd.s32 $0xFFFFFFFF, v63;
	p2 =	sgt.f32 @!p0 s25, $0.0e+00  }
0x545: {  	vm3 =	vgt.s32 v17, $0x0  }
0x546: {  	v17 =	vnsel vm3, $0x0, v17;
	p2 =	por p0, p2  }
.Ltmp46:
0x547: {  	v16 =	vperm.xlane v16, v17;
	v15 =	vperm.xlane v15, v17;
	(pc) =	sbr.rel @!p2 .LBB2_83-.Ltmp46, $4  }
0x548: {  	p1 =	sgt.f32 s25, $0.0e+00  }
0x549: {  	v16 =	vsub.s32 v15, v16  }
0x54a: {  	v17 =	vadd.s32 s23, v17;
	v16 =	vpsel !p1, $0x0, v16  }
0x54b: {  	s21 =	sadd.s32 $0x1, s21;
	s22 =	sadd.s32 $0xFFFFFFF0, s22;
	s23 =	sadd.s32 $0xFFFFFFF0, s23;
	v13 =	vpsel p1, v17, v13;
	v12 =	vpsel p1, v15, v12;
	v9 =	vadd.s32 v9, v16  }
0x54c: {  	v13 =	vpsel p0, v13, v13;
	v9 =	vpsel p0, v9, v9;
	v12 =	vpsel p0, v12, v12  }
.LBB2_85:
0x54d: {  	p0 =	seq.s32 s20, $0x1  }
0x54e: {  	vm3 =	veq.s32 v12, v9;
	s20 =	simm.s32 @!p0 $0x4  }
0x54f: {  	v12 =	vsel vm3, $0x3F800000, v3;
	_ =	swait.ge @!p0 [sflag:s20], $0x1000  }
0x550: {  	(xrf0) =	vmax.scan.msk.f32 $0xffff, v12;
	_ =	sdelay $0x5  }
0x551: {  	v12, _, _ =	vpop (xrf0)  }
0x552: {  	(v2sf) =	vpush v12, $0xF;
	_ =	sdelay $0xe  }
0x553: {  	s21 =	spop (v2sf)  }
0x554: {  	p1 =	sgt.f32 s21, $0.0e+00  }
.Ltmp47:
0x555: {  	_ = 	snop;
	(pc) =	sbr.rel @p1 .LBB2_86-.Ltmp47, $3  }
0x556: {  	_ =	sdelay $0x1  }
0x557: {  	v10 =	vshll.u32 v10, $0xA;
	[sflag:s20] =	ssyncset.done @!p0 $0x0  }
0x558: {  	v10 =	vor.u32 v10, v13;
	[sflag:s20] =	ssyncadd.s32 @!p0 $0xFFFFF000  }
0x559: {  	s22 =	simm.s32 $0x0  }
0x55a: {  	v12 =	vld [tilespmem:s22+$0x6800];
	_ =	sdelay $0x4  }
0x55b: {  	vm3 =	veq.s32 v12, v10  }
0x55c: {  	s20 =	simm.s32 $0x10;
	v13 =	vsel vm3, $0x1, v1  }
0x55d: {  	(xrf0) =	vadd.scan.msk.s32 $0xffff, v13;
	v13 =	vld [tilespmem:s20+$0x6800];
	_ =	sdelay $0x3  }
0x55e: {  	s21 =	simm.s32 $0x20  }
0x55f: {  	v15 =	vld [tilespmem:s21+$0x6800];
	vm5 =	veq.s32 v13, v10  }
0x560: {  	vm6 =	vgt.u32 v13, v10;
	v13 =	vsel vm5, $0x1, v1  }
0x561: {  	v17 =	vld [tilespmem:s22+$0x1800];
	vm4 =	vgt.u32 v12, v10;
	v12, _, _ =	vpop (xrf0);
	(xrf0) =	vadd.scan.msk.s32 $0xffff, v13  }
0x562: {  	vm4 =	vmmov vm4;
	vm3 =	vmmov vm3;
	v11 =	vadd.s32 v11, v12  }
0x563: {  	vm7 =	vmmov vm4;
	vm8 =	vmmov vm6;
	vm4 =	vle.s32 v11, v9  }
0x564: {  	s23 =	simm.s32 $0x30;
	vm6 =	vgt.u32 v15, v10;
	v12 =	vld [tilespmem:s20+$0x1800];
	v14 =	vperm.xlane v11, v4;
	vm9 =	vmand vm3, vm4  }
0x565: {  	v13 =	vld [tilespmem:s23+$0x6800];
	vm3 =	vmmov vm5;
	vm4 =	veq.s32 v15, v10;
	vm5 =	vmor vm7, vm9  }
0x566: {  	s25 =	simm.s32 $0x100;
	v11 =	vld [tilespmem:s21+$0x1800];
	v16 =	vsel vm4, $0x1, v1;
	v15 =	vsel vm5, $0x0, v17;
	vm5 =	vmmov vm8  }
.LBB2_90:
0x567: {  	p0 =	sne.s32 s25, $0x3FC0;
	v17 =	vld [tilespmem:s23+$0x1800];
	(xrf0) =	vadd.scan.msk.s32 $0xffff, v16;
	v16, _, _ =	vpop (xrf0);
	[tilespmem:s22+$0x8800] =	vst v15;
	vm7 =	vmmov vm6;
	s26 =	smov.u32 s25;
	s25 =	sadd.s32 $0x40, s25  }
.Ltmp48:
0x568: {  	s22 =	smov.u32 s20;
	s20 =	smov.u32 s21;
	v14 =	vadd.s32 v14, v16;
	(pc) =	sbr.rel @p0 .LBB2_90-.Ltmp48, $4  }
0x569: {  	s21 =	smov.u32 s23;
	vm6 =	vle.s32 v14, v9;
	v14 =	vperm.xlane v14, v4  }
0x56a: {  	vm8 =	vmand vm3, vm6;
	vm3 =	vmmov vm4  }
0x56b: {  	s23 =	sshra.s32 s26, $0x2;
	vm4 =	veq.s32 v13, v10;
	vm6 =	vgt.u32 v13, v10;
	vm5 =	vmor vm5, vm8  }
0x56c: {  	v13 =	vld [tilespmem:s23+$0x6800];
	v16 =	vsel vm4, $0x1, v1;
	v15 =	vsel vm5, $0x0, v12;
	v12 =	vmovc v11;
	v11 =	vmovc v17;
	vm5 =	vmmov vm7  }
0x56d: {  	_ =	sdelay $0x2  }
0x56e: {  	(xrf0) =	vadd.scan.msk.s32 $0xffff, v16  }
0x56f: {  	vm7 =	veq.s32 v13, v10  }
0x570: {  	v59 =	vsel vm7, $0x1, v1  }
0x571: {  	v17, _, _ =	vpop (xrf0);
	(xrf0) =	vadd.scan.msk.s32 $0xffff, v59  }
0x572: {  	v14 =	vadd.s32 v14, v17  }
0x573: {  	v60 =	vperm.xlane v14, v4  }
0x574: {  	vm8 =	vle.s32 v14, v9;
	v61, _, _ =	vpop (xrf0)  }
0x575: {  	vm6 =	vmmov vm6;
	vm3 =	vmand vm3, vm8;
	v14 =	vadd.s32 v60, v61  }
0x576: {  	vm4 =	vmmov vm4;
	vm3 =	vmor vm5, vm3;
	v16 =	vperm.xlane v14, v4  }
0x577: {  	v62 =	vld [tilespmem:s23+$0x1800];
	vm10 =	vgt.u32 v13, v10;
	v10 =	vsel vm3, $0x0, v12;
	vm3 =	vmmov vm6;
	v63, _, _ =	vpop (xrf0)  }
0x578: {  	vm5 =	vmmov vm10;
	vm11 =	vle.s32 v14, v9;
	v12 =	vadd.s32 v16, v63  }
.Ltmp49:
0x579: {  	vm12 =	vmmov vm7;
	vm4 =	vmand vm4, vm11;
	vm13 =	vle.s32 v12, v9;
	(pc) =	sbr.rel .LBB2_92-.Ltmp49, $4  }
0x57a: {  	[tilespmem:s22+$0x8800] =	vst v15;
	vm14 =	vmmov vm5;
	vm3 =	vmor vm3, vm4;
	vm15 =	vmand vm12, vm13  }
0x57b: {  	[tilespmem:s20+$0x8800] =	vst v10;
	v9 =	vsel vm3, $0x0, v11;
	vm3 =	vmor vm14, vm15  }
0x57c: {  	[tilespmem:s21+$0x8800] =	vst v9;
	v9 =	vsel vm3, $0x0, v62  }
0x57d: {  	[tilespmem:s23+$0x8800] =	vst v9  }
.LBB2_86:
0x57e: {  	s21 =	simm.s32 $0x6840  }
0x57f: {  	s20 =	simm.s32 $0x1840;
	v9 =	vld [tilespmem:s21+$0x30]  }
0x580: {  	v12 =	vld [tilespmem:s20+$0x30]  }
0x581: {  	v13 =	vld [tilespmem:s21+$0xFFFFFFD0]  }
0x582: {  	v14 =	vld [tilespmem:s21+$0xFFFFFFE0]  }
0x583: {  	v15 =	vld [tilespmem:s21+$0xFFFFFFF0]  }
0x584: {  	v16 =	vld [tilespmem:s21+$0x0]  }
0x585: {  	v17 =	vld [tilespmem:s21+$0x10]  }
0x586: {  	v18 =	vld [tilespmem:s21+$0x20]  }
0x587: {  	v19 =	vld [tilespmem:s21+$0xFFFFFFC0]  }
0x588: {  	v20 =	vld [tilespmem:s20+$0xFFFFFFC0]  }
0x589: {  	v21 =	vld [tilespmem:s20+$0xFFFFFFD0]  }
0x58a: {  	v11 =	vld [tilespmem:s20+$0xFFFFFFE0]  }
0x58b: {  	vm3 =	vlt.u32 v9, v10;
	vm8 =	vlt.u32 v13, v10;
	v9 =	vld [tilespmem:s20+$0xFFFFFFF0]  }
0x58c: {  	s21 =	simm.s32 $0x8840;
	vm6 =	vlt.u32 v14, v10;
	v13 =	vnsel vm3, $0x0, v12;
	vm3 =	vlt.u32 v19, v10;
	v12 =	vld [tilespmem:s20+$0x0]  }
0x58d: {  	vm7 =	vlt.u32 v15, v10;
	vm4 =	vlt.u32 v16, v10;
	[tilespmem:s21+$0x30] =	vst v13;
	v14 =	vnsel vm3, $0x0, v20;
	v13 =	vld [tilespmem:s20+$0x10]  }
0x58e: {  	s22 =	simm.s32 $0x0;
	s23 =	simm.s32 $0x68C0;
	vm5 =	vlt.u32 v17, v10;
	v15 =	vnsel vm8, $0x0, v21;
	vm3 =	vlt.u32 v18, v10;
	[tilespmem:s21+$0xFFFFFFC0] =	vst v14;
	v14 =	vld [tilespmem:s20+$0x20]  }
.LBB2_87:
0x58f: {  	v16 =	vld [tilespmem:s23+$0x30];
	s22 =	sadd.s32 $0x8, s22;
	[tilespmem:s21+$0xFFFFFFD0] =	vst v15;
	v11 =	vnsel vm6, $0x0, v11;
	s20 =	sadd.s32 $0x80, s20  }
0x590: {  	v15 =	vld [tilespmem:s20+$0x30];
	p0 =	slt.u32 s22, $0xF8;
	[tilespmem:s21+$0xFFFFFFE0] =	vst v11;
	v9 =	vnsel vm7, $0x0, v9  }
0x591: {  	v11 =	vld [tilespmem:s23+$0xFFFFFFD0];
	[tilespmem:s21+$0xFFFFFFF0] =	vst v9;
	v9 =	vnsel vm4, $0x0, v12  }
0x592: {  	v12 =	vld [tilespmem:s23+$0xFFFFFFE0];
	[tilespmem:s21+$0x0] =	vst v9;
	v9 =	vnsel vm5, $0x0, v13  }
0x593: {  	v13 =	vld [tilespmem:s23+$0xFFFFFFF0];
	[tilespmem:s21+$0x10] =	vst v9;
	v9 =	vnsel vm3, $0x0, v14  }
0x594: {  	v14 =	vld [tilespmem:s23+$0x0];
	vm3 =	vlt.u32 v16, v10;
	[tilespmem:s21+$0x20] =	vst v9  }
0x595: {  	s21 =	sadd.s32 $0x80, s21;
	v9 =	vld [tilespmem:s23+$0x10];
	v15 =	vnsel vm3, $0x0, v15  }
0x596: {  	vm8 =	vlt.u32 v11, v10;
	v16 =	vld [tilespmem:s23+$0x20];
	[tilespmem:s21+$0x30] =	vst v15  }
0x597: {  	v15 =	vld [tilespmem:s23+$0xFFFFFFC0];
	vm6 =	vlt.u32 v12, v10  }
0x598: {  	v17 =	vld [tilespmem:s20+$0xFFFFFFC0];
	vm7 =	vlt.u32 v13, v10  }
0x599: {  	v18 =	vld [tilespmem:s20+$0xFFFFFFD0];
	vm4 =	vlt.u32 v14, v10  }
.Ltmp50:
0x59a: {  	v11 =	vld [tilespmem:s20+$0xFFFFFFE0];
	vm5 =	vlt.u32 v9, v10;
	(pc) =	sbr.rel @p0 .LBB2_87-.Ltmp50, $4  }
0x59b: {  	v9 =	vld [tilespmem:s20+$0xFFFFFFF0];
	vm3 =	vlt.u32 v16, v10  }
0x59c: {  	vm9 =	vlt.u32 v15, v10;
	v12 =	vld [tilespmem:s20+$0x0]  }
0x59d: {  	v14 =	vnsel vm9, $0x0, v17;
	v13 =	vld [tilespmem:s20+$0x10]  }
0x59e: {  	s23 =	sadd.s32 $0x80, s23;
	[tilespmem:s21+$0xFFFFFFC0] =	vst v14;
	v15 =	vnsel vm8, $0x0, v18;
	v14 =	vld [tilespmem:s20+$0x20]  }
0x59f: {  	[tilespmem:s21+$0xFFFFFFD0] =	vst v15;
	v10 =	vnsel vm6, $0x0, v11  }
.Ltmp51:
0x5a0: {  	[tilespmem:s21+$0xFFFFFFE0] =	vst v10;
	v9 =	vnsel vm7, $0x0, v9;
	(pc) =	sbr.rel .LBB2_92-.Ltmp51, $4  }
0x5a1: {  	[tilespmem:s21+$0xFFFFFFF0] =	vst v9;
	v9 =	vnsel vm4, $0x0, v12  }
0x5a2: {  	[tilespmem:s21+$0x0] =	vst v9;
	v9 =	vnsel vm5, $0x0, v13  }
0x5a3: {  	[tilespmem:s21+$0x10] =	vst v9;
	v9 =	vnsel vm3, $0x0, v14  }
0x5a4: {  	[tilespmem:s21+$0x20] =	vst v9  }
.LBB2_94:
0x5a5: {  	_ =	sfence.sel $0x180000  }
0x5a6: {  	[bflag:$0x0] =	sbarrier.arrive $0xFFFF  }
0x5a7: {  	_ =	strace $0x90000047  }
0x5a8: {  	s0 =	stileid.u32;
	[bflag:$0x2] =	sbarrier.arrive $0xFFFF  }
0x5a9: {  	p0 =	sne.s32 s0, $0x0;
	s0 =	rddreg [dreg:$0x4]  }
0x5aa: {  	s0 =	sadd.s32 @!p0 $0x100000, s0  }
0x5ab: {  	[sflag:s0] =	ssyncadd.tile.s32 @!p0 $0x1;
	_ =	shalt  }
.Lfunc_end2:
_tile_overlayer_lowered:
.L_overlay_start_2:
0x5ac: {  	(tag) =	ssettag $0x2  }
0x5ad: {  	s0 =	rddreg [dreg:$0x0];
	s2 =	stileid.u32  }
0x5ae: {  	s1 =	rddreg [dreg:$0x1];
	p0 =	sne.s32 s2, $0x0  }
0x5af: {  	s3 =	rddreg [dreg:$0x2];
	[bflag:$0x3] =	sbarrier.arrive $0xFFFF;
	s2 =	simm.s32 @!p0 $0x1C05  }
0x5b0: {  	[timem:s3], [sflag:s2] =	dma.local @!p0 [hbm:s0], s1  }
0x5b1: {  	s0 =	simm.s32 @!p0 $0x5  }
0x5b2: {  	_ =	swait.ge @!p0 [sflag:s0], s1  }
0x5b3: {  	s1 =	ssub.s32 @!p0 $0x0, s1;
	[sflag:s0] =	ssyncset.done @!p0 $0x0  }
0x5b4: {  	[sflag:s0] =	ssyncadd.s32 @!p0 s1  }
0x5b5: {  	[bflag:$0x3] =	sbarrier.arrive $0xFFFF  }
0x5b6: {  	_ =	shalt  }

</sc_bundles>
